<compile_context>
chip_gen: v7x
topology: tpu7x:2x2x1
jax: 0.10.2.dev20260603
libtpu: 0.0.44.dev20260713+nightly
codegen_flags: <defaults>
</compile_context>

<pallas_src>
import functools

import jax
import jax.numpy as jnp
from jax import lax
from jax.experimental import pallas as pl
from jax.experimental.pallas import tpu as pltpu
from jax.experimental.pallas import tpu_sc as plsc

N = 10000
E = 320000
F = 128
OUT = 64
NP = 10112
NC = 2
NS = 16
NT = NC * NS
EPT = E // NT
K = 125
NCHUNK = EPT // K
CK = 80
ROWS_PT = NP // NS
CPW = ROWS_PT // CK
CPT = ROWS_PT - CPW * CK
DEG_G = 10
R = 632
GRID = NP // R


def _mesh():
    return plsc.VectorSubcoreMesh(
        core_axis_name="c", subcore_axis_name="s",
        num_cores=NC, num_subcores=NS)



def _sc_deg(eidx):

    @functools.partial(
        pl.kernel,
        out_type=jax.ShapeDtypeStruct((NC * NP, F), jnp.float32),
        mesh=_mesh(),
        scratch_types=[
            pltpu.VMEM((NCHUNK, K), jnp.int32),
            pltpu.VMEM((K, F), jnp.float32),
            pltpu.VMEM((K, F), jnp.float32),
            pltpu.VMEM_SHARED((NP, F), jnp.float32),
            pltpu.SemaphoreType.DMA,
        ],
    )
    def deg_kernel(eidx_hbm, out_hbm, didxb, ones_v, zbuf, acc, ssem):
        c = lax.axis_index("c")
        s = lax.axis_index("s")
        wid = c * NS + s
        one16 = jnp.full((16,), 1.0, jnp.float32)
        zero16 = jnp.zeros((16,), jnp.float32)

        def fill(i, carry):
            for j in range(F // 16):
                zbuf[i, pl.ds(j * 16, 16)] = zero16
                ones_v[i, pl.ds(j * 16, 16)] = one16
            return carry

        lax.fori_loop(0, K, fill, 0)

        def z2(t, carry):
            pltpu.sync_copy(zbuf.at[pl.ds(0, CK)],
                            acc.at[pl.ds(s * ROWS_PT + t * CK, CK)])
            return carry

        lax.fori_loop(0, CPW, z2, 0)
        pltpu.sync_copy(zbuf.at[pl.ds(0, CPT)],
                        acc.at[pl.ds(s * ROWS_PT + CPW * CK, CPT)])
        pltpu.sync_copy(eidx_hbm.at[wid, 1], didxb)
        plsc.subcore_barrier()

        def group(g, carry):
            for t in range(DEG_G):
                pltpu.async_copy(
                    ones_v, acc.at[didxb.at[g * DEG_G + t]], ssem, add=True)
            for t in range(DEG_G):
                pltpu.make_async_copy(
                    ones_v, acc.at[didxb.at[g * DEG_G + t]], ssem).wait()
            return carry

        lax.fori_loop(0, NCHUNK // DEG_G, group, 0)
        plsc.subcore_barrier()

        def cp(t, carry):
            base = s * ROWS_PT + t * CK
            pltpu.sync_copy(acc.at[pl.ds(base, CK)], zbuf.at[pl.ds(0, CK)])
            pltpu.sync_copy(zbuf.at[pl.ds(0, CK)],
                            out_hbm.at[pl.ds(c * NP + base, CK)])
            return carry

        lax.fori_loop(0, CPW, cp, 0)
        tbase = s * ROWS_PT + CPW * CK
        pltpu.sync_copy(acc.at[pl.ds(tbase, CPT)], zbuf.at[pl.ds(0, CPT)])
        pltpu.sync_copy(zbuf.at[pl.ds(0, CPT)],
                        out_hbm.at[pl.ds(c * NP + tbase, CPT)])

    return deg_kernel(eidx)


def _sc_scatter(h, eidx):

    @functools.partial(
        pl.kernel,
        out_type=jax.ShapeDtypeStruct((NC * NP, F), jnp.float32),
        mesh=_mesh(),
        scratch_types=[
            pltpu.VMEM((NCHUNK, K), jnp.int32),
            pltpu.VMEM((NCHUNK, K), jnp.int32),
            pltpu.VMEM((K, F), jnp.float32),
            pltpu.VMEM_SHARED((NP, F), jnp.float32),
            pltpu.SemaphoreType.DMA,
        ],
    )
    def scat_kernel(h_hbm, eidx_hbm, out_hbm, sidxb, didxb, rowsb, acc, gsem):
        c = lax.axis_index("c")
        s = lax.axis_index("s")
        wid = c * NS + s
        zero16 = jnp.zeros((16,), jnp.float32)

        def z1(i, carry):
            for j in range(F // 16):
                rowsb[i, pl.ds(j * 16, 16)] = zero16
            return carry

        lax.fori_loop(0, K, z1, 0)

        def z2(t, carry):
            pltpu.sync_copy(rowsb.at[pl.ds(0, CK)],
                            acc.at[pl.ds(s * ROWS_PT + t * CK, CK)])
            return carry

        lax.fori_loop(0, CPW, z2, 0)
        pltpu.sync_copy(rowsb.at[pl.ds(0, CPT)],
                        acc.at[pl.ds(s * ROWS_PT + CPW * CK, CPT)])
        pltpu.sync_copy(eidx_hbm.at[wid, 0], sidxb)
        pltpu.sync_copy(eidx_hbm.at[wid, 1], didxb)
        plsc.subcore_barrier()

        def chunk(j, carry):
            pltpu.async_copy(h_hbm.at[sidxb.at[j]], rowsb, gsem).wait()
            pltpu.sync_copy(rowsb, acc.at[didxb.at[j]], add=True)
            return carry

        lax.fori_loop(0, NCHUNK, chunk, 0)
        plsc.subcore_barrier()

        def cp(t, carry):
            base = s * ROWS_PT + t * CK
            pltpu.sync_copy(acc.at[pl.ds(base, CK)], rowsb.at[pl.ds(0, CK)])
            pltpu.sync_copy(rowsb.at[pl.ds(0, CK)],
                            out_hbm.at[pl.ds(c * NP + base, CK)])
            return carry

        lax.fori_loop(0, CPW, cp, 0)
        tbase = s * ROWS_PT + CPW * CK
        pltpu.sync_copy(acc.at[pl.ds(tbase, CPT)], rowsb.at[pl.ds(0, CPT)])
        pltpu.sync_copy(rowsb.at[pl.ds(0, CPT)],
                        out_hbm.at[pl.ds(c * NP + tbase, CPT)])

    return scat_kernel(h, eidx)



def _dinv(d0, d1):
    return lax.rsqrt(1.0 + d0[:, 0:1] + d1[:, 0:1])


def _prep_body(x_ref, w_ref, d0, d1, h1p_ref):
    dinv = _dinv(d0[...], d1[...])
    h = jnp.dot(x_ref[...], w_ref[...], preferred_element_type=jnp.float32)
    h1p_ref[...] = h * dinv


def _layer_body(a0, a1, hp, d0, d1, bias, w, xl_ref, hn_ref):
    dinv = _dinv(d0[...], d1[...])
    agg = a0[...] + a1[...] + hp[...]
    xl = jnp.maximum(agg * dinv + bias[...], 0.0)
    xl_ref[...] = xl
    hn_ref[...] = jnp.dot(
        xl, w[...], preferred_element_type=jnp.float32) * dinv


def _final_body(a0, a1, hp, d0, d1, bias, x1, x2, wout, bout, out_ref):
    dinv = _dinv(d0[...], d1[...])
    agg = a0[...] + a1[...] + hp[...]
    x3 = jnp.maximum(agg * dinv + bias[...], 0.0)
    xj = jnp.maximum(x1[...], jnp.maximum(x2[...], x3))
    out_ref[...] = jnp.dot(
        xj, wout[...], preferred_element_type=jnp.float32) + bout[...]


def _row_spec(width):
    return pl.BlockSpec((R, width), lambda i: (i, 0))


def _half_specs(width):
    return (pl.BlockSpec((R, width), lambda i: (i, 0)),
            pl.BlockSpec((R, width), lambda i: (GRID + i, 0)))


def _full_spec(shape):
    return pl.BlockSpec(shape, lambda i: (0, 0))


def _tc_prep(x_p, W1, deg_flat):
    d0s, d1s = _half_specs(F)
    return pl.pallas_call(
        _prep_body,
        grid=(GRID,),
        in_specs=[_row_spec(F), _full_spec((F, F)), d0s, d1s],
        out_specs=_row_spec(F),
        out_shape=jax.ShapeDtypeStruct((NP, F), jnp.float32),
    )(x_p, W1, deg_flat, deg_flat)


def _tc_layer(acc_flat, hp, deg_flat, bias, W):
    a0s, a1s = _half_specs(F)
    d0s, d1s = _half_specs(F)
    return pl.pallas_call(
        _layer_body,
        grid=(GRID,),
        in_specs=[a0s, a1s, _row_spec(F), d0s, d1s,
                  _full_spec((1, F)), _full_spec((F, F))],
        out_specs=(_row_spec(F), _row_spec(F)),
        out_shape=(jax.ShapeDtypeStruct((NP, F), jnp.float32),
                   jax.ShapeDtypeStruct((NP, F), jnp.float32)),
    )(acc_flat, acc_flat, hp, deg_flat, deg_flat, bias, W)


def _tc_final(acc_flat, hp, deg_flat, bias, x1, x2, Wout, bout):
    a0s, a1s = _half_specs(F)
    d0s, d1s = _half_specs(F)
    return pl.pallas_call(
        _final_body,
        grid=(GRID,),
        in_specs=[a0s, a1s, _row_spec(F), d0s, d1s, _full_spec((1, F)),
                  _row_spec(F), _row_spec(F),
                  _full_spec((F, OUT)), _full_spec((1, OUT))],
        out_specs=_row_spec(OUT),
        out_shape=jax.ShapeDtypeStruct((NP, OUT), jnp.float32),
    )(acc_flat, acc_flat, hp, deg_flat, deg_flat, bias, x1, x2, Wout, bout)



def kernel(x, edge_index, W1, b1, W2, b2, W3, b3, Wout, bout):
    x_p = jnp.pad(x, ((0, NP - N), (0, 0)))
    b1r = jnp.reshape(b1, (1, F))
    b2r = jnp.reshape(b2, (1, F))
    b3r = jnp.reshape(b3, (1, F))
    boutr = jnp.reshape(bout, (1, OUT))

    eidx = jnp.transpose(
        jnp.reshape(edge_index, (2, NT, NCHUNK, K)), (1, 0, 2, 3))
    deg_flat = _sc_deg(eidx)

    h1p = _tc_prep(x_p, W1, deg_flat)
    acc1 = _sc_scatter(h1p, eidx)
    x1, h2p = _tc_layer(acc1, h1p, deg_flat, b1r, W2)
    acc2 = _sc_scatter(h2p, eidx)
    x2, h3p = _tc_layer(acc2, h2p, deg_flat, b2r, W3)
    acc3 = _sc_scatter(h3p, eidx)
    out = _tc_final(acc3, h3p, deg_flat, b3r, x1, x2, Wout, boutr)
    return out[:N]

# --- scband reference (transcript-rebuilt; emitter-appended) ---
"""Pipeline reference for scband-gcn-jk-model-74337293959433 (READ-ONLY COPY).

The authoritative reference and input builder live on the scoring server;
editing this copy changes nothing except your own understanding.
"""

import jax, jax.numpy as jnp
import numpy as np

N_NODES = 10000
N_EDGES = 320000
D_FEAT = 128
HIDDEN = 128
OUT = 64
LAYERS = 3


def setup_inputs(seed: int = 0) -> dict:
    key = jax.random.key(seed)
    ks = jax.random.split(key, 12)
    x = jax.random.normal(ks[0], (N_NODES, D_FEAT), dtype=jnp.float32)
    edge_index = jax.random.randint(ks[1], (2, N_EDGES), 0, N_NODES, dtype=jnp.int32)
    s1 = 1.0 / np.sqrt(D_FEAT)
    s2 = 1.0 / np.sqrt(HIDDEN)
    W1 = jax.random.normal(ks[2], (D_FEAT, HIDDEN), dtype=jnp.float32) * s1
    b1 = jnp.zeros((HIDDEN,), dtype=jnp.float32)
    W2 = jax.random.normal(ks[3], (HIDDEN, HIDDEN), dtype=jnp.float32) * s2
    b2 = jnp.zeros((HIDDEN,), dtype=jnp.float32)
    W3 = jax.random.normal(ks[4], (HIDDEN, HIDDEN), dtype=jnp.float32) * s2
    b3 = jnp.zeros((HIDDEN,), dtype=jnp.float32)
    Wout = jax.random.normal(ks[5], (HIDDEN, OUT), dtype=jnp.float32) * s2
    bout = jnp.zeros((OUT,), dtype=jnp.float32)
    return {"x": x, "edge_index": edge_index, "W1": W1, "b1": b1, "W2": W2, "b2": b2, "W3": W3, "b3": b3, "Wout": Wout, "bout": bout}


def gcn_conv(x, src, dst, W, b):
    # PyG GCNConv: h = x @ W; add self-loops; symmetric normalization; scatter-add; + bias
    n = x.shape[0]
    h = x @ W
    loop = jnp.arange(n, dtype=src.dtype)
    s = jnp.concatenate([src, loop])
    d = jnp.concatenate([dst, loop])
    deg = jax.ops.segment_sum(jnp.ones_like(s, dtype=h.dtype), d, num_segments=n)
    dinv = jnp.where(deg > 0, deg ** -0.5, 0.0)
    norm = dinv[s] * dinv[d]
    msg = h[s] * norm[:, None]
    out = jax.ops.segment_sum(msg, d, num_segments=n)
    return out + b


def reference(x, edge_index, W1, b1, W2, b2, W3, b3, Wout, bout):
    src = edge_index[0]
    dst = edge_index[1]
    x1 = jax.nn.relu(gcn_conv(x, src, dst, W1, b1))
    x2 = jax.nn.relu(gcn_conv(x1, src, dst, W2, b2))
    x3 = jax.nn.relu(gcn_conv(x2, src, dst, W3, b3))
    # JumpingKnowledge mode='max': elementwise max over layer outputs
    xj = jnp.max(jnp.stack([x1, x2, x3], axis=0), axis=0)
    return xj @ Wout + bout

if __name__ == "__main__":
    import jax
    _d = setup_inputs()
    print(jax.jit(kernel)(*tuple(_d.values())))

</pallas_src>

<mosaic_0001>
#map = affine_map<(d0, d1) -> (0, 0)>
#map1 = affine_map<(d0, d1) -> (0, 0, 0, 0)>
module attributes {stable_mosaic.version = 14 : i64} {
  func.func @scat_kernel(%arg0: i32, %arg1: i32, %arg2: memref<10112x128xf32, #tpu.memory_space<hbm>>, %arg3: memref<32x2x80x125xi32, #tpu.memory_space<hbm>>, %arg4: memref<20224x128xf32, #tpu.memory_space<hbm>>, %arg5: memref<80x125xi32, #tpu.memory_space<vmem>>, %arg6: memref<80x125xi32, #tpu.memory_space<vmem>>, %arg7: memref<125x128xf32, #tpu.memory_space<vmem>>, %arg8: memref<10112x128xf32, #tpu.memory_space<vmem_shared>>, %arg9: memref<!tpu.dma_semaphore, #tpu.memory_space<semaphore_mem>>) attributes {dimension_semantics = [#tpu.dimension_semantics<core_parallel>, #tpu.dimension_semantics<subcore_parallel>], iteration_bounds = array<i64: 2, 16>, scalar_prefetch = 0 : i64, scratch_operands = 5 : i64, tpu.core_type = #tpu.core_type<sc_vector_subcore>, window_params = [{transform_indices = #map}, {transform_indices = #map1}, {transform_indices = #map}]} {
    %mul3A = arith.constant 16 : i32
    %mul3A_0 = arith.muli %arg0, %mul3A : i32
    %add3A = arith.addi %mul3A_0, %arg1 : i32
    %broadcast_in_dim3A = arith.constant 0.000000e+00 : f32
    %broadcast_in_dim3A_1 = vector.broadcast %broadcast_in_dim3A : f32 to vector<16xf32>
    %scan3A = arith.constant 0 : i32
    %scan3A_2 = arith.constant 0 : i32
    %scan3A_3 = arith.constant 125 : i32
    %scan3A_4 = arith.addi %scan3A_2, %scan3A_3 : i32
    %scan3A_5 = arith.constant 1 : i32
    scf.for %scan3A_38 = %scan3A_2 to %scan3A_4 step %scan3A_5  : i32 {
      %swap3A = arith.index_cast %scan3A_38 : i32 to index
      %swap3A_39 = arith.constant 0 : index
      %swap3A_40 = tpu.vector_load %arg7[%swap3A, %swap3A_39] {strides = array<i32>} : memref<125x128xf32, #tpu.memory_space<vmem>>, vector<1x16xf32>,
      %swap3A_41 = vector.shape_cast %swap3A_40 : vector<1x16xf32> to vector<16xf32>
      %swap3A_42 = vector.shape_cast %broadcast_in_dim3A_1 : vector<16xf32> to vector<1x16xf32>
      tpu.vector_store %arg7[%swap3A, %swap3A_39], %swap3A_42 {strides = array<i32>} : memref<125x128xf32, #tpu.memory_space<vmem>>, vector<1x16xf32>,
      %swap3A_43 = arith.index_cast %scan3A_38 : i32 to index
      %swap3A_44 = arith.constant 16 : index
      %swap3A_45 = tpu.vector_load %arg7[%swap3A_43, %swap3A_44] {strides = array<i32>} : memref<125x128xf32, #tpu.memory_space<vmem>>, vector<1x16xf32>,
      %swap3A_46 = vector.shape_cast %swap3A_45 : vector<1x16xf32> to vector<16xf32>
      %swap3A_47 = vector.shape_cast %broadcast_in_dim3A_1 : vector<16xf32> to vector<1x16xf32>
      tpu.vector_store %arg7[%swap3A_43, %swap3A_44], %swap3A_47 {strides = array<i32>} : memref<125x128xf32, #tpu.memory_space<vmem>>, vector<1x16xf32>,
      %swap3A_48 = arith.index_cast %scan3A_38 : i32 to index
      %swap3A_49 = arith.constant 32 : index
      %swap3A_50 = tpu.vector_load %arg7[%swap3A_48, %swap3A_49] {strides = array<i32>} : memref<125x128xf32, #tpu.memory_space<vmem>>, vector<1x16xf32>,
      %swap3A_51 = vector.shape_cast %swap3A_50 : vector<1x16xf32> to vector<16xf32>
      %swap3A_52 = vector.shape_cast %broadcast_in_dim3A_1 : vector<16xf32> to vector<1x16xf32>
      tpu.vector_store %arg7[%swap3A_48, %swap3A_49], %swap3A_52 {strides = array<i32>} : memref<125x128xf32, #tpu.memory_space<vmem>>, vector<1x16xf32>,
      %swap3A_53 = arith.index_cast %scan3A_38 : i32 to index
      %swap3A_54 = arith.constant 48 : index
      %swap3A_55 = tpu.vector_load %arg7[%swap3A_53, %swap3A_54] {strides = array<i32>} : memref<125x128xf32, #tpu.memory_space<vmem>>, vector<1x16xf32>,
      %swap3A_56 = vector.shape_cast %swap3A_55 : vector<1x16xf32> to vector<16xf32>
      %swap3A_57 = vector.shape_cast %broadcast_in_dim3A_1 : vector<16xf32> to vector<1x16xf32>
      tpu.vector_store %arg7[%swap3A_53, %swap3A_54], %swap3A_57 {strides = array<i32>} : memref<125x128xf32, #tpu.memory_space<vmem>>, vector<1x16xf32>,
      %swap3A_58 = arith.index_cast %scan3A_38 : i32 to index
      %swap3A_59 = arith.constant 64 : index
      %swap3A_60 = tpu.vector_load %arg7[%swap3A_58, %swap3A_59] {strides = array<i32>} : memref<125x128xf32, #tpu.memory_space<vmem>>, vector<1x16xf32>,
      %swap3A_61 = vector.shape_cast %swap3A_60 : vector<1x16xf32> to vector<16xf32>
      %swap3A_62 = vector.shape_cast %broadcast_in_dim3A_1 : vector<16xf32> to vector<1x16xf32>
      tpu.vector_store %arg7[%swap3A_58, %swap3A_59], %swap3A_62 {strides = array<i32>} : memref<125x128xf32, #tpu.memory_space<vmem>>, vector<1x16xf32>,
      %swap3A_63 = arith.index_cast %scan3A_38 : i32 to index
      %swap3A_64 = arith.constant 80 : index
      %swap3A_65 = tpu.vector_load %arg7[%swap3A_63, %swap3A_64] {strides = array<i32>} : memref<125x128xf32, #tpu.memory_space<vmem>>, vector<1x16xf32>,
      %swap3A_66 = vector.shape_cast %swap3A_65 : vector<1x16xf32> to vector<16xf32>
      %swap3A_67 = vector.shape_cast %broadcast_in_dim3A_1 : vector<16xf32> to vector<1x16xf32>
      tpu.vector_store %arg7[%swap3A_63, %swap3A_64], %swap3A_67 {strides = array<i32>} : memref<125x128xf32, #tpu.memory_space<vmem>>, vector<1x16xf32>,
      %swap3A_68 = arith.index_cast %scan3A_38 : i32 to index
      %swap3A_69 = arith.constant 96 : index
      %swap3A_70 = tpu.vector_load %arg7[%swap3A_68, %swap3A_69] {strides = array<i32>} : memref<125x128xf32, #tpu.memory_space<vmem>>, vector<1x16xf32>,
      %swap3A_71 = vector.shape_cast %swap3A_70 : vector<1x16xf32> to vector<16xf32>
      %swap3A_72 = vector.shape_cast %broadcast_in_dim3A_1 : vector<16xf32> to vector<1x16xf32>
      tpu.vector_store %arg7[%swap3A_68, %swap3A_69], %swap3A_72 {strides = array<i32>} : memref<125x128xf32, #tpu.memory_space<vmem>>, vector<1x16xf32>,
      %swap3A_73 = arith.index_cast %scan3A_38 : i32 to index
      %swap3A_74 = arith.constant 112 : index
      %swap3A_75 = tpu.vector_load %arg7[%swap3A_73, %swap3A_74] {strides = array<i32>} : memref<125x128xf32, #tpu.memory_space<vmem>>, vector<1x16xf32>,
      %swap3A_76 = vector.shape_cast %swap3A_75 : vector<1x16xf32> to vector<16xf32>
      %swap3A_77 = vector.shape_cast %broadcast_in_dim3A_1 : vector<16xf32> to vector<1x16xf32>
      tpu.vector_store %arg7[%swap3A_73, %swap3A_74], %swap3A_77 {strides = array<i32>} : memref<125x128xf32, #tpu.memory_space<vmem>>, vector<1x16xf32>,
    }
    %scan3A_6 = arith.constant 125 : i32
    %scan3A_7 = arith.constant 0 : i32
    %scan3A_8 = arith.constant 0 : i32
    %scan3A_9 = arith.constant 7 : i32
    %scan3A_10 = arith.addi %scan3A_8, %scan3A_9 : i32
    %scan3A_11 = arith.constant 1 : i32
    scf.for %scan3A_38 = %scan3A_8 to %scan3A_10 step %scan3A_11  : i32 {
      %mul3A_39 = arith.constant 632 : i32
      %mul3A_40 = arith.muli %arg1, %mul3A_39 : i32
      %mul3A_41 = arith.constant 80 : i32
      %mul3A_42 = arith.muli %scan3A_38, %mul3A_41 : i32
      %add3A_43 = arith.addi %mul3A_40, %mul3A_42 : i32
      "tpu.region"() ({
        %run_scoped3A_44 = tpu.sem_alloc : memref<!tpu.dma_semaphore, #tpu.memory_space<semaphore_mem>>
        %dma_start3A = arith.constant 0 : i32
        %dma_start3A_45 = arith.constant 0 : i32
        %dma_start3A_46 = tpu.memref_slice %arg7[%dma_start3A, %dma_start3A_45] : memref<125x128xf32, #tpu.memory_space<vmem>> -> memref<80x128xf32, #tpu.memory_space<vmem>>
        %dma_start3A_47 = arith.constant 0 : i32
        %dma_start3A_48 = tpu.memref_slice %arg8[%add3A_43, %dma_start3A_47] : memref<10112x128xf32, #tpu.memory_space<vmem_shared>> -> memref<80x128xf32, #tpu.memory_space<vmem_shared>>
        %dma_start3A_49 = arith.constant 0 : i32
        %dma_start3A_50 = tpu.memref_slice %arg8[%add3A_43, %dma_start3A_49] : memref<10112x128xf32, #tpu.memory_space<vmem_shared>> -> memref<80x128xf32, #tpu.memory_space<vmem_shared>>
        %dma_start3A_51 = arith.constant 0 : i32
        %dma_start3A_52 = arith.constant 0 : i32
        %dma_start3A_53 = tpu.memref_slice %arg7[%dma_start3A_51, %dma_start3A_52] : memref<125x128xf32, #tpu.memory_space<vmem>> -> memref<80x128xf32, #tpu.memory_space<vmem>>
        tpu.enqueue_dma source(%dma_start3A_53 : memref<80x128xf32, #tpu.memory_space<vmem>>) target(%dma_start3A_50 : memref<80x128xf32, #tpu.memory_space<vmem_shared>>) target_semaphore(%run_scoped3A_44 : memref<!tpu.dma_semaphore, #tpu.memory_space<semaphore_mem>>)
        %dma_wait3A = arith.constant 0 : i32
        %dma_wait3A_54 = arith.constant 0 : i32
        %dma_wait3A_55 = tpu.memref_slice %arg7[%dma_wait3A, %dma_wait3A_54] : memref<125x128xf32, #tpu.memory_space<vmem>> -> memref<80x128xf32, #tpu.memory_space<vmem>>
        %dma_wait3A_56 = arith.constant 0 : i32
        %dma_wait3A_57 = tpu.memref_slice %arg8[%add3A_43, %dma_wait3A_56] : memref<10112x128xf32, #tpu.memory_space<vmem_shared>> -> memref<80x128xf32, #tpu.memory_space<vmem_shared>>
        %dma_wait3A_58 = arith.constant 0 : i32
        %dma_wait3A_59 = tpu.memref_slice %arg8[%add3A_43, %dma_wait3A_58] : memref<10112x128xf32, #tpu.memory_space<vmem_shared>> -> memref<80x128xf32, #tpu.memory_space<vmem_shared>>
        %dma_wait3A_60 = arith.constant 0 : i32
        %dma_wait3A_61 = arith.constant 0 : i32
        %dma_wait3A_62 = tpu.memref_slice %arg7[%dma_wait3A_60, %dma_wait3A_61] : memref<125x128xf32, #tpu.memory_space<vmem>> -> memref<80x128xf32, #tpu.memory_space<vmem>>
        tpu.wait_dma2 semaphore(%run_scoped3A_44 : memref<!tpu.dma_semaphore, #tpu.memory_space<semaphore_mem>>) src(%dma_wait3A_62 : memref<80x128xf32, #tpu.memory_space<vmem>>) dst(%dma_wait3A_59 : memref<80x128xf32, #tpu.memory_space<vmem_shared>>)
        tpu.yield
      }) : () -> ()
    }
    %scan3A_12 = arith.constant 7 : i32
    %mul3A_13 = arith.constant 632 : i32
    %mul3A_14 = arith.muli %arg1, %mul3A_13 : i32
    %add3A_15 = arith.constant 560 : i32
    %add3A_16 = arith.addi %mul3A_14, %add3A_15 : i32
    "tpu.region"() ({
      %run_scoped3A_38 = tpu.sem_alloc : memref<!tpu.dma_semaphore, #tpu.memory_space<semaphore_mem>>
      %dma_start3A = arith.constant 0 : i32
      %dma_start3A_39 = arith.constant 0 : i32
      %dma_start3A_40 = tpu.memref_slice %arg7[%dma_start3A, %dma_start3A_39] : memref<125x128xf32, #tpu.memory_space<vmem>> -> memref<72x128xf32, #tpu.memory_space<vmem>>
      %dma_start3A_41 = arith.constant 0 : i32
      %dma_start3A_42 = tpu.memref_slice %arg8[%add3A_16, %dma_start3A_41] : memref<10112x128xf32, #tpu.memory_space<vmem_shared>> -> memref<72x128xf32, #tpu.memory_space<vmem_shared>>
      %dma_start3A_43 = arith.constant 0 : i32
      %dma_start3A_44 = tpu.memref_slice %arg8[%add3A_16, %dma_start3A_43] : memref<10112x128xf32, #tpu.memory_space<vmem_shared>> -> memref<72x128xf32, #tpu.memory_space<vmem_shared>>
      %dma_start3A_45 = arith.constant 0 : i32
      %dma_start3A_46 = arith.constant 0 : i32
      %dma_start3A_47 = tpu.memref_slice %arg7[%dma_start3A_45, %dma_start3A_46] : memref<125x128xf32, #tpu.memory_space<vmem>> -> memref<72x128xf32, #tpu.memory_space<vmem>>
      tpu.enqueue_dma source(%dma_start3A_47 : memref<72x128xf32, #tpu.memory_space<vmem>>) target(%dma_start3A_44 : memref<72x128xf32, #tpu.memory_space<vmem_shared>>) target_semaphore(%run_scoped3A_38 : memref<!tpu.dma_semaphore, #tpu.memory_space<semaphore_mem>>)
      %dma_wait3A = arith.constant 0 : i32
      %dma_wait3A_48 = arith.constant 0 : i32
      %dma_wait3A_49 = tpu.memref_slice %arg7[%dma_wait3A, %dma_wait3A_48] : memref<125x128xf32, #tpu.memory_space<vmem>> -> memref<72x128xf32, #tpu.memory_space<vmem>>
      %dma_wait3A_50 = arith.constant 0 : i32
      %dma_wait3A_51 = tpu.memref_slice %arg8[%add3A_16, %dma_wait3A_50] : memref<10112x128xf32, #tpu.memory_space<vmem_shared>> -> memref<72x128xf32, #tpu.memory_space<vmem_shared>>
      %dma_wait3A_52 = arith.constant 0 : i32
      %dma_wait3A_53 = tpu.memref_slice %arg8[%add3A_16, %dma_wait3A_52] : memref<10112x128xf32, #tpu.memory_space<vmem_shared>> -> memref<72x128xf32, #tpu.memory_space<vmem_shared>>
      %dma_wait3A_54 = arith.constant 0 : i32
      %dma_wait3A_55 = arith.constant 0 : i32
      %dma_wait3A_56 = tpu.memref_slice %arg7[%dma_wait3A_54, %dma_wait3A_55] : memref<125x128xf32, #tpu.memory_space<vmem>> -> memref<72x128xf32, #tpu.memory_space<vmem>>
      tpu.wait_dma2 semaphore(%run_scoped3A_38 : memref<!tpu.dma_semaphore, #tpu.memory_space<semaphore_mem>>) src(%dma_wait3A_56 : memref<72x128xf32, #tpu.memory_space<vmem>>) dst(%dma_wait3A_53 : memref<72x128xf32, #tpu.memory_space<vmem_shared>>)
      tpu.yield
    }) : () -> ()
    %run_scoped3A = arith.constant 0 : i32
    "tpu.region"() ({
      %run_scoped3A_38 = tpu.sem_alloc : memref<!tpu.dma_semaphore, #tpu.memory_space<semaphore_mem>>
      %dma_start3A = arith.constant 0 : i32
      %dma_start3A_39 = arith.constant 0 : i32
      %dma_start3A_40 = tpu.memref_slice %arg3[%add3A, %run_scoped3A, %dma_start3A, %dma_start3A_39] : memref<32x2x80x125xi32, #tpu.memory_space<hbm>> -> memref<1x1x80x125xi32, #tpu.memory_space<hbm>>
      %dma_start3A_41 = tpu.memref_squeeze %dma_start3A_40 : memref<1x1x80x125xi32, #tpu.memory_space<hbm>> -> memref<80x125xi32, #tpu.memory_space<hbm>>
      %dma_start3A_42 = arith.constant 0 : i32
      %dma_start3A_43 = arith.constant 0 : i32
      %dma_start3A_44 = tpu.memref_slice %arg3[%add3A, %run_scoped3A, %dma_start3A_42, %dma_start3A_43] : memref<32x2x80x125xi32, #tpu.memory_space<hbm>> -> memref<1x1x80x125xi32, #tpu.memory_space<hbm>>
      %dma_start3A_45 = tpu.memref_squeeze %dma_start3A_44 : memref<1x1x80x125xi32, #tpu.memory_space<hbm>> -> memref<80x125xi32, #tpu.memory_space<hbm>>
      tpu.enqueue_dma source(%dma_start3A_45 : memref<80x125xi32, #tpu.memory_space<hbm>>) target(%arg5 : memref<80x125xi32, #tpu.memory_space<vmem>>) target_semaphore(%run_scoped3A_38 : memref<!tpu.dma_semaphore, #tpu.memory_space<semaphore_mem>>)
      %dma_wait3A = arith.constant 0 : i32
      %dma_wait3A_46 = arith.constant 0 : i32
      %dma_wait3A_47 = tpu.memref_slice %arg3[%add3A, %run_scoped3A, %dma_wait3A, %dma_wait3A_46] : memref<32x2x80x125xi32, #tpu.memory_space<hbm>> -> memref<1x1x80x125xi32, #tpu.memory_space<hbm>>
      %dma_wait3A_48 = tpu.memref_squeeze %dma_wait3A_47 : memref<1x1x80x125xi32, #tpu.memory_space<hbm>> -> memref<80x125xi32, #tpu.memory_space<hbm>>
      %dma_wait3A_49 = arith.constant 0 : i32
      %dma_wait3A_50 = arith.constant 0 : i32
      %dma_wait3A_51 = tpu.memref_slice %arg3[%add3A, %run_scoped3A, %dma_wait3A_49, %dma_wait3A_50] : memref<32x2x80x125xi32, #tpu.memory_space<hbm>> -> memref<1x1x80x125xi32, #tpu.memory_space<hbm>>
      %dma_wait3A_52 = tpu.memref_squeeze %dma_wait3A_51 : memref<1x1x80x125xi32, #tpu.memory_space<hbm>> -> memref<80x125xi32, #tpu.memory_space<hbm>>
      tpu.wait_dma2 semaphore(%run_scoped3A_38 : memref<!tpu.dma_semaphore, #tpu.memory_space<semaphore_mem>>) src(%dma_wait3A_52 : memref<80x125xi32, #tpu.memory_space<hbm>>) dst(%arg5 : memref<80x125xi32, #tpu.memory_space<vmem>>)
      tpu.yield
    }) : () -> ()
    %run_scoped3A_17 = arith.constant 1 : i32
    "tpu.region"() ({
      %run_scoped3A_38 = tpu.sem_alloc : memref<!tpu.dma_semaphore, #tpu.memory_space<semaphore_mem>>
      %dma_start3A = arith.constant 0 : i32
      %dma_start3A_39 = arith.constant 0 : i32
      %dma_start3A_40 = tpu.memref_slice %arg3[%add3A, %run_scoped3A_17, %dma_start3A, %dma_start3A_39] : memref<32x2x80x125xi32, #tpu.memory_space<hbm>> -> memref<1x1x80x125xi32, #tpu.memory_space<hbm>>
      %dma_start3A_41 = tpu.memref_squeeze %dma_start3A_40 : memref<1x1x80x125xi32, #tpu.memory_space<hbm>> -> memref<80x125xi32, #tpu.memory_space<hbm>>
      %dma_start3A_42 = arith.constant 0 : i32
      %dma_start3A_43 = arith.constant 0 : i32
      %dma_start3A_44 = tpu.memref_slice %arg3[%add3A, %run_scoped3A_17, %dma_start3A_42, %dma_start3A_43] : memref<32x2x80x125xi32, #tpu.memory_space<hbm>> -> memref<1x1x80x125xi32, #tpu.memory_space<hbm>>
      %dma_start3A_45 = tpu.memref_squeeze %dma_start3A_44 : memref<1x1x80x125xi32, #tpu.memory_space<hbm>> -> memref<80x125xi32, #tpu.memory_space<hbm>>
      tpu.enqueue_dma source(%dma_start3A_45 : memref<80x125xi32, #tpu.memory_space<hbm>>) target(%arg6 : memref<80x125xi32, #tpu.memory_space<vmem>>) target_semaphore(%run_scoped3A_38 : memref<!tpu.dma_semaphore, #tpu.memory_space<semaphore_mem>>)
      %dma_wait3A = arith.constant 0 : i32
      %dma_wait3A_46 = arith.constant 0 : i32
      %dma_wait3A_47 = tpu.memref_slice %arg3[%add3A, %run_scoped3A_17, %dma_wait3A, %dma_wait3A_46] : memref<32x2x80x125xi32, #tpu.memory_space<hbm>> -> memref<1x1x80x125xi32, #tpu.memory_space<hbm>>
      %dma_wait3A_48 = tpu.memref_squeeze %dma_wait3A_47 : memref<1x1x80x125xi32, #tpu.memory_space<hbm>> -> memref<80x125xi32, #tpu.memory_space<hbm>>
      %dma_wait3A_49 = arith.constant 0 : i32
      %dma_wait3A_50 = arith.constant 0 : i32
      %dma_wait3A_51 = tpu.memref_slice %arg3[%add3A, %run_scoped3A_17, %dma_wait3A_49, %dma_wait3A_50] : memref<32x2x80x125xi32, #tpu.memory_space<hbm>> -> memref<1x1x80x125xi32, #tpu.memory_space<hbm>>
      %dma_wait3A_52 = tpu.memref_squeeze %dma_wait3A_51 : memref<1x1x80x125xi32, #tpu.memory_space<hbm>> -> memref<80x125xi32, #tpu.memory_space<hbm>>
      tpu.wait_dma2 semaphore(%run_scoped3A_38 : memref<!tpu.dma_semaphore, #tpu.memory_space<semaphore_mem>>) src(%dma_wait3A_52 : memref<80x125xi32, #tpu.memory_space<hbm>>) dst(%arg6 : memref<80x125xi32, #tpu.memory_space<vmem>>)
      tpu.yield
    }) : () -> ()
    %barrier3A = arith.constant 0 : index
    tpu.barrier barrier_id(%barrier3A)
    %scan3A_18 = arith.constant 0 : i32
    %scan3A_19 = arith.constant 0 : i32
    %scan3A_20 = arith.constant 80 : i32
    %scan3A_21 = arith.addi %scan3A_19, %scan3A_20 : i32
    %scan3A_22 = arith.constant 1 : i32
    scf.for %scan3A_38 = %scan3A_19 to %scan3A_21 step %scan3A_22  : i32 {
      %dma_start3A = arith.constant 0 : i32
      %dma_start3A_39 = tpu.memref_slice %arg5[%scan3A_38, %dma_start3A] : memref<80x125xi32, #tpu.memory_space<vmem>> -> memref<1x125xi32, #tpu.memory_space<vmem>>
      %dma_start3A_40 = tpu.memref_squeeze %dma_start3A_39 : memref<1x125xi32, #tpu.memory_space<vmem>> -> memref<125xi32, #tpu.memory_space<vmem>>
      %dma_start3A_41 = arith.constant 0 : i32
      %dma_start3A_42 = arith.constant 0 : i32
      %dma_start3A_43 = tpu.memref_slice %arg2[%dma_start3A_41, %dma_start3A_42] : memref<10112x128xf32, #tpu.memory_space<hbm>> -> memref<10112x128xf32, #tpu.memory_space<hbm>>
      tpu.enqueue_indirect_dma source(%dma_start3A_43 : memref<10112x128xf32, #tpu.memory_space<hbm>>) target(%arg7 : memref<125x128xf32, #tpu.memory_space<vmem>>) offsets(%dma_start3A_40 : memref<125xi32, #tpu.memory_space<vmem>>) semaphore(%arg9 : memref<!tpu.dma_semaphore, #tpu.memory_space<semaphore_mem>>)
      %dma_wait3A = arith.constant 0 : i32
      %dma_wait3A_44 = tpu.memref_slice %arg5[%scan3A_38, %dma_wait3A] : memref<80x125xi32, #tpu.memory_space<vmem>> -> memref<1x125xi32, #tpu.memory_space<vmem>>
      %dma_wait3A_45 = tpu.memref_squeeze %dma_wait3A_44 : memref<1x125xi32, #tpu.memory_space<vmem>> -> memref<125xi32, #tpu.memory_space<vmem>>
      %dma_wait3A_46 = arith.constant 0 : i32
      %dma_wait3A_47 = arith.constant 0 : i32
      %dma_wait3A_48 = tpu.memref_slice %arg2[%dma_wait3A_46, %dma_wait3A_47] : memref<10112x128xf32, #tpu.memory_space<hbm>> -> memref<10112x128xf32, #tpu.memory_space<hbm>>
      tpu.wait_indirect_dma semaphore(%arg9 : memref<!tpu.dma_semaphore, #tpu.memory_space<semaphore_mem>>) src(%dma_wait3A_48 : memref<10112x128xf32, #tpu.memory_space<hbm>>) dst(%arg7 : memref<125x128xf32, #tpu.memory_space<vmem>>)
      "tpu.region"() ({
        %run_scoped3A_49 = tpu.sem_alloc : memref<!tpu.dma_semaphore, #tpu.memory_space<semaphore_mem>>
        %dma_start3A_50 = arith.constant 0 : i32
        %dma_start3A_51 = tpu.memref_slice %arg6[%scan3A_38, %dma_start3A_50] : memref<80x125xi32, #tpu.memory_space<vmem>> -> memref<1x125xi32, #tpu.memory_space<vmem>>
        %dma_start3A_52 = tpu.memref_squeeze %dma_start3A_51 : memref<1x125xi32, #tpu.memory_space<vmem>> -> memref<125xi32, #tpu.memory_space<vmem>>
        %dma_start3A_53 = arith.constant 0 : i32
        %dma_start3A_54 = arith.constant 0 : i32
        %dma_start3A_55 = tpu.memref_slice %arg8[%dma_start3A_53, %dma_start3A_54] : memref<10112x128xf32, #tpu.memory_space<vmem_shared>> -> memref<10112x128xf32, #tpu.memory_space<vmem_shared>>
        tpu.enqueue_indirect_dma source(%arg7 : memref<125x128xf32, #tpu.memory_space<vmem>>) target(%dma_start3A_55 : memref<10112x128xf32, #tpu.memory_space<vmem_shared>>) offsets(%dma_start3A_52 : memref<125xi32, #tpu.memory_space<vmem>>) semaphore(%run_scoped3A_49 : memref<!tpu.dma_semaphore, #tpu.memory_space<semaphore_mem>>) {add = true}
        %dma_wait3A_56 = arith.constant 0 : i32
        %dma_wait3A_57 = tpu.memref_slice %arg6[%scan3A_38, %dma_wait3A_56] : memref<80x125xi32, #tpu.memory_space<vmem>> -> memref<1x125xi32, #tpu.memory_space<vmem>>
        %dma_wait3A_58 = tpu.memref_squeeze %dma_wait3A_57 : memref<1x125xi32, #tpu.memory_space<vmem>> -> memref<125xi32, #tpu.memory_space<vmem>>
        %dma_wait3A_59 = arith.constant 0 : i32
        %dma_wait3A_60 = arith.constant 0 : i32
        %dma_wait3A_61 = tpu.memref_slice %arg8[%dma_wait3A_59, %dma_wait3A_60] : memref<10112x128xf32, #tpu.memory_space<vmem_shared>> -> memref<10112x128xf32, #tpu.memory_space<vmem_shared>>
        tpu.wait_indirect_dma semaphore(%run_scoped3A_49 : memref<!tpu.dma_semaphore, #tpu.memory_space<semaphore_mem>>) src(%arg7 : memref<125x128xf32, #tpu.memory_space<vmem>>) dst(%dma_wait3A_61 : memref<10112x128xf32, #tpu.memory_space<vmem_shared>>)
        tpu.yield
      }) : () -> ()
    }
    %scan3A_23 = arith.constant 80 : i32
    %barrier3A_24 = arith.constant 0 : index
    tpu.barrier barrier_id(%barrier3A_24)
    %scan3A_25 = arith.constant 0 : i32
    %scan3A_26 = arith.constant 0 : i32
    %scan3A_27 = arith.constant 7 : i32
    %scan3A_28 = arith.addi %scan3A_26, %scan3A_27 : i32
    %scan3A_29 = arith.constant 1 : i32
    scf.for %scan3A_38 = %scan3A_26 to %scan3A_28 step %scan3A_29  : i32 {
      %mul3A_39 = arith.constant 632 : i32
      %mul3A_40 = arith.muli %arg1, %mul3A_39 : i32
      %mul3A_41 = arith.constant 80 : i32
      %mul3A_42 = arith.muli %scan3A_38, %mul3A_41 : i32
      %add3A_43 = arith.addi %mul3A_40, %mul3A_42 : i32
      "tpu.region"() ({
        %run_scoped3A_47 = tpu.sem_alloc : memref<!tpu.dma_semaphore, #tpu.memory_space<semaphore_mem>>
        %dma_start3A = arith.constant 0 : i32
        %dma_start3A_48 = arith.constant 0 : i32
        %dma_start3A_49 = tpu.memref_slice %arg7[%dma_start3A, %dma_start3A_48] : memref<125x128xf32, #tpu.memory_space<vmem>> -> memref<80x128xf32, #tpu.memory_space<vmem>>
        %dma_start3A_50 = arith.constant 0 : i32
        %dma_start3A_51 = tpu.memref_slice %arg8[%add3A_43, %dma_start3A_50] : memref<10112x128xf32, #tpu.memory_space<vmem_shared>> -> memref<80x128xf32, #tpu.memory_space<vmem_shared>>
        %dma_start3A_52 = arith.constant 0 : i32
        %dma_start3A_53 = arith.constant 0 : i32
        %dma_start3A_54 = tpu.memref_slice %arg7[%dma_start3A_52, %dma_start3A_53] : memref<125x128xf32, #tpu.memory_space<vmem>> -> memref<80x128xf32, #tpu.memory_space<vmem>>
        %dma_start3A_55 = arith.constant 0 : i32
        %dma_start3A_56 = tpu.memref_slice %arg8[%add3A_43, %dma_start3A_55] : memref<10112x128xf32, #tpu.memory_space<vmem_shared>> -> memref<80x128xf32, #tpu.memory_space<vmem_shared>>
        tpu.enqueue_dma source(%dma_start3A_56 : memref<80x128xf32, #tpu.memory_space<vmem_shared>>) target(%dma_start3A_54 : memref<80x128xf32, #tpu.memory_space<vmem>>) target_semaphore(%run_scoped3A_47 : memref<!tpu.dma_semaphore, #tpu.memory_space<semaphore_mem>>)
        %dma_wait3A = arith.constant 0 : i32
        %dma_wait3A_57 = arith.constant 0 : i32
        %dma_wait3A_58 = tpu.memref_slice %arg7[%dma_wait3A, %dma_wait3A_57] : memref<125x128xf32, #tpu.memory_space<vmem>> -> memref<80x128xf32, #tpu.memory_space<vmem>>
        %dma_wait3A_59 = arith.constant 0 : i32
        %dma_wait3A_60 = tpu.memref_slice %arg8[%add3A_43, %dma_wait3A_59] : memref<10112x128xf32, #tpu.memory_space<vmem_shared>> -> memref<80x128xf32, #tpu.memory_space<vmem_shared>>
        %dma_wait3A_61 = arith.constant 0 : i32
        %dma_wait3A_62 = arith.constant 0 : i32
        %dma_wait3A_63 = tpu.memref_slice %arg7[%dma_wait3A_61, %dma_wait3A_62] : memref<125x128xf32, #tpu.memory_space<vmem>> -> memref<80x128xf32, #tpu.memory_space<vmem>>
        %dma_wait3A_64 = arith.constant 0 : i32
        %dma_wait3A_65 = tpu.memref_slice %arg8[%add3A_43, %dma_wait3A_64] : memref<10112x128xf32, #tpu.memory_space<vmem_shared>> -> memref<80x128xf32, #tpu.memory_space<vmem_shared>>
        tpu.wait_dma2 semaphore(%run_scoped3A_47 : memref<!tpu.dma_semaphore, #tpu.memory_space<semaphore_mem>>) src(%dma_wait3A_65 : memref<80x128xf32, #tpu.memory_space<vmem_shared>>) dst(%dma_wait3A_63 : memref<80x128xf32, #tpu.memory_space<vmem>>)
        tpu.yield
      }) : () -> ()
      %mul3A_44 = arith.constant 10112 : i32
      %mul3A_45 = arith.muli %arg0, %mul3A_44 : i32
      %add3A_46 = arith.addi %mul3A_45, %add3A_43 : i32
      "tpu.region"() ({
        %run_scoped3A_47 = tpu.sem_alloc : memref<!tpu.dma_semaphore, #tpu.memory_space<semaphore_mem>>
        %dma_start3A = arith.constant 0 : i32
        %dma_start3A_48 = arith.constant 0 : i32
        %dma_start3A_49 = tpu.memref_slice %arg7[%dma_start3A, %dma_start3A_48] : memref<125x128xf32, #tpu.memory_space<vmem>> -> memref<80x128xf32, #tpu.memory_space<vmem>>
        %dma_start3A_50 = arith.constant 0 : i32
        %dma_start3A_51 = tpu.memref_slice %arg4[%add3A_46, %dma_start3A_50] : memref<20224x128xf32, #tpu.memory_space<hbm>> -> memref<80x128xf32, #tpu.memory_space<hbm>>
        %dma_start3A_52 = arith.constant 0 : i32
        %dma_start3A_53 = tpu.memref_slice %arg4[%add3A_46, %dma_start3A_52] : memref<20224x128xf32, #tpu.memory_space<hbm>> -> memref<80x128xf32, #tpu.memory_space<hbm>>
        %dma_start3A_54 = arith.constant 0 : i32
        %dma_start3A_55 = arith.constant 0 : i32
        %dma_start3A_56 = tpu.memref_slice %arg7[%dma_start3A_54, %dma_start3A_55] : memref<125x128xf32, #tpu.memory_space<vmem>> -> memref<80x128xf32, #tpu.memory_space<vmem>>
        tpu.enqueue_dma source(%dma_start3A_56 : memref<80x128xf32, #tpu.memory_space<vmem>>) target(%dma_start3A_53 : memref<80x128xf32, #tpu.memory_space<hbm>>) target_semaphore(%run_scoped3A_47 : memref<!tpu.dma_semaphore, #tpu.memory_space<semaphore_mem>>)
        %dma_wait3A = arith.constant 0 : i32
        %dma_wait3A_57 = arith.constant 0 : i32
        %dma_wait3A_58 = tpu.memref_slice %arg7[%dma_wait3A, %dma_wait3A_57] : memref<125x128xf32, #tpu.memory_space<vmem>> -> memref<80x128xf32, #tpu.memory_space<vmem>>
        %dma_wait3A_59 = arith.constant 0 : i32
        %dma_wait3A_60 = tpu.memref_slice %arg4[%add3A_46, %dma_wait3A_59] : memref<20224x128xf32, #tpu.memory_space<hbm>> -> memref<80x128xf32, #tpu.memory_space<hbm>>
        %dma_wait3A_61 = arith.constant 0 : i32
        %dma_wait3A_62 = tpu.memref_slice %arg4[%add3A_46, %dma_wait3A_61] : memref<20224x128xf32, #tpu.memory_space<hbm>> -> memref<80x128xf32, #tpu.memory_space<hbm>>
        %dma_wait3A_63 = arith.constant 0 : i32
        %dma_wait3A_64 = arith.constant 0 : i32
        %dma_wait3A_65 = tpu.memref_slice %arg7[%dma_wait3A_63, %dma_wait3A_64] : memref<125x128xf32, #tpu.memory_space<vmem>> -> memref<80x128xf32, #tpu.memory_space<vmem>>
        tpu.wait_dma2 semaphore(%run_scoped3A_47 : memref<!tpu.dma_semaphore, #tpu.memory_space<semaphore_mem>>) src(%dma_wait3A_65 : memref<80x128xf32, #tpu.memory_space<vmem>>) dst(%dma_wait3A_62 : memref<80x128xf32, #tpu.memory_space<hbm>>)
        tpu.yield
      }) : () -> ()
    }
    %scan3A_30 = arith.constant 7 : i32
    %mul3A_31 = arith.constant 632 : i32
    %mul3A_32 = arith.muli %arg1, %mul3A_31 : i32
    %add3A_33 = arith.constant 560 : i32
    %add3A_34 = arith.addi %mul3A_32, %add3A_33 : i32
    "tpu.region"() ({
      %run_scoped3A_38 = tpu.sem_alloc : memref<!tpu.dma_semaphore, #tpu.memory_space<semaphore_mem>>
      %dma_start3A = arith.constant 0 : i32
      %dma_start3A_39 = arith.constant 0 : i32
      %dma_start3A_40 = tpu.memref_slice %arg7[%dma_start3A, %dma_start3A_39] : memref<125x128xf32, #tpu.memory_space<vmem>> -> memref<72x128xf32, #tpu.memory_space<vmem>>
      %dma_start3A_41 = arith.constant 0 : i32
      %dma_start3A_42 = tpu.memref_slice %arg8[%add3A_34, %dma_start3A_41] : memref<10112x128xf32, #tpu.memory_space<vmem_shared>> -> memref<72x128xf32, #tpu.memory_space<vmem_shared>>
      %dma_start3A_43 = arith.constant 0 : i32
      %dma_start3A_44 = arith.constant 0 : i32
      %dma_start3A_45 = tpu.memref_slice %arg7[%dma_start3A_43, %dma_start3A_44] : memref<125x128xf32, #tpu.memory_space<vmem>> -> memref<72x128xf32, #tpu.memory_space<vmem>>
      %dma_start3A_46 = arith.constant 0 : i32
      %dma_start3A_47 = tpu.memref_slice %arg8[%add3A_34, %dma_start3A_46] : memref<10112x128xf32, #tpu.memory_space<vmem_shared>> -> memref<72x128xf32, #tpu.memory_space<vmem_shared>>
      tpu.enqueue_dma source(%dma_start3A_47 : memref<72x128xf32, #tpu.memory_space<vmem_shared>>) target(%dma_start3A_45 : memref<72x128xf32, #tpu.memory_space<vmem>>) target_semaphore(%run_scoped3A_38 : memref<!tpu.dma_semaphore, #tpu.memory_space<semaphore_mem>>)
      %dma_wait3A = arith.constant 0 : i32
      %dma_wait3A_48 = arith.constant 0 : i32
      %dma_wait3A_49 = tpu.memref_slice %arg7[%dma_wait3A, %dma_wait3A_48] : memref<125x128xf32, #tpu.memory_space<vmem>> -> memref<72x128xf32, #tpu.memory_space<vmem>>
      %dma_wait3A_50 = arith.constant 0 : i32
      %dma_wait3A_51 = tpu.memref_slice %arg8[%add3A_34, %dma_wait3A_50] : memref<10112x128xf32, #tpu.memory_space<vmem_shared>> -> memref<72x128xf32, #tpu.memory_space<vmem_shared>>
      %dma_wait3A_52 = arith.constant 0 : i32
      %dma_wait3A_53 = arith.constant 0 : i32
      %dma_wait3A_54 = tpu.memref_slice %arg7[%dma_wait3A_52, %dma_wait3A_53] : memref<125x128xf32, #tpu.memory_space<vmem>> -> memref<72x128xf32, #tpu.memory_space<vmem>>
      %dma_wait3A_55 = arith.constant 0 : i32
      %dma_wait3A_56 = tpu.memref_slice %arg8[%add3A_34, %dma_wait3A_55] : memref<10112x128xf32, #tpu.memory_space<vmem_shared>> -> memref<72x128xf32, #tpu.memory_space<vmem_shared>>
      tpu.wait_dma2 semaphore(%run_scoped3A_38 : memref<!tpu.dma_semaphore, #tpu.memory_space<semaphore_mem>>) src(%dma_wait3A_56 : memref<72x128xf32, #tpu.memory_space<vmem_shared>>) dst(%dma_wait3A_54 : memref<72x128xf32, #tpu.memory_space<vmem>>)
      tpu.yield
    }) : () -> ()
    %mul3A_35 = arith.constant 10112 : i32
    %mul3A_36 = arith.muli %arg0, %mul3A_35 : i32
    %add3A_37 = arith.addi %mul3A_36, %add3A_34 : i32
    "tpu.region"() ({
      %run_scoped3A_38 = tpu.sem_alloc : memref<!tpu.dma_semaphore, #tpu.memory_space<semaphore_mem>>
      %dma_start3A = arith.constant 0 : i32
      %dma_start3A_39 = arith.constant 0 : i32
      %dma_start3A_40 = tpu.memref_slice %arg7[%dma_start3A, %dma_start3A_39] : memref<125x128xf32, #tpu.memory_space<vmem>> -> memref<72x128xf32, #tpu.memory_space<vmem>>
      %dma_start3A_41 = arith.constant 0 : i32
      %dma_start3A_42 = tpu.memref_slice %arg4[%add3A_37, %dma_start3A_41] : memref<20224x128xf32, #tpu.memory_space<hbm>> -> memref<72x128xf32, #tpu.memory_space<hbm>>
      %dma_start3A_43 = arith.constant 0 : i32
      %dma_start3A_44 = tpu.memref_slice %arg4[%add3A_37, %dma_start3A_43] : memref<20224x128xf32, #tpu.memory_space<hbm>> -> memref<72x128xf32, #tpu.memory_space<hbm>>
      %dma_start3A_45 = arith.constant 0 : i32
      %dma_start3A_46 = arith.constant 0 : i32
      %dma_start3A_47 = tpu.memref_slice %arg7[%dma_start3A_45, %dma_start3A_46] : memref<125x128xf32, #tpu.memory_space<vmem>> -> memref<72x128xf32, #tpu.memory_space<vmem>>
      tpu.enqueue_dma source(%dma_start3A_47 : memref<72x128xf32, #tpu.memory_space<vmem>>) target(%dma_start3A_44 : memref<72x128xf32, #tpu.memory_space<hbm>>) target_semaphore(%run_scoped3A_38 : memref<!tpu.dma_semaphore, #tpu.memory_space<semaphore_mem>>)
      %dma_wait3A = arith.constant 0 : i32
      %dma_wait3A_48 = arith.constant 0 : i32
      %dma_wait3A_49 = tpu.memref_slice %arg7[%dma_wait3A, %dma_wait3A_48] : memref<125x128xf32, #tpu.memory_space<vmem>> -> memref<72x128xf32, #tpu.memory_space<vmem>>
      %dma_wait3A_50 = arith.constant 0 : i32
      %dma_wait3A_51 = tpu.memref_slice %arg4[%add3A_37, %dma_wait3A_50] : memref<20224x128xf32, #tpu.memory_space<hbm>> -> memref<72x128xf32, #tpu.memory_space<hbm>>
      %dma_wait3A_52 = arith.constant 0 : i32
      %dma_wait3A_53 = tpu.memref_slice %arg4[%add3A_37, %dma_wait3A_52] : memref<20224x128xf32, #tpu.memory_space<hbm>> -> memref<72x128xf32, #tpu.memory_space<hbm>>
      %dma_wait3A_54 = arith.constant 0 : i32
      %dma_wait3A_55 = arith.constant 0 : i32
      %dma_wait3A_56 = tpu.memref_slice %arg7[%dma_wait3A_54, %dma_wait3A_55] : memref<125x128xf32, #tpu.memory_space<vmem>> -> memref<72x128xf32, #tpu.memory_space<vmem>>
      tpu.wait_dma2 semaphore(%run_scoped3A_38 : memref<!tpu.dma_semaphore, #tpu.memory_space<semaphore_mem>>) src(%dma_wait3A_56 : memref<72x128xf32, #tpu.memory_space<vmem>>) dst(%dma_wait3A_53 : memref<72x128xf32, #tpu.memory_space<hbm>>)
      tpu.yield
    }) : () -> ()
    return
  }
}

#map = affine_map<(d0, d1) -> (0, 0, 0, 0)>
#map1 = affine_map<(d0, d1) -> (0, 0)>
module attributes {stable_mosaic.version = 14 : i64} {
  func.func @deg_kernel(%arg0: i32, %arg1: i32, %arg2: memref<32x2x80x125xi32, #tpu.memory_space<hbm>>, %arg3: memref<20224x128xf32, #tpu.memory_space<hbm>>, %arg4: memref<80x125xi32, #tpu.memory_space<vmem>>, %arg5: memref<125x128xf32, #tpu.memory_space<vmem>>, %arg6: memref<125x128xf32, #tpu.memory_space<vmem>>, %arg7: memref<10112x128xf32, #tpu.memory_space<vmem_shared>>, %arg8: memref<!tpu.dma_semaphore, #tpu.memory_space<semaphore_mem>>) attributes {dimension_semantics = [#tpu.dimension_semantics<core_parallel>, #tpu.dimension_semantics<subcore_parallel>], iteration_bounds = array<i64: 2, 16>, scalar_prefetch = 0 : i64, scratch_operands = 5 : i64, tpu.core_type = #tpu.core_type<sc_vector_subcore>, window_params = [{transform_indices = #map}, {transform_indices = #map1}]} {
    %mul3A = arith.constant 16 : i32
    %mul3A_0 = arith.muli %arg0, %mul3A : i32
    %add3A = arith.addi %mul3A_0, %arg1 : i32
    %broadcast_in_dim3A = arith.constant 1.000000e+00 : f32
    %broadcast_in_dim3A_1 = vector.broadcast %broadcast_in_dim3A : f32 to vector<16xf32>
    %broadcast_in_dim3A_2 = arith.constant 0.000000e+00 : f32
    %broadcast_in_dim3A_3 = vector.broadcast %broadcast_in_dim3A_2 : f32 to vector<16xf32>
    %scan3A = arith.constant 0 : i32
    %scan3A_4 = arith.constant 0 : i32
    %scan3A_5 = arith.constant 125 : i32
    %scan3A_6 = arith.addi %scan3A_4, %scan3A_5 : i32
    %scan3A_7 = arith.constant 1 : i32
    scf.for %scan3A_39 = %scan3A_4 to %scan3A_6 step %scan3A_7  : i32 {
      %swap3A = arith.index_cast %scan3A_39 : i32 to index
      %swap3A_40 = arith.constant 0 : index
      %swap3A_41 = tpu.vector_load %arg6[%swap3A, %swap3A_40] {strides = array<i32>} : memref<125x128xf32, #tpu.memory_space<vmem>>, vector<1x16xf32>,
      %swap3A_42 = vector.shape_cast %swap3A_41 : vector<1x16xf32> to vector<16xf32>
      %swap3A_43 = vector.shape_cast %broadcast_in_dim3A_3 : vector<16xf32> to vector<1x16xf32>
      tpu.vector_store %arg6[%swap3A, %swap3A_40], %swap3A_43 {strides = array<i32>} : memref<125x128xf32, #tpu.memory_space<vmem>>, vector<1x16xf32>,
      %swap3A_44 = arith.index_cast %scan3A_39 : i32 to index
      %swap3A_45 = arith.constant 0 : index
      %swap3A_46 = tpu.vector_load %arg5[%swap3A_44, %swap3A_45] {strides = array<i32>} : memref<125x128xf32, #tpu.memory_space<vmem>>, vector<1x16xf32>,
      %swap3A_47 = vector.shape_cast %swap3A_46 : vector<1x16xf32> to vector<16xf32>
      %swap3A_48 = vector.shape_cast %broadcast_in_dim3A_1 : vector<16xf32> to vector<1x16xf32>
      tpu.vector_store %arg5[%swap3A_44, %swap3A_45], %swap3A_48 {strides = array<i32>} : memref<125x128xf32, #tpu.memory_space<vmem>>, vector<1x16xf32>,
      %swap3A_49 = arith.index_cast %scan3A_39 : i32 to index
      %swap3A_50 = arith.constant 16 : index
      %swap3A_51 = tpu.vector_load %arg6[%swap3A_49, %swap3A_50] {strides = array<i32>} : memref<125x128xf32, #tpu.memory_space<vmem>>, vector<1x16xf32>,
      %swap3A_52 = vector.shape_cast %swap3A_51 : vector<1x16xf32> to vector<16xf32>
      %swap3A_53 = vector.shape_cast %broadcast_in_dim3A_3 : vector<16xf32> to vector<1x16xf32>
      tpu.vector_store %arg6[%swap3A_49, %swap3A_50], %swap3A_53 {strides = array<i32>} : memref<125x128xf32, #tpu.memory_space<vmem>>, vector<1x16xf32>,
      %swap3A_54 = arith.index_cast %scan3A_39 : i32 to index
      %swap3A_55 = arith.constant 16 : index
      %swap3A_56 = tpu.vector_load %arg5[%swap3A_54, %swap3A_55] {strides = array<i32>} : memref<125x128xf32, #tpu.memory_space<vmem>>, vector<1x16xf32>,
      %swap3A_57 = vector.shape_cast %swap3A_56 : vector<1x16xf32> to vector<16xf32>
      %swap3A_58 = vector.shape_cast %broadcast_in_dim3A_1 : vector<16xf32> to vector<1x16xf32>
      tpu.vector_store %arg5[%swap3A_54, %swap3A_55], %swap3A_58 {strides = array<i32>} : memref<125x128xf32, #tpu.memory_space<vmem>>, vector<1x16xf32>,
      %swap3A_59 = arith.index_cast %scan3A_39 : i32 to index
      %swap3A_60 = arith.constant 32 : index
      %swap3A_61 = tpu.vector_load %arg6[%swap3A_59, %swap3A_60] {strides = array<i32>} : memref<125x128xf32, #tpu.memory_space<vmem>>, vector<1x16xf32>,
      %swap3A_62 = vector.shape_cast %swap3A_61 : vector<1x16xf32> to vector<16xf32>
      %swap3A_63 = vector.shape_cast %broadcast_in_dim3A_3 : vector<16xf32> to vector<1x16xf32>
      tpu.vector_store %arg6[%swap3A_59, %swap3A_60], %swap3A_63 {strides = array<i32>} : memref<125x128xf32, #tpu.memory_space<vmem>>, vector<1x16xf32>,
      %swap3A_64 = arith.index_cast %scan3A_39 : i32 to index
      %swap3A_65 = arith.constant 32 : index
      %swap3A_66 = tpu.vector_load %arg5[%swap3A_64, %swap3A_65] {strides = array<i32>} : memref<125x128xf32, #tpu.memory_space<vmem>>, vector<1x16xf32>,
      %swap3A_67 = vector.shape_cast %swap3A_66 : vector<1x16xf32> to vector<16xf32>
      %swap3A_68 = vector.shape_cast %broadcast_in_dim3A_1 : vector<16xf32> to vector<1x16xf32>
      tpu.vector_store %arg5[%swap3A_64, %swap3A_65], %swap3A_68 {strides = array<i32>} : memref<125x128xf32, #tpu.memory_space<vmem>>, vector<1x16xf32>,
      %swap3A_69 = arith.index_cast %scan3A_39 : i32 to index
      %swap3A_70 = arith.constant 48 : index
      %swap3A_71 = tpu.vector_load %arg6[%swap3A_69, %swap3A_70] {strides = array<i32>} : memref<125x128xf32, #tpu.memory_space<vmem>>, vector<1x16xf32>,
      %swap3A_72 = vector.shape_cast %swap3A_71 : vector<1x16xf32> to vector<16xf32>
      %swap3A_73 = vector.shape_cast %broadcast_in_dim3A_3 : vector<16xf32> to vector<1x16xf32>
      tpu.vector_store %arg6[%swap3A_69, %swap3A_70], %swap3A_73 {strides = array<i32>} : memref<125x128xf32, #tpu.memory_space<vmem>>, vector<1x16xf32>,
      %swap3A_74 = arith.index_cast %scan3A_39 : i32 to index
      %swap3A_75 = arith.constant 48 : index
      %swap3A_76 = tpu.vector_load %arg5[%swap3A_74, %swap3A_75] {strides = array<i32>} : memref<125x128xf32, #tpu.memory_space<vmem>>, vector<1x16xf32>,
      %swap3A_77 = vector.shape_cast %swap3A_76 : vector<1x16xf32> to vector<16xf32>
      %swap3A_78 = vector.shape_cast %broadcast_in_dim3A_1 : vector<16xf32> to vector<1x16xf32>
      tpu.vector_store %arg5[%swap3A_74, %swap3A_75], %swap3A_78 {strides = array<i32>} : memref<125x128xf32, #tpu.memory_space<vmem>>, vector<1x16xf32>,
      %swap3A_79 = arith.index_cast %scan3A_39 : i32 to index
      %swap3A_80 = arith.constant 64 : index
      %swap3A_81 = tpu.vector_load %arg6[%swap3A_79, %swap3A_80] {strides = array<i32>} : memref<125x128xf32, #tpu.memory_space<vmem>>, vector<1x16xf32>,
      %swap3A_82 = vector.shape_cast %swap3A_81 : vector<1x16xf32> to vector<16xf32>
      %swap3A_83 = vector.shape_cast %broadcast_in_dim3A_3 : vector<16xf32> to vector<1x16xf32>
      tpu.vector_store %arg6[%swap3A_79, %swap3A_80], %swap3A_83 {strides = array<i32>} : memref<125x128xf32, #tpu.memory_space<vmem>>, vector<1x16xf32>,
      %swap3A_84 = arith.index_cast %scan3A_39 : i32 to index
      %swap3A_85 = arith.constant 64 : index
      %swap3A_86 = tpu.vector_load %arg5[%swap3A_84, %swap3A_85] {strides = array<i32>} : memref<125x128xf32, #tpu.memory_space<vmem>>, vector<1x16xf32>,
      %swap3A_87 = vector.shape_cast %swap3A_86 : vector<1x16xf32> to vector<16xf32>
      %swap3A_88 = vector.shape_cast %broadcast_in_dim3A_1 : vector<16xf32> to vector<1x16xf32>
      tpu.vector_store %arg5[%swap3A_84, %swap3A_85], %swap3A_88 {strides = array<i32>} : memref<125x128xf32, #tpu.memory_space<vmem>>, vector<1x16xf32>,
      %swap3A_89 = arith.index_cast %scan3A_39 : i32 to index
      %swap3A_90 = arith.constant 80 : index
      %swap3A_91 = tpu.vector_load %arg6[%swap3A_89, %swap3A_90] {strides = array<i32>} : memref<125x128xf32, #tpu.memory_space<vmem>>, vector<1x16xf32>,
      %swap3A_92 = vector.shape_cast %swap3A_91 : vector<1x16xf32> to vector<16xf32>
      %swap3A_93 = vector.shape_cast %broadcast_in_dim3A_3 : vector<16xf32> to vector<1x16xf32>
      tpu.vector_store %arg6[%swap3A_89, %swap3A_90], %swap3A_93 {strides = array<i32>} : memref<125x128xf32, #tpu.memory_space<vmem>>, vector<1x16xf32>,
      %swap3A_94 = arith.index_cast %scan3A_39 : i32 to index
      %swap3A_95 = arith.constant 80 : index
      %swap3A_96 = tpu.vector_load %arg5[%swap3A_94, %swap3A_95] {strides = array<i32>} : memref<125x128xf32, #tpu.memory_space<vmem>>, vector<1x16xf32>,
      %swap3A_97 = vector.shape_cast %swap3A_96 : vector<1x16xf32> to vector<16xf32>
      %swap3A_98 = vector.shape_cast %broadcast_in_dim3A_1 : vector<16xf32> to vector<1x16xf32>
      tpu.vector_store %arg5[%swap3A_94, %swap3A_95], %swap3A_98 {strides = array<i32>} : memref<125x128xf32, #tpu.memory_space<vmem>>, vector<1x16xf32>,
      %swap3A_99 = arith.index_cast %scan3A_39 : i32 to index
      %swap3A_100 = arith.constant 96 : index
      %swap3A_101 = tpu.vector_load %arg6[%swap3A_99, %swap3A_100] {strides = array<i32>} : memref<125x128xf32, #tpu.memory_space<vmem>>, vector<1x16xf32>,
      %swap3A_102 = vector.shape_cast %swap3A_101 : vector<1x16xf32> to vector<16xf32>
      %swap3A_103 = vector.shape_cast %broadcast_in_dim3A_3 : vector<16xf32> to vector<1x16xf32>
      tpu.vector_store %arg6[%swap3A_99, %swap3A_100], %swap3A_103 {strides = array<i32>} : memref<125x128xf32, #tpu.memory_space<vmem>>, vector<1x16xf32>,
      %swap3A_104 = arith.index_cast %scan3A_39 : i32 to index
      %swap3A_105 = arith.constant 96 : index
      %swap3A_106 = tpu.vector_load %arg5[%swap3A_104, %swap3A_105] {strides = array<i32>} : memref<125x128xf32, #tpu.memory_space<vmem>>, vector<1x16xf32>,
      %swap3A_107 = vector.shape_cast %swap3A_106 : vector<1x16xf32> to vector<16xf32>
      %swap3A_108 = vector.shape_cast %broadcast_in_dim3A_1 : vector<16xf32> to vector<1x16xf32>
      tpu.vector_store %arg5[%swap3A_104, %swap3A_105], %swap3A_108 {strides = array<i32>} : memref<125x128xf32, #tpu.memory_space<vmem>>, vector<1x16xf32>,
      %swap3A_109 = arith.index_cast %scan3A_39 : i32 to index
      %swap3A_110 = arith.constant 112 : index
      %swap3A_111 = tpu.vector_load %arg6[%swap3A_109, %swap3A_110] {strides = array<i32>} : memref<125x128xf32, #tpu.memory_space<vmem>>, vector<1x16xf32>,
      %swap3A_112 = vector.shape_cast %swap3A_111 : vector<1x16xf32> to vector<16xf32>
      %swap3A_113 = vector.shape_cast %broadcast_in_dim3A_3 : vector<16xf32> to vector<1x16xf32>
      tpu.vector_store %arg6[%swap3A_109, %swap3A_110], %swap3A_113 {strides = array<i32>} : memref<125x128xf32, #tpu.memory_space<vmem>>, vector<1x16xf32>,
      %swap3A_114 = arith.index_cast %scan3A_39 : i32 to index
      %swap3A_115 = arith.constant 112 : index
      %swap3A_116 = tpu.vector_load %arg5[%swap3A_114, %swap3A_115] {strides = array<i32>} : memref<125x128xf32, #tpu.memory_space<vmem>>, vector<1x16xf32>,
      %swap3A_117 = vector.shape_cast %swap3A_116 : vector<1x16xf32> to vector<16xf32>
      %swap3A_118 = vector.shape_cast %broadcast_in_dim3A_1 : vector<16xf32> to vector<1x16xf32>
      tpu.vector_store %arg5[%swap3A_114, %swap3A_115], %swap3A_118 {strides = array<i32>} : memref<125x128xf32, #tpu.memory_space<vmem>>, vector<1x16xf32>,
    }
    %scan3A_8 = arith.constant 125 : i32
    %scan3A_9 = arith.constant 0 : i32
    %scan3A_10 = arith.constant 0 : i32
    %scan3A_11 = arith.constant 7 : i32
    %scan3A_12 = arith.addi %scan3A_10, %scan3A_11 : i32
    %scan3A_13 = arith.constant 1 : i32
    scf.for %scan3A_39 = %scan3A_10 to %scan3A_12 step %scan3A_13  : i32 {
      %mul3A_40 = arith.constant 632 : i32
      %mul3A_41 = arith.muli %arg1, %mul3A_40 : i32
      %mul3A_42 = arith.constant 80 : i32
      %mul3A_43 = arith.muli %scan3A_39, %mul3A_42 : i32
      %add3A_44 = arith.addi %mul3A_41, %mul3A_43 : i32
      "tpu.region"() ({
        %run_scoped3A_45 = tpu.sem_alloc : memref<!tpu.dma_semaphore, #tpu.memory_space<semaphore_mem>>
        %dma_start3A = arith.constant 0 : i32
        %dma_start3A_46 = arith.constant 0 : i32
        %dma_start3A_47 = tpu.memref_slice %arg6[%dma_start3A, %dma_start3A_46] : memref<125x128xf32, #tpu.memory_space<vmem>> -> memref<80x128xf32, #tpu.memory_space<vmem>>
        %dma_start3A_48 = arith.constant 0 : i32
        %dma_start3A_49 = tpu.memref_slice %arg7[%add3A_44, %dma_start3A_48] : memref<10112x128xf32, #tpu.memory_space<vmem_shared>> -> memref<80x128xf32, #tpu.memory_space<vmem_shared>>
        %dma_start3A_50 = arith.constant 0 : i32
        %dma_start3A_51 = tpu.memref_slice %arg7[%add3A_44, %dma_start3A_50] : memref<10112x128xf32, #tpu.memory_space<vmem_shared>> -> memref<80x128xf32, #tpu.memory_space<vmem_shared>>
        %dma_start3A_52 = arith.constant 0 : i32
        %dma_start3A_53 = arith.constant 0 : i32
        %dma_start3A_54 = tpu.memref_slice %arg6[%dma_start3A_52, %dma_start3A_53] : memref<125x128xf32, #tpu.memory_space<vmem>> -> memref<80x128xf32, #tpu.memory_space<vmem>>
        tpu.enqueue_dma source(%dma_start3A_54 : memref<80x128xf32, #tpu.memory_space<vmem>>) target(%dma_start3A_51 : memref<80x128xf32, #tpu.memory_space<vmem_shared>>) target_semaphore(%run_scoped3A_45 : memref<!tpu.dma_semaphore, #tpu.memory_space<semaphore_mem>>)
        %dma_wait3A = arith.constant 0 : i32
        %dma_wait3A_55 = arith.constant 0 : i32
        %dma_wait3A_56 = tpu.memref_slice %arg6[%dma_wait3A, %dma_wait3A_55] : memref<125x128xf32, #tpu.memory_space<vmem>> -> memref<80x128xf32, #tpu.memory_space<vmem>>
        %dma_wait3A_57 = arith.constant 0 : i32
        %dma_wait3A_58 = tpu.memref_slice %arg7[%add3A_44, %dma_wait3A_57] : memref<10112x128xf32, #tpu.memory_space<vmem_shared>> -> memref<80x128xf32, #tpu.memory_space<vmem_shared>>
        %dma_wait3A_59 = arith.constant 0 : i32
        %dma_wait3A_60 = tpu.memref_slice %arg7[%add3A_44, %dma_wait3A_59] : memref<10112x128xf32, #tpu.memory_space<vmem_shared>> -> memref<80x128xf32, #tpu.memory_space<vmem_shared>>
        %dma_wait3A_61 = arith.constant 0 : i32
        %dma_wait3A_62 = arith.constant 0 : i32
        %dma_wait3A_63 = tpu.memref_slice %arg6[%dma_wait3A_61, %dma_wait3A_62] : memref<125x128xf32, #tpu.memory_space<vmem>> -> memref<80x128xf32, #tpu.memory_space<vmem>>
        tpu.wait_dma2 semaphore(%run_scoped3A_45 : memref<!tpu.dma_semaphore, #tpu.memory_space<semaphore_mem>>) src(%dma_wait3A_63 : memref<80x128xf32, #tpu.memory_space<vmem>>) dst(%dma_wait3A_60 : memref<80x128xf32, #tpu.memory_space<vmem_shared>>)
        tpu.yield
      }) : () -> ()
    }
    %scan3A_14 = arith.constant 7 : i32
    %mul3A_15 = arith.constant 632 : i32
    %mul3A_16 = arith.muli %arg1, %mul3A_15 : i32
    %add3A_17 = arith.constant 560 : i32
    %add3A_18 = arith.addi %mul3A_16, %add3A_17 : i32
    "tpu.region"() ({
      %run_scoped3A_39 = tpu.sem_alloc : memref<!tpu.dma_semaphore, #tpu.memory_space<semaphore_mem>>
      %dma_start3A = arith.constant 0 : i32
      %dma_start3A_40 = arith.constant 0 : i32
      %dma_start3A_41 = tpu.memref_slice %arg6[%dma_start3A, %dma_start3A_40] : memref<125x128xf32, #tpu.memory_space<vmem>> -> memref<72x128xf32, #tpu.memory_space<vmem>>
      %dma_start3A_42 = arith.constant 0 : i32
      %dma_start3A_43 = tpu.memref_slice %arg7[%add3A_18, %dma_start3A_42] : memref<10112x128xf32, #tpu.memory_space<vmem_shared>> -> memref<72x128xf32, #tpu.memory_space<vmem_shared>>
      %dma_start3A_44 = arith.constant 0 : i32
      %dma_start3A_45 = tpu.memref_slice %arg7[%add3A_18, %dma_start3A_44] : memref<10112x128xf32, #tpu.memory_space<vmem_shared>> -> memref<72x128xf32, #tpu.memory_space<vmem_shared>>
      %dma_start3A_46 = arith.constant 0 : i32
      %dma_start3A_47 = arith.constant 0 : i32
      %dma_start3A_48 = tpu.memref_slice %arg6[%dma_start3A_46, %dma_start3A_47] : memref<125x128xf32, #tpu.memory_space<vmem>> -> memref<72x128xf32, #tpu.memory_space<vmem>>
      tpu.enqueue_dma source(%dma_start3A_48 : memref<72x128xf32, #tpu.memory_space<vmem>>) target(%dma_start3A_45 : memref<72x128xf32, #tpu.memory_space<vmem_shared>>) target_semaphore(%run_scoped3A_39 : memref<!tpu.dma_semaphore, #tpu.memory_space<semaphore_mem>>)
      %dma_wait3A = arith.constant 0 : i32
      %dma_wait3A_49 = arith.constant 0 : i32
      %dma_wait3A_50 = tpu.memref_slice %arg6[%dma_wait3A, %dma_wait3A_49] : memref<125x128xf32, #tpu.memory_space<vmem>> -> memref<72x128xf32, #tpu.memory_space<vmem>>
      %dma_wait3A_51 = arith.constant 0 : i32
      %dma_wait3A_52 = tpu.memref_slice %arg7[%add3A_18, %dma_wait3A_51] : memref<10112x128xf32, #tpu.memory_space<vmem_shared>> -> memref<72x128xf32, #tpu.memory_space<vmem_shared>>
      %dma_wait3A_53 = arith.constant 0 : i32
      %dma_wait3A_54 = tpu.memref_slice %arg7[%add3A_18, %dma_wait3A_53] : memref<10112x128xf32, #tpu.memory_space<vmem_shared>> -> memref<72x128xf32, #tpu.memory_space<vmem_shared>>
      %dma_wait3A_55 = arith.constant 0 : i32
      %dma_wait3A_56 = arith.constant 0 : i32
      %dma_wait3A_57 = tpu.memref_slice %arg6[%dma_wait3A_55, %dma_wait3A_56] : memref<125x128xf32, #tpu.memory_space<vmem>> -> memref<72x128xf32, #tpu.memory_space<vmem>>
      tpu.wait_dma2 semaphore(%run_scoped3A_39 : memref<!tpu.dma_semaphore, #tpu.memory_space<semaphore_mem>>) src(%dma_wait3A_57 : memref<72x128xf32, #tpu.memory_space<vmem>>) dst(%dma_wait3A_54 : memref<72x128xf32, #tpu.memory_space<vmem_shared>>)
      tpu.yield
    }) : () -> ()
    %run_scoped3A = arith.constant 1 : i32
    "tpu.region"() ({
      %run_scoped3A_39 = tpu.sem_alloc : memref<!tpu.dma_semaphore, #tpu.memory_space<semaphore_mem>>
      %dma_start3A = arith.constant 0 : i32
      %dma_start3A_40 = arith.constant 0 : i32
      %dma_start3A_41 = tpu.memref_slice %arg2[%add3A, %run_scoped3A, %dma_start3A, %dma_start3A_40] : memref<32x2x80x125xi32, #tpu.memory_space<hbm>> -> memref<1x1x80x125xi32, #tpu.memory_space<hbm>>
      %dma_start3A_42 = tpu.memref_squeeze %dma_start3A_41 : memref<1x1x80x125xi32, #tpu.memory_space<hbm>> -> memref<80x125xi32, #tpu.memory_space<hbm>>
      %dma_start3A_43 = arith.constant 0 : i32
      %dma_start3A_44 = arith.constant 0 : i32
      %dma_start3A_45 = tpu.memref_slice %arg2[%add3A, %run_scoped3A, %dma_start3A_43, %dma_start3A_44] : memref<32x2x80x125xi32, #tpu.memory_space<hbm>> -> memref<1x1x80x125xi32, #tpu.memory_space<hbm>>
      %dma_start3A_46 = tpu.memref_squeeze %dma_start3A_45 : memref<1x1x80x125xi32, #tpu.memory_space<hbm>> -> memref<80x125xi32, #tpu.memory_space<hbm>>
      tpu.enqueue_dma source(%dma_start3A_46 : memref<80x125xi32, #tpu.memory_space<hbm>>) target(%arg4 : memref<80x125xi32, #tpu.memory_space<vmem>>) target_semaphore(%run_scoped3A_39 : memref<!tpu.dma_semaphore, #tpu.memory_space<semaphore_mem>>)
      %dma_wait3A = arith.constant 0 : i32
      %dma_wait3A_47 = arith.constant 0 : i32
      %dma_wait3A_48 = tpu.memref_slice %arg2[%add3A, %run_scoped3A, %dma_wait3A, %dma_wait3A_47] : memref<32x2x80x125xi32, #tpu.memory_space<hbm>> -> memref<1x1x80x125xi32, #tpu.memory_space<hbm>>
      %dma_wait3A_49 = tpu.memref_squeeze %dma_wait3A_48 : memref<1x1x80x125xi32, #tpu.memory_space<hbm>> -> memref<80x125xi32, #tpu.memory_space<hbm>>
      %dma_wait3A_50 = arith.constant 0 : i32
      %dma_wait3A_51 = arith.constant 0 : i32
      %dma_wait3A_52 = tpu.memref_slice %arg2[%add3A, %run_scoped3A, %dma_wait3A_50, %dma_wait3A_51] : memref<32x2x80x125xi32, #tpu.memory_space<hbm>> -> memref<1x1x80x125xi32, #tpu.memory_space<hbm>>
      %dma_wait3A_53 = tpu.memref_squeeze %dma_wait3A_52 : memref<1x1x80x125xi32, #tpu.memory_space<hbm>> -> memref<80x125xi32, #tpu.memory_space<hbm>>
      tpu.wait_dma2 semaphore(%run_scoped3A_39 : memref<!tpu.dma_semaphore, #tpu.memory_space<semaphore_mem>>) src(%dma_wait3A_53 : memref<80x125xi32, #tpu.memory_space<hbm>>) dst(%arg4 : memref<80x125xi32, #tpu.memory_space<vmem>>)
      tpu.yield
    }) : () -> ()
    %barrier3A = arith.constant 0 : index
    tpu.barrier barrier_id(%barrier3A)
    %scan3A_19 = arith.constant 0 : i32
    %scan3A_20 = arith.constant 0 : i32
    %scan3A_21 = arith.constant 8 : i32
    %scan3A_22 = arith.addi %scan3A_20, %scan3A_21 : i32
    %scan3A_23 = arith.constant 1 : i32
    scf.for %scan3A_39 = %scan3A_20 to %scan3A_22 step %scan3A_23  : i32 {
      %mul3A_40 = arith.constant 10 : i32
      %mul3A_41 = arith.muli %scan3A_39, %mul3A_40 : i32
      %add3A_42 = arith.constant 0 : i32
      %add3A_43 = arith.addi %mul3A_41, %add3A_42 : i32
      %dma_start3A = arith.constant 0 : i32
      %dma_start3A_44 = tpu.memref_slice %arg4[%add3A_43, %dma_start3A] : memref<80x125xi32, #tpu.memory_space<vmem>> -> memref<1x125xi32, #tpu.memory_space<vmem>>
      %dma_start3A_45 = tpu.memref_squeeze %dma_start3A_44 : memref<1x125xi32, #tpu.memory_space<vmem>> -> memref<125xi32, #tpu.memory_space<vmem>>
      %dma_start3A_46 = arith.constant 0 : i32
      %dma_start3A_47 = arith.constant 0 : i32
      %dma_start3A_48 = tpu.memref_slice %arg7[%dma_start3A_46, %dma_start3A_47] : memref<10112x128xf32, #tpu.memory_space<vmem_shared>> -> memref<10112x128xf32, #tpu.memory_space<vmem_shared>>
      tpu.enqueue_indirect_dma source(%arg5 : memref<125x128xf32, #tpu.memory_space<vmem>>) target(%dma_start3A_48 : memref<10112x128xf32, #tpu.memory_space<vmem_shared>>) offsets(%dma_start3A_45 : memref<125xi32, #tpu.memory_space<vmem>>) semaphore(%arg8 : memref<!tpu.dma_semaphore, #tpu.memory_space<semaphore_mem>>) {add = true}
      %mul3A_49 = arith.constant 10 : i32
      %mul3A_50 = arith.muli %scan3A_39, %mul3A_49 : i32
      %add3A_51 = arith.constant 1 : i32
      %add3A_52 = arith.addi %mul3A_50, %add3A_51 : i32
      %dma_start3A_53 = arith.constant 0 : i32
      %dma_start3A_54 = tpu.memref_slice %arg4[%add3A_52, %dma_start3A_53] : memref<80x125xi32, #tpu.memory_space<vmem>> -> memref<1x125xi32, #tpu.memory_space<vmem>>
      %dma_start3A_55 = tpu.memref_squeeze %dma_start3A_54 : memref<1x125xi32, #tpu.memory_space<vmem>> -> memref<125xi32, #tpu.memory_space<vmem>>
      %dma_start3A_56 = arith.constant 0 : i32
      %dma_start3A_57 = arith.constant 0 : i32
      %dma_start3A_58 = tpu.memref_slice %arg7[%dma_start3A_56, %dma_start3A_57] : memref<10112x128xf32, #tpu.memory_space<vmem_shared>> -> memref<10112x128xf32, #tpu.memory_space<vmem_shared>>
      tpu.enqueue_indirect_dma source(%arg5 : memref<125x128xf32, #tpu.memory_space<vmem>>) target(%dma_start3A_58 : memref<10112x128xf32, #tpu.memory_space<vmem_shared>>) offsets(%dma_start3A_55 : memref<125xi32, #tpu.memory_space<vmem>>) semaphore(%arg8 : memref<!tpu.dma_semaphore, #tpu.memory_space<semaphore_mem>>) {add = true}
      %mul3A_59 = arith.constant 10 : i32
      %mul3A_60 = arith.muli %scan3A_39, %mul3A_59 : i32
      %add3A_61 = arith.constant 2 : i32
      %add3A_62 = arith.addi %mul3A_60, %add3A_61 : i32
      %dma_start3A_63 = arith.constant 0 : i32
      %dma_start3A_64 = tpu.memref_slice %arg4[%add3A_62, %dma_start3A_63] : memref<80x125xi32, #tpu.memory_space<vmem>> -> memref<1x125xi32, #tpu.memory_space<vmem>>
      %dma_start3A_65 = tpu.memref_squeeze %dma_start3A_64 : memref<1x125xi32, #tpu.memory_space<vmem>> -> memref<125xi32, #tpu.memory_space<vmem>>
      %dma_start3A_66 = arith.constant 0 : i32
      %dma_start3A_67 = arith.constant 0 : i32
      %dma_start3A_68 = tpu.memref_slice %arg7[%dma_start3A_66, %dma_start3A_67] : memref<10112x128xf32, #tpu.memory_space<vmem_shared>> -> memref<10112x128xf32, #tpu.memory_space<vmem_shared>>
      tpu.enqueue_indirect_dma source(%arg5 : memref<125x128xf32, #tpu.memory_space<vmem>>) target(%dma_start3A_68 : memref<10112x128xf32, #tpu.memory_space<vmem_shared>>) offsets(%dma_start3A_65 : memref<125xi32, #tpu.memory_space<vmem>>) semaphore(%arg8 : memref<!tpu.dma_semaphore, #tpu.memory_space<semaphore_mem>>) {add = true}
      %mul3A_69 = arith.constant 10 : i32
      %mul3A_70 = arith.muli %scan3A_39, %mul3A_69 : i32
      %add3A_71 = arith.constant 3 : i32
      %add3A_72 = arith.addi %mul3A_70, %add3A_71 : i32
      %dma_start3A_73 = arith.constant 0 : i32
      %dma_start3A_74 = tpu.memref_slice %arg4[%add3A_72, %dma_start3A_73] : memref<80x125xi32, #tpu.memory_space<vmem>> -> memref<1x125xi32, #tpu.memory_space<vmem>>
      %dma_start3A_75 = tpu.memref_squeeze %dma_start3A_74 : memref<1x125xi32, #tpu.memory_space<vmem>> -> memref<125xi32, #tpu.memory_space<vmem>>
      %dma_start3A_76 = arith.constant 0 : i32
      %dma_start3A_77 = arith.constant 0 : i32
      %dma_start3A_78 = tpu.memref_slice %arg7[%dma_start3A_76, %dma_start3A_77] : memref<10112x128xf32, #tpu.memory_space<vmem_shared>> -> memref<10112x128xf32, #tpu.memory_space<vmem_shared>>
      tpu.enqueue_indirect_dma source(%arg5 : memref<125x128xf32, #tpu.memory_space<vmem>>) target(%dma_start3A_78 : memref<10112x128xf32, #tpu.memory_space<vmem_shared>>) offsets(%dma_start3A_75 : memref<125xi32, #tpu.memory_space<vmem>>) semaphore(%arg8 : memref<!tpu.dma_semaphore, #tpu.memory_space<semaphore_mem>>) {add = true}
      %mul3A_79 = arith.constant 10 : i32
      %mul3A_80 = arith.muli %scan3A_39, %mul3A_79 : i32
      %add3A_81 = arith.constant 4 : i32
      %add3A_82 = arith.addi %mul3A_80, %add3A_81 : i32
      %dma_start3A_83 = arith.constant 0 : i32
      %dma_start3A_84 = tpu.memref_slice %arg4[%add3A_82, %dma_start3A_83] : memref<80x125xi32, #tpu.memory_space<vmem>> -> memref<1x125xi32, #tpu.memory_space<vmem>>
      %dma_start3A_85 = tpu.memref_squeeze %dma_start3A_84 : memref<1x125xi32, #tpu.memory_space<vmem>> -> memref<125xi32, #tpu.memory_space<vmem>>
      %dma_start3A_86 = arith.constant 0 : i32
      %dma_start3A_87 = arith.constant 0 : i32
      %dma_start3A_88 = tpu.memref_slice %arg7[%dma_start3A_86, %dma_start3A_87] : memref<10112x128xf32, #tpu.memory_space<vmem_shared>> -> memref<10112x128xf32, #tpu.memory_space<vmem_shared>>
      tpu.enqueue_indirect_dma source(%arg5 : memref<125x128xf32, #tpu.memory_space<vmem>>) target(%dma_start3A_88 : memref<10112x128xf32, #tpu.memory_space<vmem_shared>>) offsets(%dma_start3A_85 : memref<125xi32, #tpu.memory_space<vmem>>) semaphore(%arg8 : memref<!tpu.dma_semaphore, #tpu.memory_space<semaphore_mem>>) {add = true}
      %mul3A_89 = arith.constant 10 : i32
      %mul3A_90 = arith.muli %scan3A_39, %mul3A_89 : i32
      %add3A_91 = arith.constant 5 : i32
      %add3A_92 = arith.addi %mul3A_90, %add3A_91 : i32
      %dma_start3A_93 = arith.constant 0 : i32
      %dma_start3A_94 = tpu.memref_slice %arg4[%add3A_92, %dma_start3A_93] : memref<80x125xi32, #tpu.memory_space<vmem>> -> memref<1x125xi32, #tpu.memory_space<vmem>>
      %dma_start3A_95 = tpu.memref_squeeze %dma_start3A_94 : memref<1x125xi32, #tpu.memory_space<vmem>> -> memref<125xi32, #tpu.memory_space<vmem>>
      %dma_start3A_96 = arith.constant 0 : i32
      %dma_start3A_97 = arith.constant 0 : i32
      %dma_start3A_98 = tpu.memref_slice %arg7[%dma_start3A_96, %dma_start3A_97] : memref<10112x128xf32, #tpu.memory_space<vmem_shared>> -> memref<10112x128xf32, #tpu.memory_space<vmem_shared>>
      tpu.enqueue_indirect_dma source(%arg5 : memref<125x128xf32, #tpu.memory_space<vmem>>) target(%dma_start3A_98 : memref<10112x128xf32, #tpu.memory_space<vmem_shared>>) offsets(%dma_start3A_95 : memref<125xi32, #tpu.memory_space<vmem>>) semaphore(%arg8 : memref<!tpu.dma_semaphore, #tpu.memory_space<semaphore_mem>>) {add = true}
      %mul3A_99 = arith.constant 10 : i32
      %mul3A_100 = arith.muli %scan3A_39, %mul3A_99 : i32
      %add3A_101 = arith.constant 6 : i32
      %add3A_102 = arith.addi %mul3A_100, %add3A_101 : i32
      %dma_start3A_103 = arith.constant 0 : i32
      %dma_start3A_104 = tpu.memref_slice %arg4[%add3A_102, %dma_start3A_103] : memref<80x125xi32, #tpu.memory_space<vmem>> -> memref<1x125xi32, #tpu.memory_space<vmem>>
      %dma_start3A_105 = tpu.memref_squeeze %dma_start3A_104 : memref<1x125xi32, #tpu.memory_space<vmem>> -> memref<125xi32, #tpu.memory_space<vmem>>
      %dma_start3A_106 = arith.constant 0 : i32
      %dma_start3A_107 = arith.constant 0 : i32
      %dma_start3A_108 = tpu.memref_slice %arg7[%dma_start3A_106, %dma_start3A_107] : memref<10112x128xf32, #tpu.memory_space<vmem_shared>> -> memref<10112x128xf32, #tpu.memory_space<vmem_shared>>
      tpu.enqueue_indirect_dma source(%arg5 : memref<125x128xf32, #tpu.memory_space<vmem>>) target(%dma_start3A_108 : memref<10112x128xf32, #tpu.memory_space<vmem_shared>>) offsets(%dma_start3A_105 : memref<125xi32, #tpu.memory_space<vmem>>) semaphore(%arg8 : memref<!tpu.dma_semaphore, #tpu.memory_space<semaphore_mem>>) {add = true}
      %mul3A_109 = arith.constant 10 : i32
      %mul3A_110 = arith.muli %scan3A_39, %mul3A_109 : i32
      %add3A_111 = arith.constant 7 : i32
      %add3A_112 = arith.addi %mul3A_110, %add3A_111 : i32
      %dma_start3A_113 = arith.constant 0 : i32
      %dma_start3A_114 = tpu.memref_slice %arg4[%add3A_112, %dma_start3A_113] : memref<80x125xi32, #tpu.memory_space<vmem>> -> memref<1x125xi32, #tpu.memory_space<vmem>>
      %dma_start3A_115 = tpu.memref_squeeze %dma_start3A_114 : memref<1x125xi32, #tpu.memory_space<vmem>> -> memref<125xi32, #tpu.memory_space<vmem>>
      %dma_start3A_116 = arith.constant 0 : i32
      %dma_start3A_117 = arith.constant 0 : i32
      %dma_start3A_118 = tpu.memref_slice %arg7[%dma_start3A_116, %dma_start3A_117] : memref<10112x128xf32, #tpu.memory_space<vmem_shared>> -> memref<10112x128xf32, #tpu.memory_space<vmem_shared>>
      tpu.enqueue_indirect_dma source(%arg5 : memref<125x128xf32, #tpu.memory_space<vmem>>) target(%dma_start3A_118 : memref<10112x128xf32, #tpu.memory_space<vmem_shared>>) offsets(%dma_start3A_115 : memref<125xi32, #tpu.memory_space<vmem>>) semaphore(%arg8 : memref<!tpu.dma_semaphore, #tpu.memory_space<semaphore_mem>>) {add = true}
      %mul3A_119 = arith.constant 10 : i32
      %mul3A_120 = arith.muli %scan3A_39, %mul3A_119 : i32
      %add3A_121 = arith.constant 8 : i32
      %add3A_122 = arith.addi %mul3A_120, %add3A_121 : i32
      %dma_start3A_123 = arith.constant 0 : i32
      %dma_start3A_124 = tpu.memref_slice %arg4[%add3A_122, %dma_start3A_123] : memref<80x125xi32, #tpu.memory_space<vmem>> -> memref<1x125xi32, #tpu.memory_space<vmem>>
      %dma_start3A_125 = tpu.memref_squeeze %dma_start3A_124 : memref<1x125xi32, #tpu.memory_space<vmem>> -> memref<125xi32, #tpu.memory_space<vmem>>
      %dma_start3A_126 = arith.constant 0 : i32
      %dma_start3A_127 = arith.constant 0 : i32
      %dma_start3A_128 = tpu.memref_slice %arg7[%dma_start3A_126, %dma_start3A_127] : memref<10112x128xf32, #tpu.memory_space<vmem_shared>> -> memref<10112x128xf32, #tpu.memory_space<vmem_shared>>
      tpu.enqueue_indirect_dma source(%arg5 : memref<125x128xf32, #tpu.memory_space<vmem>>) target(%dma_start3A_128 : memref<10112x128xf32, #tpu.memory_space<vmem_shared>>) offsets(%dma_start3A_125 : memref<125xi32, #tpu.memory_space<vmem>>) semaphore(%arg8 : memref<!tpu.dma_semaphore, #tpu.memory_space<semaphore_mem>>) {add = true}
      %mul3A_129 = arith.constant 10 : i32
      %mul3A_130 = arith.muli %scan3A_39, %mul3A_129 : i32
      %add3A_131 = arith.constant 9 : i32
      %add3A_132 = arith.addi %mul3A_130, %add3A_131 : i32
      %dma_start3A_133 = arith.constant 0 : i32
      %dma_start3A_134 = tpu.memref_slice %arg4[%add3A_132, %dma_start3A_133] : memref<80x125xi32, #tpu.memory_space<vmem>> -> memref<1x125xi32, #tpu.memory_space<vmem>>
      %dma_start3A_135 = tpu.memref_squeeze %dma_start3A_134 : memref<1x125xi32, #tpu.memory_space<vmem>> -> memref<125xi32, #tpu.memory_space<vmem>>
      %dma_start3A_136 = arith.constant 0 : i32
      %dma_start3A_137 = arith.constant 0 : i32
      %dma_start3A_138 = tpu.memref_slice %arg7[%dma_start3A_136, %dma_start3A_137] : memref<10112x128xf32, #tpu.memory_space<vmem_shared>> -> memref<10112x128xf32, #tpu.memory_space<vmem_shared>>
      tpu.enqueue_indirect_dma source(%arg5 : memref<125x128xf32, #tpu.memory_space<vmem>>) target(%dma_start3A_138 : memref<10112x128xf32, #tpu.memory_space<vmem_shared>>) offsets(%dma_start3A_135 : memref<125xi32, #tpu.memory_space<vmem>>) semaphore(%arg8 : memref<!tpu.dma_semaphore, #tpu.memory_space<semaphore_mem>>) {add = true}
      %mul3A_139 = arith.constant 10 : i32
      %mul3A_140 = arith.muli %scan3A_39, %mul3A_139 : i32
      %add3A_141 = arith.constant 0 : i32
      %add3A_142 = arith.addi %mul3A_140, %add3A_141 : i32
      %dma_wait3A = arith.constant 0 : i32
      %dma_wait3A_143 = tpu.memref_slice %arg4[%add3A_142, %dma_wait3A] : memref<80x125xi32, #tpu.memory_space<vmem>> -> memref<1x125xi32, #tpu.memory_space<vmem>>
      %dma_wait3A_144 = tpu.memref_squeeze %dma_wait3A_143 : memref<1x125xi32, #tpu.memory_space<vmem>> -> memref<125xi32, #tpu.memory_space<vmem>>
      %dma_wait3A_145 = arith.constant 0 : i32
      %dma_wait3A_146 = arith.constant 0 : i32
      %dma_wait3A_147 = tpu.memref_slice %arg7[%dma_wait3A_145, %dma_wait3A_146] : memref<10112x128xf32, #tpu.memory_space<vmem_shared>> -> memref<10112x128xf32, #tpu.memory_space<vmem_shared>>
      tpu.wait_indirect_dma semaphore(%arg8 : memref<!tpu.dma_semaphore, #tpu.memory_space<semaphore_mem>>) src(%arg5 : memref<125x128xf32, #tpu.memory_space<vmem>>) dst(%dma_wait3A_147 : memref<10112x128xf32, #tpu.memory_space<vmem_shared>>)
      %mul3A_148 = arith.constant 10 : i32
      %mul3A_149 = arith.muli %scan3A_39, %mul3A_148 : i32
      %add3A_150 = arith.constant 1 : i32
      %add3A_151 = arith.addi %mul3A_149, %add3A_150 : i32
      %dma_wait3A_152 = arith.constant 0 : i32
      %dma_wait3A_153 = tpu.memref_slice %arg4[%add3A_151, %dma_wait3A_152] : memref<80x125xi32, #tpu.memory_space<vmem>> -> memref<1x125xi32, #tpu.memory_space<vmem>>
      %dma_wait3A_154 = tpu.memref_squeeze %dma_wait3A_153 : memref<1x125xi32, #tpu.memory_space<vmem>> -> memref<125xi32, #tpu.memory_space<vmem>>
      %dma_wait3A_155 = arith.constant 0 : i32
      %dma_wait3A_156 = arith.constant 0 : i32
      %dma_wait3A_157 = tpu.memref_slice %arg7[%dma_wait3A_155, %dma_wait3A_156] : memref<10112x128xf32, #tpu.memory_space<vmem_shared>> -> memref<10112x128xf32, #tpu.memory_space<vmem_shared>>
      tpu.wait_indirect_dma semaphore(%arg8 : memref<!tpu.dma_semaphore, #tpu.memory_space<semaphore_mem>>) src(%arg5 : memref<125x128xf32, #tpu.memory_space<vmem>>) dst(%dma_wait3A_157 : memref<10112x128xf32, #tpu.memory_space<vmem_shared>>)
      %mul3A_158 = arith.constant 10 : i32
      %mul3A_159 = arith.muli %scan3A_39, %mul3A_158 : i32
      %add3A_160 = arith.constant 2 : i32
      %add3A_161 = arith.addi %mul3A_159, %add3A_160 : i32
      %dma_wait3A_162 = arith.constant 0 : i32
      %dma_wait3A_163 = tpu.memref_slice %arg4[%add3A_161, %dma_wait3A_162] : memref<80x125xi32, #tpu.memory_space<vmem>> -> memref<1x125xi32, #tpu.memory_space<vmem>>
      %dma_wait3A_164 = tpu.memref_squeeze %dma_wait3A_163 : memref<1x125xi32, #tpu.memory_space<vmem>> -> memref<125xi32, #tpu.memory_space<vmem>>
      %dma_wait3A_165 = arith.constant 0 : i32
      %dma_wait3A_166 = arith.constant 0 : i32
      %dma_wait3A_167 = tpu.memref_slice %arg7[%dma_wait3A_165, %dma_wait3A_166] : memref<10112x128xf32, #tpu.memory_space<vmem_shared>> -> memref<10112x128xf32, #tpu.memory_space<vmem_shared>>
      tpu.wait_indirect_dma semaphore(%arg8 : memref<!tpu.dma_semaphore, #tpu.memory_space<semaphore_mem>>) src(%arg5 : memref<125x128xf32, #tpu.memory_space<vmem>>) dst(%dma_wait3A_167 : memref<10112x128xf32, #tpu.memory_space<vmem_shared>>)
      %mul3A_168 = arith.constant 10 : i32
      %mul3A_169 = arith.muli %scan3A_39, %mul3A_168 : i32
      %add3A_170 = arith.constant 3 : i32
      %add3A_171 = arith.addi %mul3A_169, %add3A_170 : i32
      %dma_wait3A_172 = arith.constant 0 : i32
      %dma_wait3A_173 = tpu.memref_slice %arg4[%add3A_171, %dma_wait3A_172] : memref<80x125xi32, #tpu.memory_space<vmem>> -> memref<1x125xi32, #tpu.memory_space<vmem>>
      %dma_wait3A_174 = tpu.memref_squeeze %dma_wait3A_173 : memref<1x125xi32, #tpu.memory_space<vmem>> -> memref<125xi32, #tpu.memory_space<vmem>>
      %dma_wait3A_175 = arith.constant 0 : i32
      %dma_wait3A_176 = arith.constant 0 : i32
      %dma_wait3A_177 = tpu.memref_slice %arg7[%dma_wait3A_175, %dma_wait3A_176] : memref<10112x128xf32, #tpu.memory_space<vmem_shared>> -> memref<10112x128xf32, #tpu.memory_space<vmem_shared>>
      tpu.wait_indirect_dma semaphore(%arg8 : memref<!tpu.dma_semaphore, #tpu.memory_space<semaphore_mem>>) src(%arg5 : memref<125x128xf32, #tpu.memory_space<vmem>>) dst(%dma_wait3A_177 : memref<10112x128xf32, #tpu.memory_space<vmem_shared>>)
      %mul3A_178 = arith.constant 10 : i32
      %mul3A_179 = arith.muli %scan3A_39, %mul3A_178 : i32
      %add3A_180 = arith.constant 4 : i32
      %add3A_181 = arith.addi %mul3A_179, %add3A_180 : i32
      %dma_wait3A_182 = arith.constant 0 : i32
      %dma_wait3A_183 = tpu.memref_slice %arg4[%add3A_181, %dma_wait3A_182] : memref<80x125xi32, #tpu.memory_space<vmem>> -> memref<1x125xi32, #tpu.memory_space<vmem>>
      %dma_wait3A_184 = tpu.memref_squeeze %dma_wait3A_183 : memref<1x125xi32, #tpu.memory_space<vmem>> -> memref<125xi32, #tpu.memory_space<vmem>>
      %dma_wait3A_185 = arith.constant 0 : i32
      %dma_wait3A_186 = arith.constant 0 : i32
      %dma_wait3A_187 = tpu.memref_slice %arg7[%dma_wait3A_185, %dma_wait3A_186] : memref<10112x128xf32, #tpu.memory_space<vmem_shared>> -> memref<10112x128xf32, #tpu.memory_space<vmem_shared>>
      tpu.wait_indirect_dma semaphore(%arg8 : memref<!tpu.dma_semaphore, #tpu.memory_space<semaphore_mem>>) src(%arg5 : memref<125x128xf32, #tpu.memory_space<vmem>>) dst(%dma_wait3A_187 : memref<10112x128xf32, #tpu.memory_space<vmem_shared>>)
      %mul3A_188 = arith.constant 10 : i32
      %mul3A_189 = arith.muli %scan3A_39, %mul3A_188 : i32
      %add3A_190 = arith.constant 5 : i32
      %add3A_191 = arith.addi %mul3A_189, %add3A_190 : i32
      %dma_wait3A_192 = arith.constant 0 : i32
      %dma_wait3A_193 = tpu.memref_slice %arg4[%add3A_191, %dma_wait3A_192] : memref<80x125xi32, #tpu.memory_space<vmem>> -> memref<1x125xi32, #tpu.memory_space<vmem>>
      %dma_wait3A_194 = tpu.memref_squeeze %dma_wait3A_193 : memref<1x125xi32, #tpu.memory_space<vmem>> -> memref<125xi32, #tpu.memory_space<vmem>>
      %dma_wait3A_195 = arith.constant 0 : i32
      %dma_wait3A_196 = arith.constant 0 : i32
      %dma_wait3A_197 = tpu.memref_slice %arg7[%dma_wait3A_195, %dma_wait3A_196] : memref<10112x128xf32, #tpu.memory_space<vmem_shared>> -> memref<10112x128xf32, #tpu.memory_space<vmem_shared>>
      tpu.wait_indirect_dma semaphore(%arg8 : memref<!tpu.dma_semaphore, #tpu.memory_space<semaphore_mem>>) src(%arg5 : memref<125x128xf32, #tpu.memory_space<vmem>>) dst(%dma_wait3A_197 : memref<10112x128xf32, #tpu.memory_space<vmem_shared>>)
      %mul3A_198 = arith.constant 10 : i32
      %mul3A_199 = arith.muli %scan3A_39, %mul3A_198 : i32
      %add3A_200 = arith.constant 6 : i32
      %add3A_201 = arith.addi %mul3A_199, %add3A_200 : i32
      %dma_wait3A_202 = arith.constant 0 : i32
      %dma_wait3A_203 = tpu.memref_slice %arg4[%add3A_201, %dma_wait3A_202] : memref<80x125xi32, #tpu.memory_space<vmem>> -> memref<1x125xi32, #tpu.memory_space<vmem>>
      %dma_wait3A_204 = tpu.memref_squeeze %dma_wait3A_203 : memref<1x125xi32, #tpu.memory_space<vmem>> -> memref<125xi32, #tpu.memory_space<vmem>>
      %dma_wait3A_205 = arith.constant 0 : i32
      %dma_wait3A_206 = arith.constant 0 : i32
      %dma_wait3A_207 = tpu.memref_slice %arg7[%dma_wait3A_205, %dma_wait3A_206] : memref<10112x128xf32, #tpu.memory_space<vmem_shared>> -> memref<10112x128xf32, #tpu.memory_space<vmem_shared>>
      tpu.wait_indirect_dma semaphore(%arg8 : memref<!tpu.dma_semaphore, #tpu.memory_space<semaphore_mem>>) src(%arg5 : memref<125x128xf32, #tpu.memory_space<vmem>>) dst(%dma_wait3A_207 : memref<10112x128xf32, #tpu.memory_space<vmem_shared>>)
      %mul3A_208 = arith.constant 10 : i32
      %mul3A_209 = arith.muli %scan3A_39, %mul3A_208 : i32
      %add3A_210 = arith.constant 7 : i32
      %add3A_211 = arith.addi %mul3A_209, %add3A_210 : i32
      %dma_wait3A_212 = arith.constant 0 : i32
      %dma_wait3A_213 = tpu.memref_slice %arg4[%add3A_211, %dma_wait3A_212] : memref<80x125xi32, #tpu.memory_space<vmem>> -> memref<1x125xi32, #tpu.memory_space<vmem>>
      %dma_wait3A_214 = tpu.memref_squeeze %dma_wait3A_213 : memref<1x125xi32, #tpu.memory_space<vmem>> -> memref<125xi32, #tpu.memory_space<vmem>>
      %dma_wait3A_215 = arith.constant 0 : i32
      %dma_wait3A_216 = arith.constant 0 : i32
      %dma_wait3A_217 = tpu.memref_slice %arg7[%dma_wait3A_215, %dma_wait3A_216] : memref<10112x128xf32, #tpu.memory_space<vmem_shared>> -> memref<10112x128xf32, #tpu.memory_space<vmem_shared>>
      tpu.wait_indirect_dma semaphore(%arg8 : memref<!tpu.dma_semaphore, #tpu.memory_space<semaphore_mem>>) src(%arg5 : memref<125x128xf32, #tpu.memory_space<vmem>>) dst(%dma_wait3A_217 : memref<10112x128xf32, #tpu.memory_space<vmem_shared>>)
      %mul3A_218 = arith.constant 10 : i32
      %mul3A_219 = arith.muli %scan3A_39, %mul3A_218 : i32
      %add3A_220 = arith.constant 8 : i32
      %add3A_221 = arith.addi %mul3A_219, %add3A_220 : i32
      %dma_wait3A_222 = arith.constant 0 : i32
      %dma_wait3A_223 = tpu.memref_slice %arg4[%add3A_221, %dma_wait3A_222] : memref<80x125xi32, #tpu.memory_space<vmem>> -> memref<1x125xi32, #tpu.memory_space<vmem>>
      %dma_wait3A_224 = tpu.memref_squeeze %dma_wait3A_223 : memref<1x125xi32, #tpu.memory_space<vmem>> -> memref<125xi32, #tpu.memory_space<vmem>>
      %dma_wait3A_225 = arith.constant 0 : i32
      %dma_wait3A_226 = arith.constant 0 : i32
      %dma_wait3A_227 = tpu.memref_slice %arg7[%dma_wait3A_225, %dma_wait3A_226] : memref<10112x128xf32, #tpu.memory_space<vmem_shared>> -> memref<10112x128xf32, #tpu.memory_space<vmem_shared>>
      tpu.wait_indirect_dma semaphore(%arg8 : memref<!tpu.dma_semaphore, #tpu.memory_space<semaphore_mem>>) src(%arg5 : memref<125x128xf32, #tpu.memory_space<vmem>>) dst(%dma_wait3A_227 : memref<10112x128xf32, #tpu.memory_space<vmem_shared>>)
      %mul3A_228 = arith.constant 10 : i32
      %mul3A_229 = arith.muli %scan3A_39, %mul3A_228 : i32
      %add3A_230 = arith.constant 9 : i32
      %add3A_231 = arith.addi %mul3A_229, %add3A_230 : i32
      %dma_wait3A_232 = arith.constant 0 : i32
      %dma_wait3A_233 = tpu.memref_slice %arg4[%add3A_231, %dma_wait3A_232] : memref<80x125xi32, #tpu.memory_space<vmem>> -> memref<1x125xi32, #tpu.memory_space<vmem>>
      %dma_wait3A_234 = tpu.memref_squeeze %dma_wait3A_233 : memref<1x125xi32, #tpu.memory_space<vmem>> -> memref<125xi32, #tpu.memory_space<vmem>>
      %dma_wait3A_235 = arith.constant 0 : i32
      %dma_wait3A_236 = arith.constant 0 : i32
      %dma_wait3A_237 = tpu.memref_slice %arg7[%dma_wait3A_235, %dma_wait3A_236] : memref<10112x128xf32, #tpu.memory_space<vmem_shared>> -> memref<10112x128xf32, #tpu.memory_space<vmem_shared>>
      tpu.wait_indirect_dma semaphore(%arg8 : memref<!tpu.dma_semaphore, #tpu.memory_space<semaphore_mem>>) src(%arg5 : memref<125x128xf32, #tpu.memory_space<vmem>>) dst(%dma_wait3A_237 : memref<10112x128xf32, #tpu.memory_space<vmem_shared>>)
    }
    %scan3A_24 = arith.constant 8 : i32
    %barrier3A_25 = arith.constant 0 : index
    tpu.barrier barrier_id(%barrier3A_25)
    %scan3A_26 = arith.constant 0 : i32
    %scan3A_27 = arith.constant 0 : i32
    %scan3A_28 = arith.constant 7 : i32
    %scan3A_29 = arith.addi %scan3A_27, %scan3A_28 : i32
    %scan3A_30 = arith.constant 1 : i32
    scf.for %scan3A_39 = %scan3A_27 to %scan3A_29 step %scan3A_30  : i32 {
      %mul3A_40 = arith.constant 632 : i32
      %mul3A_41 = arith.muli %arg1, %mul3A_40 : i32
      %mul3A_42 = arith.constant 80 : i32
      %mul3A_43 = arith.muli %scan3A_39, %mul3A_42 : i32
      %add3A_44 = arith.addi %mul3A_41, %mul3A_43 : i32
      "tpu.region"() ({
        %run_scoped3A_48 = tpu.sem_alloc : memref<!tpu.dma_semaphore, #tpu.memory_space<semaphore_mem>>
        %dma_start3A = arith.constant 0 : i32
        %dma_start3A_49 = arith.constant 0 : i32
        %dma_start3A_50 = tpu.memref_slice %arg6[%dma_start3A, %dma_start3A_49] : memref<125x128xf32, #tpu.memory_space<vmem>> -> memref<80x128xf32, #tpu.memory_space<vmem>>
        %dma_start3A_51 = arith.constant 0 : i32
        %dma_start3A_52 = tpu.memref_slice %arg7[%add3A_44, %dma_start3A_51] : memref<10112x128xf32, #tpu.memory_space<vmem_shared>> -> memref<80x128xf32, #tpu.memory_space<vmem_shared>>
        %dma_start3A_53 = arith.constant 0 : i32
        %dma_start3A_54 = arith.constant 0 : i32
        %dma_start3A_55 = tpu.memref_slice %arg6[%dma_start3A_53, %dma_start3A_54] : memref<125x128xf32, #tpu.memory_space<vmem>> -> memref<80x128xf32, #tpu.memory_space<vmem>>
        %dma_start3A_56 = arith.constant 0 : i32
        %dma_start3A_57 = tpu.memref_slice %arg7[%add3A_44, %dma_start3A_56] : memref<10112x128xf32, #tpu.memory_space<vmem_shared>> -> memref<80x128xf32, #tpu.memory_space<vmem_shared>>
        tpu.enqueue_dma source(%dma_start3A_57 : memref<80x128xf32, #tpu.memory_space<vmem_shared>>) target(%dma_start3A_55 : memref<80x128xf32, #tpu.memory_space<vmem>>) target_semaphore(%run_scoped3A_48 : memref<!tpu.dma_semaphore, #tpu.memory_space<semaphore_mem>>)
        %dma_wait3A = arith.constant 0 : i32
        %dma_wait3A_58 = arith.constant 0 : i32
        %dma_wait3A_59 = tpu.memref_slice %arg6[%dma_wait3A, %dma_wait3A_58] : memref<125x128xf32, #tpu.memory_space<vmem>> -> memref<80x128xf32, #tpu.memory_space<vmem>>
        %dma_wait3A_60 = arith.constant 0 : i32
        %dma_wait3A_61 = tpu.memref_slice %arg7[%add3A_44, %dma_wait3A_60] : memref<10112x128xf32, #tpu.memory_space<vmem_shared>> -> memref<80x128xf32, #tpu.memory_space<vmem_shared>>
        %dma_wait3A_62 = arith.constant 0 : i32
        %dma_wait3A_63 = arith.constant 0 : i32
        %dma_wait3A_64 = tpu.memref_slice %arg6[%dma_wait3A_62, %dma_wait3A_63] : memref<125x128xf32, #tpu.memory_space<vmem>> -> memref<80x128xf32, #tpu.memory_space<vmem>>
        %dma_wait3A_65 = arith.constant 0 : i32
        %dma_wait3A_66 = tpu.memref_slice %arg7[%add3A_44, %dma_wait3A_65] : memref<10112x128xf32, #tpu.memory_space<vmem_shared>> -> memref<80x128xf32, #tpu.memory_space<vmem_shared>>
        tpu.wait_dma2 semaphore(%run_scoped3A_48 : memref<!tpu.dma_semaphore, #tpu.memory_space<semaphore_mem>>) src(%dma_wait3A_66 : memref<80x128xf32, #tpu.memory_space<vmem_shared>>) dst(%dma_wait3A_64 : memref<80x128xf32, #tpu.memory_space<vmem>>)
        tpu.yield
      }) : () -> ()
      %mul3A_45 = arith.constant 10112 : i32
      %mul3A_46 = arith.muli %arg0, %mul3A_45 : i32
      %add3A_47 = arith.addi %mul3A_46, %add3A_44 : i32
      "tpu.region"() ({
        %run_scoped3A_48 = tpu.sem_alloc : memref<!tpu.dma_semaphore, #tpu.memory_space<semaphore_mem>>
        %dma_start3A = arith.constant 0 : i32
        %dma_start3A_49 = arith.constant 0 : i32
        %dma_start3A_50 = tpu.memref_slice %arg6[%dma_start3A, %dma_start3A_49] : memref<125x128xf32, #tpu.memory_space<vmem>> -> memref<80x128xf32, #tpu.memory_space<vmem>>
        %dma_start3A_51 = arith.constant 0 : i32
        %dma_start3A_52 = tpu.memref_slice %arg3[%add3A_47, %dma_start3A_51] : memref<20224x128xf32, #tpu.memory_space<hbm>> -> memref<80x128xf32, #tpu.memory_space<hbm>>
        %dma_start3A_53 = arith.constant 0 : i32
        %dma_start3A_54 = tpu.memref_slice %arg3[%add3A_47, %dma_start3A_53] : memref<20224x128xf32, #tpu.memory_space<hbm>> -> memref<80x128xf32, #tpu.memory_space<hbm>>
        %dma_start3A_55 = arith.constant 0 : i32
        %dma_start3A_56 = arith.constant 0 : i32
        %dma_start3A_57 = tpu.memref_slice %arg6[%dma_start3A_55, %dma_start3A_56] : memref<125x128xf32, #tpu.memory_space<vmem>> -> memref<80x128xf32, #tpu.memory_space<vmem>>
        tpu.enqueue_dma source(%dma_start3A_57 : memref<80x128xf32, #tpu.memory_space<vmem>>) target(%dma_start3A_54 : memref<80x128xf32, #tpu.memory_space<hbm>>) target_semaphore(%run_scoped3A_48 : memref<!tpu.dma_semaphore, #tpu.memory_space<semaphore_mem>>)
        %dma_wait3A = arith.constant 0 : i32
        %dma_wait3A_58 = arith.constant 0 : i32
        %dma_wait3A_59 = tpu.memref_slice %arg6[%dma_wait3A, %dma_wait3A_58] : memref<125x128xf32, #tpu.memory_space<vmem>> -> memref<80x128xf32, #tpu.memory_space<vmem>>
        %dma_wait3A_60 = arith.constant 0 : i32
        %dma_wait3A_61 = tpu.memref_slice %arg3[%add3A_47, %dma_wait3A_60] : memref<20224x128xf32, #tpu.memory_space<hbm>> -> memref<80x128xf32, #tpu.memory_space<hbm>>
        %dma_wait3A_62 = arith.constant 0 : i32
        %dma_wait3A_63 = tpu.memref_slice %arg3[%add3A_47, %dma_wait3A_62] : memref<20224x128xf32, #tpu.memory_space<hbm>> -> memref<80x128xf32, #tpu.memory_space<hbm>>
        %dma_wait3A_64 = arith.constant 0 : i32
        %dma_wait3A_65 = arith.constant 0 : i32
        %dma_wait3A_66 = tpu.memref_slice %arg6[%dma_wait3A_64, %dma_wait3A_65] : memref<125x128xf32, #tpu.memory_space<vmem>> -> memref<80x128xf32, #tpu.memory_space<vmem>>
        tpu.wait_dma2 semaphore(%run_scoped3A_48 : memref<!tpu.dma_semaphore, #tpu.memory_space<semaphore_mem>>) src(%dma_wait3A_66 : memref<80x128xf32, #tpu.memory_space<vmem>>) dst(%dma_wait3A_63 : memref<80x128xf32, #tpu.memory_space<hbm>>)
        tpu.yield
      }) : () -> ()
    }
    %scan3A_31 = arith.constant 7 : i32
    %mul3A_32 = arith.constant 632 : i32
    %mul3A_33 = arith.muli %arg1, %mul3A_32 : i32
    %add3A_34 = arith.constant 560 : i32
    %add3A_35 = arith.addi %mul3A_33, %add3A_34 : i32
    "tpu.region"() ({
      %run_scoped3A_39 = tpu.sem_alloc : memref<!tpu.dma_semaphore, #tpu.memory_space<semaphore_mem>>
      %dma_start3A = arith.constant 0 : i32
      %dma_start3A_40 = arith.constant 0 : i32
      %dma_start3A_41 = tpu.memref_slice %arg6[%dma_start3A, %dma_start3A_40] : memref<125x128xf32, #tpu.memory_space<vmem>> -> memref<72x128xf32, #tpu.memory_space<vmem>>
      %dma_start3A_42 = arith.constant 0 : i32
      %dma_start3A_43 = tpu.memref_slice %arg7[%add3A_35, %dma_start3A_42] : memref<10112x128xf32, #tpu.memory_space<vmem_shared>> -> memref<72x128xf32, #tpu.memory_space<vmem_shared>>
      %dma_start3A_44 = arith.constant 0 : i32
      %dma_start3A_45 = arith.constant 0 : i32
      %dma_start3A_46 = tpu.memref_slice %arg6[%dma_start3A_44, %dma_start3A_45] : memref<125x128xf32, #tpu.memory_space<vmem>> -> memref<72x128xf32, #tpu.memory_space<vmem>>
      %dma_start3A_47 = arith.constant 0 : i32
      %dma_start3A_48 = tpu.memref_slice %arg7[%add3A_35, %dma_start3A_47] : memref<10112x128xf32, #tpu.memory_space<vmem_shared>> -> memref<72x128xf32, #tpu.memory_space<vmem_shared>>
      tpu.enqueue_dma source(%dma_start3A_48 : memref<72x128xf32, #tpu.memory_space<vmem_shared>>) target(%dma_start3A_46 : memref<72x128xf32, #tpu.memory_space<vmem>>) target_semaphore(%run_scoped3A_39 : memref<!tpu.dma_semaphore, #tpu.memory_space<semaphore_mem>>)
      %dma_wait3A = arith.constant 0 : i32
      %dma_wait3A_49 = arith.constant 0 : i32
      %dma_wait3A_50 = tpu.memref_slice %arg6[%dma_wait3A, %dma_wait3A_49] : memref<125x128xf32, #tpu.memory_space<vmem>> -> memref<72x128xf32, #tpu.memory_space<vmem>>
      %dma_wait3A_51 = arith.constant 0 : i32
      %dma_wait3A_52 = tpu.memref_slice %arg7[%add3A_35, %dma_wait3A_51] : memref<10112x128xf32, #tpu.memory_space<vmem_shared>> -> memref<72x128xf32, #tpu.memory_space<vmem_shared>>
      %dma_wait3A_53 = arith.constant 0 : i32
      %dma_wait3A_54 = arith.constant 0 : i32
      %dma_wait3A_55 = tpu.memref_slice %arg6[%dma_wait3A_53, %dma_wait3A_54] : memref<125x128xf32, #tpu.memory_space<vmem>> -> memref<72x128xf32, #tpu.memory_space<vmem>>
      %dma_wait3A_56 = arith.constant 0 : i32
      %dma_wait3A_57 = tpu.memref_slice %arg7[%add3A_35, %dma_wait3A_56] : memref<10112x128xf32, #tpu.memory_space<vmem_shared>> -> memref<72x128xf32, #tpu.memory_space<vmem_shared>>
      tpu.wait_dma2 semaphore(%run_scoped3A_39 : memref<!tpu.dma_semaphore, #tpu.memory_space<semaphore_mem>>) src(%dma_wait3A_57 : memref<72x128xf32, #tpu.memory_space<vmem_shared>>) dst(%dma_wait3A_55 : memref<72x128xf32, #tpu.memory_space<vmem>>)
      tpu.yield
    }) : () -> ()
    %mul3A_36 = arith.constant 10112 : i32
    %mul3A_37 = arith.muli %arg0, %mul3A_36 : i32
    %add3A_38 = arith.addi %mul3A_37, %add3A_35 : i32
    "tpu.region"() ({
      %run_scoped3A_39 = tpu.sem_alloc : memref<!tpu.dma_semaphore, #tpu.memory_space<semaphore_mem>>
      %dma_start3A = arith.constant 0 : i32
      %dma_start3A_40 = arith.constant 0 : i32
      %dma_start3A_41 = tpu.memref_slice %arg6[%dma_start3A, %dma_start3A_40] : memref<125x128xf32, #tpu.memory_space<vmem>> -> memref<72x128xf32, #tpu.memory_space<vmem>>
      %dma_start3A_42 = arith.constant 0 : i32
      %dma_start3A_43 = tpu.memref_slice %arg3[%add3A_38, %dma_start3A_42] : memref<20224x128xf32, #tpu.memory_space<hbm>> -> memref<72x128xf32, #tpu.memory_space<hbm>>
      %dma_start3A_44 = arith.constant 0 : i32
      %dma_start3A_45 = tpu.memref_slice %arg3[%add3A_38, %dma_start3A_44] : memref<20224x128xf32, #tpu.memory_space<hbm>> -> memref<72x128xf32, #tpu.memory_space<hbm>>
      %dma_start3A_46 = arith.constant 0 : i32
      %dma_start3A_47 = arith.constant 0 : i32
      %dma_start3A_48 = tpu.memref_slice %arg6[%dma_start3A_46, %dma_start3A_47] : memref<125x128xf32, #tpu.memory_space<vmem>> -> memref<72x128xf32, #tpu.memory_space<vmem>>
      tpu.enqueue_dma source(%dma_start3A_48 : memref<72x128xf32, #tpu.memory_space<vmem>>) target(%dma_start3A_45 : memref<72x128xf32, #tpu.memory_space<hbm>>) target_semaphore(%run_scoped3A_39 : memref<!tpu.dma_semaphore, #tpu.memory_space<semaphore_mem>>)
      %dma_wait3A = arith.constant 0 : i32
      %dma_wait3A_49 = arith.constant 0 : i32
      %dma_wait3A_50 = tpu.memref_slice %arg6[%dma_wait3A, %dma_wait3A_49] : memref<125x128xf32, #tpu.memory_space<vmem>> -> memref<72x128xf32, #tpu.memory_space<vmem>>
      %dma_wait3A_51 = arith.constant 0 : i32
      %dma_wait3A_52 = tpu.memref_slice %arg3[%add3A_38, %dma_wait3A_51] : memref<20224x128xf32, #tpu.memory_space<hbm>> -> memref<72x128xf32, #tpu.memory_space<hbm>>
      %dma_wait3A_53 = arith.constant 0 : i32
      %dma_wait3A_54 = tpu.memref_slice %arg3[%add3A_38, %dma_wait3A_53] : memref<20224x128xf32, #tpu.memory_space<hbm>> -> memref<72x128xf32, #tpu.memory_space<hbm>>
      %dma_wait3A_55 = arith.constant 0 : i32
      %dma_wait3A_56 = arith.constant 0 : i32
      %dma_wait3A_57 = tpu.memref_slice %arg6[%dma_wait3A_55, %dma_wait3A_56] : memref<125x128xf32, #tpu.memory_space<vmem>> -> memref<72x128xf32, #tpu.memory_space<vmem>>
      tpu.wait_dma2 semaphore(%run_scoped3A_39 : memref<!tpu.dma_semaphore, #tpu.memory_space<semaphore_mem>>) src(%dma_wait3A_57 : memref<72x128xf32, #tpu.memory_space<vmem>>) dst(%dma_wait3A_54 : memref<72x128xf32, #tpu.memory_space<hbm>>)
      tpu.yield
    }) : () -> ()
    return
  }
}

#map = affine_map<(d0, d1) -> (0, 0)>
#map1 = affine_map<(d0, d1) -> (0, 0, 0, 0)>
module attributes {stable_mosaic.version = 14 : i64} {
  func.func @scat_kernel(%arg0: i32, %arg1: i32, %arg2: memref<10112x128xf32, #tpu.memory_space<hbm>>, %arg3: memref<32x2x80x125xi32, #tpu.memory_space<hbm>>, %arg4: memref<20224x128xf32, #tpu.memory_space<hbm>>, %arg5: memref<80x125xi32, #tpu.memory_space<vmem>>, %arg6: memref<80x125xi32, #tpu.memory_space<vmem>>, %arg7: memref<125x128xf32, #tpu.memory_space<vmem>>, %arg8: memref<10112x128xf32, #tpu.memory_space<vmem_shared>>, %arg9: memref<!tpu.dma_semaphore, #tpu.memory_space<semaphore_mem>>) attributes {dimension_semantics = [#tpu.dimension_semantics<core_parallel>, #tpu.dimension_semantics<subcore_parallel>], iteration_bounds = array<i64: 2, 16>, scalar_prefetch = 0 : i64, scratch_operands = 5 : i64, tpu.core_type = #tpu.core_type<sc_vector_subcore>, window_params = [{transform_indices = #map}, {transform_indices = #map1}, {transform_indices = #map}]} {
    %mul3A = arith.constant 16 : i32
    %mul3A_0 = arith.muli %arg0, %mul3A : i32
    %add3A = arith.addi %mul3A_0, %arg1 : i32
    %broadcast_in_dim3A = arith.constant 0.000000e+00 : f32
    %broadcast_in_dim3A_1 = vector.broadcast %broadcast_in_dim3A : f32 to vector<16xf32>
    %scan3A = arith.constant 0 : i32
    %scan3A_2 = arith.constant 0 : i32
    %scan3A_3 = arith.constant 125 : i32
    %scan3A_4 = arith.addi %scan3A_2, %scan3A_3 : i32
    %scan3A_5 = arith.constant 1 : i32
    scf.for %scan3A_38 = %scan3A_2 to %scan3A_4 step %scan3A_5  : i32 {
      %swap3A = arith.index_cast %scan3A_38 : i32 to index
      %swap3A_39 = arith.constant 0 : index
      %swap3A_40 = tpu.vector_load %arg7[%swap3A, %swap3A_39] {strides = array<i32>} : memref<125x128xf32, #tpu.memory_space<vmem>>, vector<1x16xf32>,
      %swap3A_41 = vector.shape_cast %swap3A_40 : vector<1x16xf32> to vector<16xf32>
      %swap3A_42 = vector.shape_cast %broadcast_in_dim3A_1 : vector<16xf32> to vector<1x16xf32>
      tpu.vector_store %arg7[%swap3A, %swap3A_39], %swap3A_42 {strides = array<i32>} : memref<125x128xf32, #tpu.memory_space<vmem>>, vector<1x16xf32>,
      %swap3A_43 = arith.index_cast %scan3A_38 : i32 to index
      %swap3A_44 = arith.constant 16 : index
      %swap3A_45 = tpu.vector_load %arg7[%swap3A_43, %swap3A_44] {strides = array<i32>} : memref<125x128xf32, #tpu.memory_space<vmem>>, vector<1x16xf32>,
      %swap3A_46 = vector.shape_cast %swap3A_45 : vector<1x16xf32> to vector<16xf32>
      %swap3A_47 = vector.shape_cast %broadcast_in_dim3A_1 : vector<16xf32> to vector<1x16xf32>
      tpu.vector_store %arg7[%swap3A_43, %swap3A_44], %swap3A_47 {strides = array<i32>} : memref<125x128xf32, #tpu.memory_space<vmem>>, vector<1x16xf32>,
      %swap3A_48 = arith.index_cast %scan3A_38 : i32 to index
      %swap3A_49 = arith.constant 32 : index
      %swap3A_50 = tpu.vector_load %arg7[%swap3A_48, %swap3A_49] {strides = array<i32>} : memref<125x128xf32, #tpu.memory_space<vmem>>, vector<1x16xf32>,
      %swap3A_51 = vector.shape_cast %swap3A_50 : vector<1x16xf32> to vector<16xf32>
      %swap3A_52 = vector.shape_cast %broadcast_in_dim3A_1 : vector<16xf32> to vector<1x16xf32>
      tpu.vector_store %arg7[%swap3A_48, %swap3A_49], %swap3A_52 {strides = array<i32>} : memref<125x128xf32, #tpu.memory_space<vmem>>, vector<1x16xf32>,
      %swap3A_53 = arith.index_cast %scan3A_38 : i32 to index
      %swap3A_54 = arith.constant 48 : index
      %swap3A_55 = tpu.vector_load %arg7[%swap3A_53, %swap3A_54] {strides = array<i32>} : memref<125x128xf32, #tpu.memory_space<vmem>>, vector<1x16xf32>,
      %swap3A_56 = vector.shape_cast %swap3A_55 : vector<1x16xf32> to vector<16xf32>
      %swap3A_57 = vector.shape_cast %broadcast_in_dim3A_1 : vector<16xf32> to vector<1x16xf32>
      tpu.vector_store %arg7[%swap3A_53, %swap3A_54], %swap3A_57 {strides = array<i32>} : memref<125x128xf32, #tpu.memory_space<vmem>>, vector<1x16xf32>,
      %swap3A_58 = arith.index_cast %scan3A_38 : i32 to index
      %swap3A_59 = arith.constant 64 : index
      %swap3A_60 = tpu.vector_load %arg7[%swap3A_58, %swap3A_59] {strides = array<i32>} : memref<125x128xf32, #tpu.memory_space<vmem>>, vector<1x16xf32>,
      %swap3A_61 = vector.shape_cast %swap3A_60 : vector<1x16xf32> to vector<16xf32>
      %swap3A_62 = vector.shape_cast %broadcast_in_dim3A_1 : vector<16xf32> to vector<1x16xf32>
      tpu.vector_store %arg7[%swap3A_58, %swap3A_59], %swap3A_62 {strides = array<i32>} : memref<125x128xf32, #tpu.memory_space<vmem>>, vector<1x16xf32>,
      %swap3A_63 = arith.index_cast %scan3A_38 : i32 to index
      %swap3A_64 = arith.constant 80 : index
      %swap3A_65 = tpu.vector_load %arg7[%swap3A_63, %swap3A_64] {strides = array<i32>} : memref<125x128xf32, #tpu.memory_space<vmem>>, vector<1x16xf32>,
      %swap3A_66 = vector.shape_cast %swap3A_65 : vector<1x16xf32> to vector<16xf32>
      %swap3A_67 = vector.shape_cast %broadcast_in_dim3A_1 : vector<16xf32> to vector<1x16xf32>
      tpu.vector_store %arg7[%swap3A_63, %swap3A_64], %swap3A_67 {strides = array<i32>} : memref<125x128xf32, #tpu.memory_space<vmem>>, vector<1x16xf32>,
      %swap3A_68 = arith.index_cast %scan3A_38 : i32 to index
      %swap3A_69 = arith.constant 96 : index
      %swap3A_70 = tpu.vector_load %arg7[%swap3A_68, %swap3A_69] {strides = array<i32>} : memref<125x128xf32, #tpu.memory_space<vmem>>, vector<1x16xf32>,
      %swap3A_71 = vector.shape_cast %swap3A_70 : vector<1x16xf32> to vector<16xf32>
      %swap3A_72 = vector.shape_cast %broadcast_in_dim3A_1 : vector<16xf32> to vector<1x16xf32>
      tpu.vector_store %arg7[%swap3A_68, %swap3A_69], %swap3A_72 {strides = array<i32>} : memref<125x128xf32, #tpu.memory_space<vmem>>, vector<1x16xf32>,
      %swap3A_73 = arith.index_cast %scan3A_38 : i32 to index
      %swap3A_74 = arith.constant 112 : index
      %swap3A_75 = tpu.vector_load %arg7[%swap3A_73, %swap3A_74] {strides = array<i32>} : memref<125x128xf32, #tpu.memory_space<vmem>>, vector<1x16xf32>,
      %swap3A_76 = vector.shape_cast %swap3A_75 : vector<1x16xf32> to vector<16xf32>
      %swap3A_77 = vector.shape_cast %broadcast_in_dim3A_1 : vector<16xf32> to vector<1x16xf32>
      tpu.vector_store %arg7[%swap3A_73, %swap3A_74], %swap3A_77 {strides = array<i32>} : memref<125x128xf32, #tpu.memory_space<vmem>>, vector<1x16xf32>,
    }
    %scan3A_6 = arith.constant 125 : i32
    %scan3A_7 = arith.constant 0 : i32
    %scan3A_8 = arith.constant 0 : i32
    %scan3A_9 = arith.constant 7 : i32
    %scan3A_10 = arith.addi %scan3A_8, %scan3A_9 : i32
    %scan3A_11 = arith.constant 1 : i32
    scf.for %scan3A_38 = %scan3A_8 to %scan3A_10 step %scan3A_11  : i32 {
      %mul3A_39 = arith.constant 632 : i32
      %mul3A_40 = arith.muli %arg1, %mul3A_39 : i32
      %mul3A_41 = arith.constant 80 : i32
      %mul3A_42 = arith.muli %scan3A_38, %mul3A_41 : i32
      %add3A_43 = arith.addi %mul3A_40, %mul3A_42 : i32
      "tpu.region"() ({
        %run_scoped3A_44 = tpu.sem_alloc : memref<!tpu.dma_semaphore, #tpu.memory_space<semaphore_mem>>
        %dma_start3A = arith.constant 0 : i32
        %dma_start3A_45 = arith.constant 0 : i32
        %dma_start3A_46 = tpu.memref_slice %arg7[%dma_start3A, %dma_start3A_45] : memref<125x128xf32, #tpu.memory_space<vmem>> -> memref<80x128xf32, #tpu.memory_space<vmem>>
        %dma_start3A_47 = arith.constant 0 : i32
        %dma_start3A_48 = tpu.memref_slice %arg8[%add3A_43, %dma_start3A_47] : memref<10112x128xf32, #tpu.memory_space<vmem_shared>> -> memref<80x128xf32, #tpu.memory_space<vmem_shared>>
        %dma_start3A_49 = arith.constant 0 : i32
        %dma_start3A_50 = tpu.memref_slice %arg8[%add3A_43, %dma_start3A_49] : memref<10112x128xf32, #tpu.memory_space<vmem_shared>> -> memref<80x128xf32, #tpu.memory_space<vmem_shared>>
        %dma_start3A_51 = arith.constant 0 : i32
        %dma_start3A_52 = arith.constant 0 : i32
        %dma_start3A_53 = tpu.memref_slice %arg7[%dma_start3A_51, %dma_start3A_52] : memref<125x128xf32, #tpu.memory_space<vmem>> -> memref<80x128xf32, #tpu.memory_space<vmem>>
        tpu.enqueue_dma source(%dma_start3A_53 : memref<80x128xf32, #tpu.memory_space<vmem>>) target(%dma_start3A_50 : memref<80x128xf32, #tpu.memory_space<vmem_shared>>) target_semaphore(%run_scoped3A_44 : memref<!tpu.dma_semaphore, #tpu.memory_space<semaphore_mem>>)
        %dma_wait3A = arith.constant 0 : i32
        %dma_wait3A_54 = arith.constant 0 : i32
        %dma_wait3A_55 = tpu.memref_slice %arg7[%dma_wait3A, %dma_wait3A_54] : memref<125x128xf32, #tpu.memory_space<vmem>> -> memref<80x128xf32, #tpu.memory_space<vmem>>
        %dma_wait3A_56 = arith.constant 0 : i32
        %dma_wait3A_57 = tpu.memref_slice %arg8[%add3A_43, %dma_wait3A_56] : memref<10112x128xf32, #tpu.memory_space<vmem_shared>> -> memref<80x128xf32, #tpu.memory_space<vmem_shared>>
        %dma_wait3A_58 = arith.constant 0 : i32
        %dma_wait3A_59 = tpu.memref_slice %arg8[%add3A_43, %dma_wait3A_58] : memref<10112x128xf32, #tpu.memory_space<vmem_shared>> -> memref<80x128xf32, #tpu.memory_space<vmem_shared>>
        %dma_wait3A_60 = arith.constant 0 : i32
        %dma_wait3A_61 = arith.constant 0 : i32
        %dma_wait3A_62 = tpu.memref_slice %arg7[%dma_wait3A_60, %dma_wait3A_61] : memref<125x128xf32, #tpu.memory_space<vmem>> -> memref<80x128xf32, #tpu.memory_space<vmem>>
        tpu.wait_dma2 semaphore(%run_scoped3A_44 : memref<!tpu.dma_semaphore, #tpu.memory_space<semaphore_mem>>) src(%dma_wait3A_62 : memref<80x128xf32, #tpu.memory_space<vmem>>) dst(%dma_wait3A_59 : memref<80x128xf32, #tpu.memory_space<vmem_shared>>)
        tpu.yield
      }) : () -> ()
    }
    %scan3A_12 = arith.constant 7 : i32
    %mul3A_13 = arith.constant 632 : i32
    %mul3A_14 = arith.muli %arg1, %mul3A_13 : i32
    %add3A_15 = arith.constant 560 : i32
    %add3A_16 = arith.addi %mul3A_14, %add3A_15 : i32
    "tpu.region"() ({
      %run_scoped3A_38 = tpu.sem_alloc : memref<!tpu.dma_semaphore, #tpu.memory_space<semaphore_mem>>
      %dma_start3A = arith.constant 0 : i32
      %dma_start3A_39 = arith.constant 0 : i32
      %dma_start3A_40 = tpu.memref_slice %arg7[%dma_start3A, %dma_start3A_39] : memref<125x128xf32, #tpu.memory_space<vmem>> -> memref<72x128xf32, #tpu.memory_space<vmem>>
      %dma_start3A_41 = arith.constant 0 : i32
      %dma_start3A_42 = tpu.memref_slice %arg8[%add3A_16, %dma_start3A_41] : memref<10112x128xf32, #tpu.memory_space<vmem_shared>> -> memref<72x128xf32, #tpu.memory_space<vmem_shared>>
      %dma_start3A_43 = arith.constant 0 : i32
      %dma_start3A_44 = tpu.memref_slice %arg8[%add3A_16, %dma_start3A_43] : memref<10112x128xf32, #tpu.memory_space<vmem_shared>> -> memref<72x128xf32, #tpu.memory_space<vmem_shared>>
      %dma_start3A_45 = arith.constant 0 : i32
      %dma_start3A_46 = arith.constant 0 : i32
      %dma_start3A_47 = tpu.memref_slice %arg7[%dma_start3A_45, %dma_start3A_46] : memref<125x128xf32, #tpu.memory_space<vmem>> -> memref<72x128xf32, #tpu.memory_space<vmem>>
      tpu.enqueue_dma source(%dma_start3A_47 : memref<72x128xf32, #tpu.memory_space<vmem>>) target(%dma_start3A_44 : memref<72x128xf32, #tpu.memory_space<vmem_shared>>) target_semaphore(%run_scoped3A_38 : memref<!tpu.dma_semaphore, #tpu.memory_space<semaphore_mem>>)
      %dma_wait3A = arith.constant 0 : i32
      %dma_wait3A_48 = arith.constant 0 : i32
      %dma_wait3A_49 = tpu.memref_slice %arg7[%dma_wait3A, %dma_wait3A_48] : memref<125x128xf32, #tpu.memory_space<vmem>> -> memref<72x128xf32, #tpu.memory_space<vmem>>
      %dma_wait3A_50 = arith.constant 0 : i32
      %dma_wait3A_51 = tpu.memref_slice %arg8[%add3A_16, %dma_wait3A_50] : memref<10112x128xf32, #tpu.memory_space<vmem_shared>> -> memref<72x128xf32, #tpu.memory_space<vmem_shared>>
      %dma_wait3A_52 = arith.constant 0 : i32
      %dma_wait3A_53 = tpu.memref_slice %arg8[%add3A_16, %dma_wait3A_52] : memref<10112x128xf32, #tpu.memory_space<vmem_shared>> -> memref<72x128xf32, #tpu.memory_space<vmem_shared>>
      %dma_wait3A_54 = arith.constant 0 : i32
      %dma_wait3A_55 = arith.constant 0 : i32
      %dma_wait3A_56 = tpu.memref_slice %arg7[%dma_wait3A_54, %dma_wait3A_55] : memref<125x128xf32, #tpu.memory_space<vmem>> -> memref<72x128xf32, #tpu.memory_space<vmem>>
      tpu.wait_dma2 semaphore(%run_scoped3A_38 : memref<!tpu.dma_semaphore, #tpu.memory_space<semaphore_mem>>) src(%dma_wait3A_56 : memref<72x128xf32, #tpu.memory_space<vmem>>) dst(%dma_wait3A_53 : memref<72x128xf32, #tpu.memory_space<vmem_shared>>)
      tpu.yield
    }) : () -> ()
    %run_scoped3A = arith.constant 0 : i32
    "tpu.region"() ({
      %run_scoped3A_38 = tpu.sem_alloc : memref<!tpu.dma_semaphore, #tpu.memory_space<semaphore_mem>>
      %dma_start3A = arith.constant 0 : i32
      %dma_start3A_39 = arith.constant 0 : i32
      %dma_start3A_40 = tpu.memref_slice %arg3[%add3A, %run_scoped3A, %dma_start3A, %dma_start3A_39] : memref<32x2x80x125xi32, #tpu.memory_space<hbm>> -> memref<1x1x80x125xi32, #tpu.memory_space<hbm>>
      %dma_start3A_41 = tpu.memref_squeeze %dma_start3A_40 : memref<1x1x80x125xi32, #tpu.memory_space<hbm>> -> memref<80x125xi32, #tpu.memory_space<hbm>>
      %dma_start3A_42 = arith.constant 0 : i32
      %dma_start3A_43 = arith.constant 0 : i32
      %dma_start3A_44 = tpu.memref_slice %arg3[%add3A, %run_scoped3A, %dma_start3A_42, %dma_start3A_43] : memref<32x2x80x125xi32, #tpu.memory_space<hbm>> -> memref<1x1x80x125xi32, #tpu.memory_space<hbm>>
      %dma_start3A_45 = tpu.memref_squeeze %dma_start3A_44 : memref<1x1x80x125xi32, #tpu.memory_space<hbm>> -> memref<80x125xi32, #tpu.memory_space<hbm>>
      tpu.enqueue_dma source(%dma_start3A_45 : memref<80x125xi32, #tpu.memory_space<hbm>>) target(%arg5 : memref<80x125xi32, #tpu.memory_space<vmem>>) target_semaphore(%run_scoped3A_38 : memref<!tpu.dma_semaphore, #tpu.memory_space<semaphore_mem>>)
      %dma_wait3A = arith.constant 0 : i32
      %dma_wait3A_46 = arith.constant 0 : i32
      %dma_wait3A_47 = tpu.memref_slice %arg3[%add3A, %run_scoped3A, %dma_wait3A, %dma_wait3A_46] : memref<32x2x80x125xi32, #tpu.memory_space<hbm>> -> memref<1x1x80x125xi32, #tpu.memory_space<hbm>>
      %dma_wait3A_48 = tpu.memref_squeeze %dma_wait3A_47 : memref<1x1x80x125xi32, #tpu.memory_space<hbm>> -> memref<80x125xi32, #tpu.memory_space<hbm>>
      %dma_wait3A_49 = arith.constant 0 : i32
      %dma_wait3A_50 = arith.constant 0 : i32
      %dma_wait3A_51 = tpu.memref_slice %arg3[%add3A, %run_scoped3A, %dma_wait3A_49, %dma_wait3A_50] : memref<32x2x80x125xi32, #tpu.memory_space<hbm>> -> memref<1x1x80x125xi32, #tpu.memory_space<hbm>>
      %dma_wait3A_52 = tpu.memref_squeeze %dma_wait3A_51 : memref<1x1x80x125xi32, #tpu.memory_space<hbm>> -> memref<80x125xi32, #tpu.memory_space<hbm>>
      tpu.wait_dma2 semaphore(%run_scoped3A_38 : memref<!tpu.dma_semaphore, #tpu.memory_space<semaphore_mem>>) src(%dma_wait3A_52 : memref<80x125xi32, #tpu.memory_space<hbm>>) dst(%arg5 : memref<80x125xi32, #tpu.memory_space<vmem>>)
      tpu.yield
    }) : () -> ()
    %run_scoped3A_17 = arith.constant 1 : i32
    "tpu.region"() ({
      %run_scoped3A_38 = tpu.sem_alloc : memref<!tpu.dma_semaphore, #tpu.memory_space<semaphore_mem>>
      %dma_start3A = arith.constant 0 : i32
      %dma_start3A_39 = arith.constant 0 : i32
      %dma_start3A_40 = tpu.memref_slice %arg3[%add3A, %run_scoped3A_17, %dma_start3A, %dma_start3A_39] : memref<32x2x80x125xi32, #tpu.memory_space<hbm>> -> memref<1x1x80x125xi32, #tpu.memory_space<hbm>>
      %dma_start3A_41 = tpu.memref_squeeze %dma_start3A_40 : memref<1x1x80x125xi32, #tpu.memory_space<hbm>> -> memref<80x125xi32, #tpu.memory_space<hbm>>
      %dma_start3A_42 = arith.constant 0 : i32
      %dma_start3A_43 = arith.constant 0 : i32
      %dma_start3A_44 = tpu.memref_slice %arg3[%add3A, %run_scoped3A_17, %dma_start3A_42, %dma_start3A_43] : memref<32x2x80x125xi32, #tpu.memory_space<hbm>> -> memref<1x1x80x125xi32, #tpu.memory_space<hbm>>
      %dma_start3A_45 = tpu.memref_squeeze %dma_start3A_44 : memref<1x1x80x125xi32, #tpu.memory_space<hbm>> -> memref<80x125xi32, #tpu.memory_space<hbm>>
      tpu.enqueue_dma source(%dma_start3A_45 : memref<80x125xi32, #tpu.memory_space<hbm>>) target(%arg6 : memref<80x125xi32, #tpu.memory_space<vmem>>) target_semaphore(%run_scoped3A_38 : memref<!tpu.dma_semaphore, #tpu.memory_space<semaphore_mem>>)
      %dma_wait3A = arith.constant 0 : i32
      %dma_wait3A_46 = arith.constant 0 : i32
      %dma_wait3A_47 = tpu.memref_slice %arg3[%add3A, %run_scoped3A_17, %dma_wait3A, %dma_wait3A_46] : memref<32x2x80x125xi32, #tpu.memory_space<hbm>> -> memref<1x1x80x125xi32, #tpu.memory_space<hbm>>
      %dma_wait3A_48 = tpu.memref_squeeze %dma_wait3A_47 : memref<1x1x80x125xi32, #tpu.memory_space<hbm>> -> memref<80x125xi32, #tpu.memory_space<hbm>>
      %dma_wait3A_49 = arith.constant 0 : i32
      %dma_wait3A_50 = arith.constant 0 : i32
      %dma_wait3A_51 = tpu.memref_slice %arg3[%add3A, %run_scoped3A_17, %dma_wait3A_49, %dma_wait3A_50] : memref<32x2x80x125xi32, #tpu.memory_space<hbm>> -> memref<1x1x80x125xi32, #tpu.memory_space<hbm>>
      %dma_wait3A_52 = tpu.memref_squeeze %dma_wait3A_51 : memref<1x1x80x125xi32, #tpu.memory_space<hbm>> -> memref<80x125xi32, #tpu.memory_space<hbm>>
      tpu.wait_dma2 semaphore(%run_scoped3A_38 : memref<!tpu.dma_semaphore, #tpu.memory_space<semaphore_mem>>) src(%dma_wait3A_52 : memref<80x125xi32, #tpu.memory_space<hbm>>) dst(%arg6 : memref<80x125xi32, #tpu.memory_space<vmem>>)
      tpu.yield
    }) : () -> ()
    %barrier3A = arith.constant 0 : index
    tpu.barrier barrier_id(%barrier3A)
    %scan3A_18 = arith.constant 0 : i32
    %scan3A_19 = arith.constant 0 : i32
    %scan3A_20 = arith.constant 80 : i32
    %scan3A_21 = arith.addi %scan3A_19, %scan3A_20 : i32
    %scan3A_22 = arith.constant 1 : i32
    scf.for %scan3A_38 = %scan3A_19 to %scan3A_21 step %scan3A_22  : i32 {
      %dma_start3A = arith.constant 0 : i32
      %dma_start3A_39 = tpu.memref_slice %arg5[%scan3A_38, %dma_start3A] : memref<80x125xi32, #tpu.memory_space<vmem>> -> memref<1x125xi32, #tpu.memory_space<vmem>>
      %dma_start3A_40 = tpu.memref_squeeze %dma_start3A_39 : memref<1x125xi32, #tpu.memory_space<vmem>> -> memref<125xi32, #tpu.memory_space<vmem>>
      %dma_start3A_41 = arith.constant 0 : i32
      %dma_start3A_42 = arith.constant 0 : i32
      %dma_start3A_43 = tpu.memref_slice %arg2[%dma_start3A_41, %dma_start3A_42] : memref<10112x128xf32, #tpu.memory_space<hbm>> -> memref<10112x128xf32, #tpu.memory_space<hbm>>
      tpu.enqueue_indirect_dma source(%dma_start3A_43 : memref<10112x128xf32, #tpu.memory_space<hbm>>) target(%arg7 : memref<125x128xf32, #tpu.memory_space<vmem>>) offsets(%dma_start3A_40 : memref<125xi32, #tpu.memory_space<vmem>>) semaphore(%arg9 : memref<!tpu.dma_semaphore, #tpu.memory_space<semaphore_mem>>)
      %dma_wait3A = arith.constant 0 : i32
      %dma_wait3A_44 = tpu.memref_slice %arg5[%scan3A_38, %dma_wait3A] : memref<80x125xi32, #tpu.memory_space<vmem>> -> memref<1x125xi32, #tpu.memory_space<vmem>>
      %dma_wait3A_45 = tpu.memref_squeeze %dma_wait3A_44 : memref<1x125xi32, #tpu.memory_space<vmem>> -> memref<125xi32, #tpu.memory_space<vmem>>
      %dma_wait3A_46 = arith.constant 0 : i32
      %dma_wait3A_47 = arith.constant 0 : i32
      %dma_wait3A_48 = tpu.memref_slice %arg2[%dma_wait3A_46, %dma_wait3A_47] : memref<10112x128xf32, #tpu.memory_space<hbm>> -> memref<10112x128xf32, #tpu.memory_space<hbm>>
      tpu.wait_indirect_dma semaphore(%arg9 : memref<!tpu.dma_semaphore, #tpu.memory_space<semaphore_mem>>) src(%dma_wait3A_48 : memref<10112x128xf32, #tpu.memory_space<hbm>>) dst(%arg7 : memref<125x128xf32, #tpu.memory_space<vmem>>)
      "tpu.region"() ({
        %run_scoped3A_49 = tpu.sem_alloc : memref<!tpu.dma_semaphore, #tpu.memory_space<semaphore_mem>>
        %dma_start3A_50 = arith.constant 0 : i32
        %dma_start3A_51 = tpu.memref_slice %arg6[%scan3A_38, %dma_start3A_50] : memref<80x125xi32, #tpu.memory_space<vmem>> -> memref<1x125xi32, #tpu.memory_space<vmem>>
        %dma_start3A_52 = tpu.memref_squeeze %dma_start3A_51 : memref<1x125xi32, #tpu.memory_space<vmem>> -> memref<125xi32, #tpu.memory_space<vmem>>
        %dma_start3A_53 = arith.constant 0 : i32
        %dma_start3A_54 = arith.constant 0 : i32
        %dma_start3A_55 = tpu.memref_slice %arg8[%dma_start3A_53, %dma_start3A_54] : memref<10112x128xf32, #tpu.memory_space<vmem_shared>> -> memref<10112x128xf32, #tpu.memory_space<vmem_shared>>
        tpu.enqueue_indirect_dma source(%arg7 : memref<125x128xf32, #tpu.memory_space<vmem>>) target(%dma_start3A_55 : memref<10112x128xf32, #tpu.memory_space<vmem_shared>>) offsets(%dma_start3A_52 : memref<125xi32, #tpu.memory_space<vmem>>) semaphore(%run_scoped3A_49 : memref<!tpu.dma_semaphore, #tpu.memory_space<semaphore_mem>>) {add = true}
        %dma_wait3A_56 = arith.constant 0 : i32
        %dma_wait3A_57 = tpu.memref_slice %arg6[%scan3A_38, %dma_wait3A_56] : memref<80x125xi32, #tpu.memory_space<vmem>> -> memref<1x125xi32, #tpu.memory_space<vmem>>
        %dma_wait3A_58 = tpu.memref_squeeze %dma_wait3A_57 : memref<1x125xi32, #tpu.memory_space<vmem>> -> memref<125xi32, #tpu.memory_space<vmem>>
        %dma_wait3A_59 = arith.constant 0 : i32
        %dma_wait3A_60 = arith.constant 0 : i32
        %dma_wait3A_61 = tpu.memref_slice %arg8[%dma_wait3A_59, %dma_wait3A_60] : memref<10112x128xf32, #tpu.memory_space<vmem_shared>> -> memref<10112x128xf32, #tpu.memory_space<vmem_shared>>
        tpu.wait_indirect_dma semaphore(%run_scoped3A_49 : memref<!tpu.dma_semaphore, #tpu.memory_space<semaphore_mem>>) src(%arg7 : memref<125x128xf32, #tpu.memory_space<vmem>>) dst(%dma_wait3A_61 : memref<10112x128xf32, #tpu.memory_space<vmem_shared>>)
        tpu.yield
      }) : () -> ()
    }
    %scan3A_23 = arith.constant 80 : i32
    %barrier3A_24 = arith.constant 0 : index
    tpu.barrier barrier_id(%barrier3A_24)
    %scan3A_25 = arith.constant 0 : i32
    %scan3A_26 = arith.constant 0 : i32
    %scan3A_27 = arith.constant 7 : i32
    %scan3A_28 = arith.addi %scan3A_26, %scan3A_27 : i32
    %scan3A_29 = arith.constant 1 : i32
    scf.for %scan3A_38 = %scan3A_26 to %scan3A_28 step %scan3A_29  : i32 {
      %mul3A_39 = arith.constant 632 : i32
      %mul3A_40 = arith.muli %arg1, %mul3A_39 : i32
      %mul3A_41 = arith.constant 80 : i32
      %mul3A_42 = arith.muli %scan3A_38, %mul3A_41 : i32
      %add3A_43 = arith.addi %mul3A_40, %mul3A_42 : i32
      "tpu.region"() ({
        %run_scoped3A_47 = tpu.sem_alloc : memref<!tpu.dma_semaphore, #tpu.memory_space<semaphore_mem>>
        %dma_start3A = arith.constant 0 : i32
        %dma_start3A_48 = arith.constant 0 : i32
        %dma_start3A_49 = tpu.memref_slice %arg7[%dma_start3A, %dma_start3A_48] : memref<125x128xf32, #tpu.memory_space<vmem>> -> memref<80x128xf32, #tpu.memory_space<vmem>>
        %dma_start3A_50 = arith.constant 0 : i32
        %dma_start3A_51 = tpu.memref_slice %arg8[%add3A_43, %dma_start3A_50] : memref<10112x128xf32, #tpu.memory_space<vmem_shared>> -> memref<80x128xf32, #tpu.memory_space<vmem_shared>>
        %dma_start3A_52 = arith.constant 0 : i32
        %dma_start3A_53 = arith.constant 0 : i32
        %dma_start3A_54 = tpu.memref_slice %arg7[%dma_start3A_52, %dma_start3A_53] : memref<125x128xf32, #tpu.memory_space<vmem>> -> memref<80x128xf32, #tpu.memory_space<vmem>>
        %dma_start3A_55 = arith.constant 0 : i32
        %dma_start3A_56 = tpu.memref_slice %arg8[%add3A_43, %dma_start3A_55] : memref<10112x128xf32, #tpu.memory_space<vmem_shared>> -> memref<80x128xf32, #tpu.memory_space<vmem_shared>>
        tpu.enqueue_dma source(%dma_start3A_56 : memref<80x128xf32, #tpu.memory_space<vmem_shared>>) target(%dma_start3A_54 : memref<80x128xf32, #tpu.memory_space<vmem>>) target_semaphore(%run_scoped3A_47 : memref<!tpu.dma_semaphore, #tpu.memory_space<semaphore_mem>>)
        %dma_wait3A = arith.constant 0 : i32
        %dma_wait3A_57 = arith.constant 0 : i32
        %dma_wait3A_58 = tpu.memref_slice %arg7[%dma_wait3A, %dma_wait3A_57] : memref<125x128xf32, #tpu.memory_space<vmem>> -> memref<80x128xf32, #tpu.memory_space<vmem>>
        %dma_wait3A_59 = arith.constant 0 : i32
        %dma_wait3A_60 = tpu.memref_slice %arg8[%add3A_43, %dma_wait3A_59] : memref<10112x128xf32, #tpu.memory_space<vmem_shared>> -> memref<80x128xf32, #tpu.memory_space<vmem_shared>>
        %dma_wait3A_61 = arith.constant 0 : i32
        %dma_wait3A_62 = arith.constant 0 : i32
        %dma_wait3A_63 = tpu.memref_slice %arg7[%dma_wait3A_61, %dma_wait3A_62] : memref<125x128xf32, #tpu.memory_space<vmem>> -> memref<80x128xf32, #tpu.memory_space<vmem>>
        %dma_wait3A_64 = arith.constant 0 : i32
        %dma_wait3A_65 = tpu.memref_slice %arg8[%add3A_43, %dma_wait3A_64] : memref<10112x128xf32, #tpu.memory_space<vmem_shared>> -> memref<80x128xf32, #tpu.memory_space<vmem_shared>>
        tpu.wait_dma2 semaphore(%run_scoped3A_47 : memref<!tpu.dma_semaphore, #tpu.memory_space<semaphore_mem>>) src(%dma_wait3A_65 : memref<80x128xf32, #tpu.memory_space<vmem_shared>>) dst(%dma_wait3A_63 : memref<80x128xf32, #tpu.memory_space<vmem>>)
        tpu.yield
      }) : () -> ()
      %mul3A_44 = arith.constant 10112 : i32
      %mul3A_45 = arith.muli %arg0, %mul3A_44 : i32
      %add3A_46 = arith.addi %mul3A_45, %add3A_43 : i32
      "tpu.region"() ({
        %run_scoped3A_47 = tpu.sem_alloc : memref<!tpu.dma_semaphore, #tpu.memory_space<semaphore_mem>>
        %dma_start3A = arith.constant 0 : i32
        %dma_start3A_48 = arith.constant 0 : i32
        %dma_start3A_49 = tpu.memref_slice %arg7[%dma_start3A, %dma_start3A_48] : memref<125x128xf32, #tpu.memory_space<vmem>> -> memref<80x128xf32, #tpu.memory_space<vmem>>
        %dma_start3A_50 = arith.constant 0 : i32
        %dma_start3A_51 = tpu.memref_slice %arg4[%add3A_46, %dma_start3A_50] : memref<20224x128xf32, #tpu.memory_space<hbm>> -> memref<80x128xf32, #tpu.memory_space<hbm>>
        %dma_start3A_52 = arith.constant 0 : i32
        %dma_start3A_53 = tpu.memref_slice %arg4[%add3A_46, %dma_start3A_52] : memref<20224x128xf32, #tpu.memory_space<hbm>> -> memref<80x128xf32, #tpu.memory_space<hbm>>
        %dma_start3A_54 = arith.constant 0 : i32
        %dma_start3A_55 = arith.constant 0 : i32
        %dma_start3A_56 = tpu.memref_slice %arg7[%dma_start3A_54, %dma_start3A_55] : memref<125x128xf32, #tpu.memory_space<vmem>> -> memref<80x128xf32, #tpu.memory_space<vmem>>
        tpu.enqueue_dma source(%dma_start3A_56 : memref<80x128xf32, #tpu.memory_space<vmem>>) target(%dma_start3A_53 : memref<80x128xf32, #tpu.memory_space<hbm>>) target_semaphore(%run_scoped3A_47 : memref<!tpu.dma_semaphore, #tpu.memory_space<semaphore_mem>>)
        %dma_wait3A = arith.constant 0 : i32
        %dma_wait3A_57 = arith.constant 0 : i32
        %dma_wait3A_58 = tpu.memref_slice %arg7[%dma_wait3A, %dma_wait3A_57] : memref<125x128xf32, #tpu.memory_space<vmem>> -> memref<80x128xf32, #tpu.memory_space<vmem>>
        %dma_wait3A_59 = arith.constant 0 : i32
        %dma_wait3A_60 = tpu.memref_slice %arg4[%add3A_46, %dma_wait3A_59] : memref<20224x128xf32, #tpu.memory_space<hbm>> -> memref<80x128xf32, #tpu.memory_space<hbm>>
        %dma_wait3A_61 = arith.constant 0 : i32
        %dma_wait3A_62 = tpu.memref_slice %arg4[%add3A_46, %dma_wait3A_61] : memref<20224x128xf32, #tpu.memory_space<hbm>> -> memref<80x128xf32, #tpu.memory_space<hbm>>
        %dma_wait3A_63 = arith.constant 0 : i32
        %dma_wait3A_64 = arith.constant 0 : i32
        %dma_wait3A_65 = tpu.memref_slice %arg7[%dma_wait3A_63, %dma_wait3A_64] : memref<125x128xf32, #tpu.memory_space<vmem>> -> memref<80x128xf32, #tpu.memory_space<vmem>>
        tpu.wait_dma2 semaphore(%run_scoped3A_47 : memref<!tpu.dma_semaphore, #tpu.memory_space<semaphore_mem>>) src(%dma_wait3A_65 : memref<80x128xf32, #tpu.memory_space<vmem>>) dst(%dma_wait3A_62 : memref<80x128xf32, #tpu.memory_space<hbm>>)
        tpu.yield
      }) : () -> ()
    }
    %scan3A_30 = arith.constant 7 : i32
    %mul3A_31 = arith.constant 632 : i32
    %mul3A_32 = arith.muli %arg1, %mul3A_31 : i32
    %add3A_33 = arith.constant 560 : i32
    %add3A_34 = arith.addi %mul3A_32, %add3A_33 : i32
    "tpu.region"() ({
      %run_scoped3A_38 = tpu.sem_alloc : memref<!tpu.dma_semaphore, #tpu.memory_space<semaphore_mem>>
      %dma_start3A = arith.constant 0 : i32
      %dma_start3A_39 = arith.constant 0 : i32
      %dma_start3A_40 = tpu.memref_slice %arg7[%dma_start3A, %dma_start3A_39] : memref<125x128xf32, #tpu.memory_space<vmem>> -> memref<72x128xf32, #tpu.memory_space<vmem>>
      %dma_start3A_41 = arith.constant 0 : i32
      %dma_start3A_42 = tpu.memref_slice %arg8[%add3A_34, %dma_start3A_41] : memref<10112x128xf32, #tpu.memory_space<vmem_shared>> -> memref<72x128xf32, #tpu.memory_space<vmem_shared>>
      %dma_start3A_43 = arith.constant 0 : i32
      %dma_start3A_44 = arith.constant 0 : i32
      %dma_start3A_45 = tpu.memref_slice %arg7[%dma_start3A_43, %dma_start3A_44] : memref<125x128xf32, #tpu.memory_space<vmem>> -> memref<72x128xf32, #tpu.memory_space<vmem>>
      %dma_start3A_46 = arith.constant 0 : i32
      %dma_start3A_47 = tpu.memref_slice %arg8[%add3A_34, %dma_start3A_46] : memref<10112x128xf32, #tpu.memory_space<vmem_shared>> -> memref<72x128xf32, #tpu.memory_space<vmem_shared>>
      tpu.enqueue_dma source(%dma_start3A_47 : memref<72x128xf32, #tpu.memory_space<vmem_shared>>) target(%dma_start3A_45 : memref<72x128xf32, #tpu.memory_space<vmem>>) target_semaphore(%run_scoped3A_38 : memref<!tpu.dma_semaphore, #tpu.memory_space<semaphore_mem>>)
      %dma_wait3A = arith.constant 0 : i32
      %dma_wait3A_48 = arith.constant 0 : i32
      %dma_wait3A_49 = tpu.memref_slice %arg7[%dma_wait3A, %dma_wait3A_48] : memref<125x128xf32, #tpu.memory_space<vmem>> -> memref<72x128xf32, #tpu.memory_space<vmem>>
      %dma_wait3A_50 = arith.constant 0 : i32
      %dma_wait3A_51 = tpu.memref_slice %arg8[%add3A_34, %dma_wait3A_50] : memref<10112x128xf32, #tpu.memory_space<vmem_shared>> -> memref<72x128xf32, #tpu.memory_space<vmem_shared>>
      %dma_wait3A_52 = arith.constant 0 : i32
      %dma_wait3A_53 = arith.constant 0 : i32
      %dma_wait3A_54 = tpu.memref_slice %arg7[%dma_wait3A_52, %dma_wait3A_53] : memref<125x128xf32, #tpu.memory_space<vmem>> -> memref<72x128xf32, #tpu.memory_space<vmem>>
      %dma_wait3A_55 = arith.constant 0 : i32
      %dma_wait3A_56 = tpu.memref_slice %arg8[%add3A_34, %dma_wait3A_55] : memref<10112x128xf32, #tpu.memory_space<vmem_shared>> -> memref<72x128xf32, #tpu.memory_space<vmem_shared>>
      tpu.wait_dma2 semaphore(%run_scoped3A_38 : memref<!tpu.dma_semaphore, #tpu.memory_space<semaphore_mem>>) src(%dma_wait3A_56 : memref<72x128xf32, #tpu.memory_space<vmem_shared>>) dst(%dma_wait3A_54 : memref<72x128xf32, #tpu.memory_space<vmem>>)
      tpu.yield
    }) : () -> ()
    %mul3A_35 = arith.constant 10112 : i32
    %mul3A_36 = arith.muli %arg0, %mul3A_35 : i32
    %add3A_37 = arith.addi %mul3A_36, %add3A_34 : i32
    "tpu.region"() ({
      %run_scoped3A_38 = tpu.sem_alloc : memref<!tpu.dma_semaphore, #tpu.memory_space<semaphore_mem>>
      %dma_start3A = arith.constant 0 : i32
      %dma_start3A_39 = arith.constant 0 : i32
      %dma_start3A_40 = tpu.memref_slice %arg7[%dma_start3A, %dma_start3A_39] : memref<125x128xf32, #tpu.memory_space<vmem>> -> memref<72x128xf32, #tpu.memory_space<vmem>>
      %dma_start3A_41 = arith.constant 0 : i32
      %dma_start3A_42 = tpu.memref_slice %arg4[%add3A_37, %dma_start3A_41] : memref<20224x128xf32, #tpu.memory_space<hbm>> -> memref<72x128xf32, #tpu.memory_space<hbm>>
      %dma_start3A_43 = arith.constant 0 : i32
      %dma_start3A_44 = tpu.memref_slice %arg4[%add3A_37, %dma_start3A_43] : memref<20224x128xf32, #tpu.memory_space<hbm>> -> memref<72x128xf32, #tpu.memory_space<hbm>>
      %dma_start3A_45 = arith.constant 0 : i32
      %dma_start3A_46 = arith.constant 0 : i32
      %dma_start3A_47 = tpu.memref_slice %arg7[%dma_start3A_45, %dma_start3A_46] : memref<125x128xf32, #tpu.memory_space<vmem>> -> memref<72x128xf32, #tpu.memory_space<vmem>>
      tpu.enqueue_dma source(%dma_start3A_47 : memref<72x128xf32, #tpu.memory_space<vmem>>) target(%dma_start3A_44 : memref<72x128xf32, #tpu.memory_space<hbm>>) target_semaphore(%run_scoped3A_38 : memref<!tpu.dma_semaphore, #tpu.memory_space<semaphore_mem>>)
      %dma_wait3A = arith.constant 0 : i32
      %dma_wait3A_48 = arith.constant 0 : i32
      %dma_wait3A_49 = tpu.memref_slice %arg7[%dma_wait3A, %dma_wait3A_48] : memref<125x128xf32, #tpu.memory_space<vmem>> -> memref<72x128xf32, #tpu.memory_space<vmem>>
      %dma_wait3A_50 = arith.constant 0 : i32
      %dma_wait3A_51 = tpu.memref_slice %arg4[%add3A_37, %dma_wait3A_50] : memref<20224x128xf32, #tpu.memory_space<hbm>> -> memref<72x128xf32, #tpu.memory_space<hbm>>
      %dma_wait3A_52 = arith.constant 0 : i32
      %dma_wait3A_53 = tpu.memref_slice %arg4[%add3A_37, %dma_wait3A_52] : memref<20224x128xf32, #tpu.memory_space<hbm>> -> memref<72x128xf32, #tpu.memory_space<hbm>>
      %dma_wait3A_54 = arith.constant 0 : i32
      %dma_wait3A_55 = arith.constant 0 : i32
      %dma_wait3A_56 = tpu.memref_slice %arg7[%dma_wait3A_54, %dma_wait3A_55] : memref<125x128xf32, #tpu.memory_space<vmem>> -> memref<72x128xf32, #tpu.memory_space<vmem>>
      tpu.wait_dma2 semaphore(%run_scoped3A_38 : memref<!tpu.dma_semaphore, #tpu.memory_space<semaphore_mem>>) src(%dma_wait3A_56 : memref<72x128xf32, #tpu.memory_space<vmem>>) dst(%dma_wait3A_53 : memref<72x128xf32, #tpu.memory_space<hbm>>)
      tpu.yield
    }) : () -> ()
    return
  }
}

#map = affine_map<(d0, d1) -> (0, 0)>
#map1 = affine_map<(d0, d1) -> (0, 0, 0, 0)>
module attributes {stable_mosaic.version = 14 : i64} {
  func.func @scat_kernel(%arg0: i32, %arg1: i32, %arg2: memref<10112x128xf32, #tpu.memory_space<hbm>>, %arg3: memref<32x2x80x125xi32, #tpu.memory_space<hbm>>, %arg4: memref<20224x128xf32, #tpu.memory_space<hbm>>, %arg5: memref<80x125xi32, #tpu.memory_space<vmem>>, %arg6: memref<80x125xi32, #tpu.memory_space<vmem>>, %arg7: memref<125x128xf32, #tpu.memory_space<vmem>>, %arg8: memref<10112x128xf32, #tpu.memory_space<vmem_shared>>, %arg9: memref<!tpu.dma_semaphore, #tpu.memory_space<semaphore_mem>>) attributes {dimension_semantics = [#tpu.dimension_semantics<core_parallel>, #tpu.dimension_semantics<subcore_parallel>], iteration_bounds = array<i64: 2, 16>, scalar_prefetch = 0 : i64, scratch_operands = 5 : i64, tpu.core_type = #tpu.core_type<sc_vector_subcore>, window_params = [{transform_indices = #map}, {transform_indices = #map1}, {transform_indices = #map}]} {
    %mul3A = arith.constant 16 : i32
    %mul3A_0 = arith.muli %arg0, %mul3A : i32
    %add3A = arith.addi %mul3A_0, %arg1 : i32
    %broadcast_in_dim3A = arith.constant 0.000000e+00 : f32
    %broadcast_in_dim3A_1 = vector.broadcast %broadcast_in_dim3A : f32 to vector<16xf32>
    %scan3A = arith.constant 0 : i32
    %scan3A_2 = arith.constant 0 : i32
    %scan3A_3 = arith.constant 125 : i32
    %scan3A_4 = arith.addi %scan3A_2, %scan3A_3 : i32
    %scan3A_5 = arith.constant 1 : i32
    scf.for %scan3A_38 = %scan3A_2 to %scan3A_4 step %scan3A_5  : i32 {
      %swap3A = arith.index_cast %scan3A_38 : i32 to index
      %swap3A_39 = arith.constant 0 : index
      %swap3A_40 = tpu.vector_load %arg7[%swap3A, %swap3A_39] {strides = array<i32>} : memref<125x128xf32, #tpu.memory_space<vmem>>, vector<1x16xf32>,
      %swap3A_41 = vector.shape_cast %swap3A_40 : vector<1x16xf32> to vector<16xf32>
      %swap3A_42 = vector.shape_cast %broadcast_in_dim3A_1 : vector<16xf32> to vector<1x16xf32>
      tpu.vector_store %arg7[%swap3A, %swap3A_39], %swap3A_42 {strides = array<i32>} : memref<125x128xf32, #tpu.memory_space<vmem>>, vector<1x16xf32>,
      %swap3A_43 = arith.index_cast %scan3A_38 : i32 to index
      %swap3A_44 = arith.constant 16 : index
      %swap3A_45 = tpu.vector_load %arg7[%swap3A_43, %swap3A_44] {strides = array<i32>} : memref<125x128xf32, #tpu.memory_space<vmem>>, vector<1x16xf32>,
      %swap3A_46 = vector.shape_cast %swap3A_45 : vector<1x16xf32> to vector<16xf32>
      %swap3A_47 = vector.shape_cast %broadcast_in_dim3A_1 : vector<16xf32> to vector<1x16xf32>
      tpu.vector_store %arg7[%swap3A_43, %swap3A_44], %swap3A_47 {strides = array<i32>} : memref<125x128xf32, #tpu.memory_space<vmem>>, vector<1x16xf32>,
      %swap3A_48 = arith.index_cast %scan3A_38 : i32 to index
      %swap3A_49 = arith.constant 32 : index
      %swap3A_50 = tpu.vector_load %arg7[%swap3A_48, %swap3A_49] {strides = array<i32>} : memref<125x128xf32, #tpu.memory_space<vmem>>, vector<1x16xf32>,
      %swap3A_51 = vector.shape_cast %swap3A_50 : vector<1x16xf32> to vector<16xf32>
      %swap3A_52 = vector.shape_cast %broadcast_in_dim3A_1 : vector<16xf32> to vector<1x16xf32>
      tpu.vector_store %arg7[%swap3A_48, %swap3A_49], %swap3A_52 {strides = array<i32>} : memref<125x128xf32, #tpu.memory_space<vmem>>, vector<1x16xf32>,
      %swap3A_53 = arith.index_cast %scan3A_38 : i32 to index
      %swap3A_54 = arith.constant 48 : index
      %swap3A_55 = tpu.vector_load %arg7[%swap3A_53, %swap3A_54] {strides = array<i32>} : memref<125x128xf32, #tpu.memory_space<vmem>>, vector<1x16xf32>,
      %swap3A_56 = vector.shape_cast %swap3A_55 : vector<1x16xf32> to vector<16xf32>
      %swap3A_57 = vector.shape_cast %broadcast_in_dim3A_1 : vector<16xf32> to vector<1x16xf32>
      tpu.vector_store %arg7[%swap3A_53, %swap3A_54], %swap3A_57 {strides = array<i32>} : memref<125x128xf32, #tpu.memory_space<vmem>>, vector<1x16xf32>,
      %swap3A_58 = arith.index_cast %scan3A_38 : i32 to index
      %swap3A_59 = arith.constant 64 : index
      %swap3A_60 = tpu.vector_load %arg7[%swap3A_58, %swap3A_59] {strides = array<i32>} : memref<125x128xf32, #tpu.memory_space<vmem>>, vector<1x16xf32>,
      %swap3A_61 = vector.shape_cast %swap3A_60 : vector<1x16xf32> to vector<16xf32>
      %swap3A_62 = vector.shape_cast %broadcast_in_dim3A_1 : vector<16xf32> to vector<1x16xf32>
      tpu.vector_store %arg7[%swap3A_58, %swap3A_59], %swap3A_62 {strides = array<i32>} : memref<125x128xf32, #tpu.memory_space<vmem>>, vector<1x16xf32>,
      %swap3A_63 = arith.index_cast %scan3A_38 : i32 to index
      %swap3A_64 = arith.constant 80 : index
      %swap3A_65 = tpu.vector_load %arg7[%swap3A_63, %swap3A_64] {strides = array<i32>} : memref<125x128xf32, #tpu.memory_space<vmem>>, vector<1x16xf32>,
      %swap3A_66 = vector.shape_cast %swap3A_65 : vector<1x16xf32> to vector<16xf32>
      %swap3A_67 = vector.shape_cast %broadcast_in_dim3A_1 : vector<16xf32> to vector<1x16xf32>
      tpu.vector_store %arg7[%swap3A_63, %swap3A_64], %swap3A_67 {strides = array<i32>} : memref<125x128xf32, #tpu.memory_space<vmem>>, vector<1x16xf32>,
      %swap3A_68 = arith.index_cast %scan3A_38 : i32 to index
      %swap3A_69 = arith.constant 96 : index
      %swap3A_70 = tpu.vector_load %arg7[%swap3A_68, %swap3A_69] {strides = array<i32>} : memref<125x128xf32, #tpu.memory_space<vmem>>, vector<1x16xf32>,
      %swap3A_71 = vector.shape_cast %swap3A_70 : vector<1x16xf32> to vector<16xf32>
      %swap3A_72 = vector.shape_cast %broadcast_in_dim3A_1 : vector<16xf32> to vector<1x16xf32>
      tpu.vector_store %arg7[%swap3A_68, %swap3A_69], %swap3A_72 {strides = array<i32>} : memref<125x128xf32, #tpu.memory_space<vmem>>, vector<1x16xf32>,
      %swap3A_73 = arith.index_cast %scan3A_38 : i32 to index
      %swap3A_74 = arith.constant 112 : index
      %swap3A_75 = tpu.vector_load %arg7[%swap3A_73, %swap3A_74] {strides = array<i32>} : memref<125x128xf32, #tpu.memory_space<vmem>>, vector<1x16xf32>,
      %swap3A_76 = vector.shape_cast %swap3A_75 : vector<1x16xf32> to vector<16xf32>
      %swap3A_77 = vector.shape_cast %broadcast_in_dim3A_1 : vector<16xf32> to vector<1x16xf32>
      tpu.vector_store %arg7[%swap3A_73, %swap3A_74], %swap3A_77 {strides = array<i32>} : memref<125x128xf32, #tpu.memory_space<vmem>>, vector<1x16xf32>,
    }
    %scan3A_6 = arith.constant 125 : i32
    %scan3A_7 = arith.constant 0 : i32
    %scan3A_8 = arith.constant 0 : i32
    %scan3A_9 = arith.constant 7 : i32
    %scan3A_10 = arith.addi %scan3A_8, %scan3A_9 : i32
    %scan3A_11 = arith.constant 1 : i32
    scf.for %scan3A_38 = %scan3A_8 to %scan3A_10 step %scan3A_11  : i32 {
      %mul3A_39 = arith.constant 632 : i32
      %mul3A_40 = arith.muli %arg1, %mul3A_39 : i32
      %mul3A_41 = arith.constant 80 : i32
      %mul3A_42 = arith.muli %scan3A_38, %mul3A_41 : i32
      %add3A_43 = arith.addi %mul3A_40, %mul3A_42 : i32
      "tpu.region"() ({
        %run_scoped3A_44 = tpu.sem_alloc : memref<!tpu.dma_semaphore, #tpu.memory_space<semaphore_mem>>
        %dma_start3A = arith.constant 0 : i32
        %dma_start3A_45 = arith.constant 0 : i32
        %dma_start3A_46 = tpu.memref_slice %arg7[%dma_start3A, %dma_start3A_45] : memref<125x128xf32, #tpu.memory_space<vmem>> -> memref<80x128xf32, #tpu.memory_space<vmem>>
        %dma_start3A_47 = arith.constant 0 : i32
        %dma_start3A_48 = tpu.memref_slice %arg8[%add3A_43, %dma_start3A_47] : memref<10112x128xf32, #tpu.memory_space<vmem_shared>> -> memref<80x128xf32, #tpu.memory_space<vmem_shared>>
        %dma_start3A_49 = arith.constant 0 : i32
        %dma_start3A_50 = tpu.memref_slice %arg8[%add3A_43, %dma_start3A_49] : memref<10112x128xf32, #tpu.memory_space<vmem_shared>> -> memref<80x128xf32, #tpu.memory_space<vmem_shared>>
        %dma_start3A_51 = arith.constant 0 : i32
        %dma_start3A_52 = arith.constant 0 : i32
        %dma_start3A_53 = tpu.memref_slice %arg7[%dma_start3A_51, %dma_start3A_52] : memref<125x128xf32, #tpu.memory_space<vmem>> -> memref<80x128xf32, #tpu.memory_space<vmem>>
        tpu.enqueue_dma source(%dma_start3A_53 : memref<80x128xf32, #tpu.memory_space<vmem>>) target(%dma_start3A_50 : memref<80x128xf32, #tpu.memory_space<vmem_shared>>) target_semaphore(%run_scoped3A_44 : memref<!tpu.dma_semaphore, #tpu.memory_space<semaphore_mem>>)
        %dma_wait3A = arith.constant 0 : i32
        %dma_wait3A_54 = arith.constant 0 : i32
        %dma_wait3A_55 = tpu.memref_slice %arg7[%dma_wait3A, %dma_wait3A_54] : memref<125x128xf32, #tpu.memory_space<vmem>> -> memref<80x128xf32, #tpu.memory_space<vmem>>
        %dma_wait3A_56 = arith.constant 0 : i32
        %dma_wait3A_57 = tpu.memref_slice %arg8[%add3A_43, %dma_wait3A_56] : memref<10112x128xf32, #tpu.memory_space<vmem_shared>> -> memref<80x128xf32, #tpu.memory_space<vmem_shared>>
        %dma_wait3A_58 = arith.constant 0 : i32
        %dma_wait3A_59 = tpu.memref_slice %arg8[%add3A_43, %dma_wait3A_58] : memref<10112x128xf32, #tpu.memory_space<vmem_shared>> -> memref<80x128xf32, #tpu.memory_space<vmem_shared>>
        %dma_wait3A_60 = arith.constant 0 : i32
        %dma_wait3A_61 = arith.constant 0 : i32
        %dma_wait3A_62 = tpu.memref_slice %arg7[%dma_wait3A_60, %dma_wait3A_61] : memref<125x128xf32, #tpu.memory_space<vmem>> -> memref<80x128xf32, #tpu.memory_space<vmem>>
        tpu.wait_dma2 semaphore(%run_scoped3A_44 : memref<!tpu.dma_semaphore, #tpu.memory_space<semaphore_mem>>) src(%dma_wait3A_62 : memref<80x128xf32, #tpu.memory_space<vmem>>) dst(%dma_wait3A_59 : memref<80x128xf32, #tpu.memory_space<vmem_shared>>)
        tpu.yield
      }) : () -> ()
    }
    %scan3A_12 = arith.constant 7 : i32
    %mul3A_13 = arith.constant 632 : i32
    %mul3A_14 = arith.muli %arg1, %mul3A_13 : i32
    %add3A_15 = arith.constant 560 : i32
    %add3A_16 = arith.addi %mul3A_14, %add3A_15 : i32
    "tpu.region"() ({
      %run_scoped3A_38 = tpu.sem_alloc : memref<!tpu.dma_semaphore, #tpu.memory_space<semaphore_mem>>
      %dma_start3A = arith.constant 0 : i32
      %dma_start3A_39 = arith.constant 0 : i32
      %dma_start3A_40 = tpu.memref_slice %arg7[%dma_start3A, %dma_start3A_39] : memref<125x128xf32, #tpu.memory_space<vmem>> -> memref<72x128xf32, #tpu.memory_space<vmem>>
      %dma_start3A_41 = arith.constant 0 : i32
      %dma_start3A_42 = tpu.memref_slice %arg8[%add3A_16, %dma_start3A_41] : memref<10112x128xf32, #tpu.memory_space<vmem_shared>> -> memref<72x128xf32, #tpu.memory_space<vmem_shared>>
      %dma_start3A_43 = arith.constant 0 : i32
      %dma_start3A_44 = tpu.memref_slice %arg8[%add3A_16, %dma_start3A_43] : memref<10112x128xf32, #tpu.memory_space<vmem_shared>> -> memref<72x128xf32, #tpu.memory_space<vmem_shared>>
      %dma_start3A_45 = arith.constant 0 : i32
      %dma_start3A_46 = arith.constant 0 : i32
      %dma_start3A_47 = tpu.memref_slice %arg7[%dma_start3A_45, %dma_start3A_46] : memref<125x128xf32, #tpu.memory_space<vmem>> -> memref<72x128xf32, #tpu.memory_space<vmem>>
      tpu.enqueue_dma source(%dma_start3A_47 : memref<72x128xf32, #tpu.memory_space<vmem>>) target(%dma_start3A_44 : memref<72x128xf32, #tpu.memory_space<vmem_shared>>) target_semaphore(%run_scoped3A_38 : memref<!tpu.dma_semaphore, #tpu.memory_space<semaphore_mem>>)
      %dma_wait3A = arith.constant 0 : i32
      %dma_wait3A_48 = arith.constant 0 : i32
      %dma_wait3A_49 = tpu.memref_slice %arg7[%dma_wait3A, %dma_wait3A_48] : memref<125x128xf32, #tpu.memory_space<vmem>> -> memref<72x128xf32, #tpu.memory_space<vmem>>
      %dma_wait3A_50 = arith.constant 0 : i32
      %dma_wait3A_51 = tpu.memref_slice %arg8[%add3A_16, %dma_wait3A_50] : memref<10112x128xf32, #tpu.memory_space<vmem_shared>> -> memref<72x128xf32, #tpu.memory_space<vmem_shared>>
      %dma_wait3A_52 = arith.constant 0 : i32
      %dma_wait3A_53 = tpu.memref_slice %arg8[%add3A_16, %dma_wait3A_52] : memref<10112x128xf32, #tpu.memory_space<vmem_shared>> -> memref<72x128xf32, #tpu.memory_space<vmem_shared>>
      %dma_wait3A_54 = arith.constant 0 : i32
      %dma_wait3A_55 = arith.constant 0 : i32
      %dma_wait3A_56 = tpu.memref_slice %arg7[%dma_wait3A_54, %dma_wait3A_55] : memref<125x128xf32, #tpu.memory_space<vmem>> -> memref<72x128xf32, #tpu.memory_space<vmem>>
      tpu.wait_dma2 semaphore(%run_scoped3A_38 : memref<!tpu.dma_semaphore, #tpu.memory_space<semaphore_mem>>) src(%dma_wait3A_56 : memref<72x128xf32, #tpu.memory_space<vmem>>) dst(%dma_wait3A_53 : memref<72x128xf32, #tpu.memory_space<vmem_shared>>)
      tpu.yield
    }) : () -> ()
    %run_scoped3A = arith.constant 0 : i32
    "tpu.region"() ({
      %run_scoped3A_38 = tpu.sem_alloc : memref<!tpu.dma_semaphore, #tpu.memory_space<semaphore_mem>>
      %dma_start3A = arith.constant 0 : i32
      %dma_start3A_39 = arith.constant 0 : i32
      %dma_start3A_40 = tpu.memref_slice %arg3[%add3A, %run_scoped3A, %dma_start3A, %dma_start3A_39] : memref<32x2x80x125xi32, #tpu.memory_space<hbm>> -> memref<1x1x80x125xi32, #tpu.memory_space<hbm>>
      %dma_start3A_41 = tpu.memref_squeeze %dma_start3A_40 : memref<1x1x80x125xi32, #tpu.memory_space<hbm>> -> memref<80x125xi32, #tpu.memory_space<hbm>>
      %dma_start3A_42 = arith.constant 0 : i32
      %dma_start3A_43 = arith.constant 0 : i32
      %dma_start3A_44 = tpu.memref_slice %arg3[%add3A, %run_scoped3A, %dma_start3A_42, %dma_start3A_43] : memref<32x2x80x125xi32, #tpu.memory_space<hbm>> -> memref<1x1x80x125xi32, #tpu.memory_space<hbm>>
      %dma_start3A_45 = tpu.memref_squeeze %dma_start3A_44 : memref<1x1x80x125xi32, #tpu.memory_space<hbm>> -> memref<80x125xi32, #tpu.memory_space<hbm>>
      tpu.enqueue_dma source(%dma_start3A_45 : memref<80x125xi32, #tpu.memory_space<hbm>>) target(%arg5 : memref<80x125xi32, #tpu.memory_space<vmem>>) target_semaphore(%run_scoped3A_38 : memref<!tpu.dma_semaphore, #tpu.memory_space<semaphore_mem>>)
      %dma_wait3A = arith.constant 0 : i32
      %dma_wait3A_46 = arith.constant 0 : i32
      %dma_wait3A_47 = tpu.memref_slice %arg3[%add3A, %run_scoped3A, %dma_wait3A, %dma_wait3A_46] : memref<32x2x80x125xi32, #tpu.memory_space<hbm>> -> memref<1x1x80x125xi32, #tpu.memory_space<hbm>>
      %dma_wait3A_48 = tpu.memref_squeeze %dma_wait3A_47 : memref<1x1x80x125xi32, #tpu.memory_space<hbm>> -> memref<80x125xi32, #tpu.memory_space<hbm>>
      %dma_wait3A_49 = arith.constant 0 : i32
      %dma_wait3A_50 = arith.constant 0 : i32
      %dma_wait3A_51 = tpu.memref_slice %arg3[%add3A, %run_scoped3A, %dma_wait3A_49, %dma_wait3A_50] : memref<32x2x80x125xi32, #tpu.memory_space<hbm>> -> memref<1x1x80x125xi32, #tpu.memory_space<hbm>>
      %dma_wait3A_52 = tpu.memref_squeeze %dma_wait3A_51 : memref<1x1x80x125xi32, #tpu.memory_space<hbm>> -> memref<80x125xi32, #tpu.memory_space<hbm>>
      tpu.wait_dma2 semaphore(%run_scoped3A_38 : memref<!tpu.dma_semaphore, #tpu.memory_space<semaphore_mem>>) src(%dma_wait3A_52 : memref<80x125xi32, #tpu.memory_space<hbm>>) dst(%arg5 : memref<80x125xi32, #tpu.memory_space<vmem>>)
      tpu.yield
    }) : () -> ()
    %run_scoped3A_17 = arith.constant 1 : i32
    "tpu.region"() ({
      %run_scoped3A_38 = tpu.sem_alloc : memref<!tpu.dma_semaphore, #tpu.memory_space<semaphore_mem>>
      %dma_start3A = arith.constant 0 : i32
      %dma_start3A_39 = arith.constant 0 : i32
      %dma_start3A_40 = tpu.memref_slice %arg3[%add3A, %run_scoped3A_17, %dma_start3A, %dma_start3A_39] : memref<32x2x80x125xi32, #tpu.memory_space<hbm>> -> memref<1x1x80x125xi32, #tpu.memory_space<hbm>>
      %dma_start3A_41 = tpu.memref_squeeze %dma_start3A_40 : memref<1x1x80x125xi32, #tpu.memory_space<hbm>> -> memref<80x125xi32, #tpu.memory_space<hbm>>
      %dma_start3A_42 = arith.constant 0 : i32
      %dma_start3A_43 = arith.constant 0 : i32
      %dma_start3A_44 = tpu.memref_slice %arg3[%add3A, %run_scoped3A_17, %dma_start3A_42, %dma_start3A_43] : memref<32x2x80x125xi32, #tpu.memory_space<hbm>> -> memref<1x1x80x125xi32, #tpu.memory_space<hbm>>
      %dma_start3A_45 = tpu.memref_squeeze %dma_start3A_44 : memref<1x1x80x125xi32, #tpu.memory_space<hbm>> -> memref<80x125xi32, #tpu.memory_space<hbm>>
      tpu.enqueue_dma source(%dma_start3A_45 : memref<80x125xi32, #tpu.memory_space<hbm>>) target(%arg6 : memref<80x125xi32, #tpu.memory_space<vmem>>) target_semaphore(%run_scoped3A_38 : memref<!tpu.dma_semaphore, #tpu.memory_space<semaphore_mem>>)
      %dma_wait3A = arith.constant 0 : i32
      %dma_wait3A_46 = arith.constant 0 : i32
      %dma_wait3A_47 = tpu.memref_slice %arg3[%add3A, %run_scoped3A_17, %dma_wait3A, %dma_wait3A_46] : memref<32x2x80x125xi32, #tpu.memory_space<hbm>> -> memref<1x1x80x125xi32, #tpu.memory_space<hbm>>
      %dma_wait3A_48 = tpu.memref_squeeze %dma_wait3A_47 : memref<1x1x80x125xi32, #tpu.memory_space<hbm>> -> memref<80x125xi32, #tpu.memory_space<hbm>>
      %dma_wait3A_49 = arith.constant 0 : i32
      %dma_wait3A_50 = arith.constant 0 : i32
      %dma_wait3A_51 = tpu.memref_slice %arg3[%add3A, %run_scoped3A_17, %dma_wait3A_49, %dma_wait3A_50] : memref<32x2x80x125xi32, #tpu.memory_space<hbm>> -> memref<1x1x80x125xi32, #tpu.memory_space<hbm>>
      %dma_wait3A_52 = tpu.memref_squeeze %dma_wait3A_51 : memref<1x1x80x125xi32, #tpu.memory_space<hbm>> -> memref<80x125xi32, #tpu.memory_space<hbm>>
      tpu.wait_dma2 semaphore(%run_scoped3A_38 : memref<!tpu.dma_semaphore, #tpu.memory_space<semaphore_mem>>) src(%dma_wait3A_52 : memref<80x125xi32, #tpu.memory_space<hbm>>) dst(%arg6 : memref<80x125xi32, #tpu.memory_space<vmem>>)
      tpu.yield
    }) : () -> ()
    %barrier3A = arith.constant 0 : index
    tpu.barrier barrier_id(%barrier3A)
    %scan3A_18 = arith.constant 0 : i32
    %scan3A_19 = arith.constant 0 : i32
    %scan3A_20 = arith.constant 80 : i32
    %scan3A_21 = arith.addi %scan3A_19, %scan3A_20 : i32
    %scan3A_22 = arith.constant 1 : i32
    scf.for %scan3A_38 = %scan3A_19 to %scan3A_21 step %scan3A_22  : i32 {
      %dma_start3A = arith.constant 0 : i32
      %dma_start3A_39 = tpu.memref_slice %arg5[%scan3A_38, %dma_start3A] : memref<80x125xi32, #tpu.memory_space<vmem>> -> memref<1x125xi32, #tpu.memory_space<vmem>>
      %dma_start3A_40 = tpu.memref_squeeze %dma_start3A_39 : memref<1x125xi32, #tpu.memory_space<vmem>> -> memref<125xi32, #tpu.memory_space<vmem>>
      %dma_start3A_41 = arith.constant 0 : i32
      %dma_start3A_42 = arith.constant 0 : i32
      %dma_start3A_43 = tpu.memref_slice %arg2[%dma_start3A_41, %dma_start3A_42] : memref<10112x128xf32, #tpu.memory_space<hbm>> -> memref<10112x128xf32, #tpu.memory_space<hbm>>
      tpu.enqueue_indirect_dma source(%dma_start3A_43 : memref<10112x128xf32, #tpu.memory_space<hbm>>) target(%arg7 : memref<125x128xf32, #tpu.memory_space<vmem>>) offsets(%dma_start3A_40 : memref<125xi32, #tpu.memory_space<vmem>>) semaphore(%arg9 : memref<!tpu.dma_semaphore, #tpu.memory_space<semaphore_mem>>)
      %dma_wait3A = arith.constant 0 : i32
      %dma_wait3A_44 = tpu.memref_slice %arg5[%scan3A_38, %dma_wait3A] : memref<80x125xi32, #tpu.memory_space<vmem>> -> memref<1x125xi32, #tpu.memory_space<vmem>>
      %dma_wait3A_45 = tpu.memref_squeeze %dma_wait3A_44 : memref<1x125xi32, #tpu.memory_space<vmem>> -> memref<125xi32, #tpu.memory_space<vmem>>
      %dma_wait3A_46 = arith.constant 0 : i32
      %dma_wait3A_47 = arith.constant 0 : i32
      %dma_wait3A_48 = tpu.memref_slice %arg2[%dma_wait3A_46, %dma_wait3A_47] : memref<10112x128xf32, #tpu.memory_space<hbm>> -> memref<10112x128xf32, #tpu.memory_space<hbm>>
      tpu.wait_indirect_dma semaphore(%arg9 : memref<!tpu.dma_semaphore, #tpu.memory_space<semaphore_mem>>) src(%dma_wait3A_48 : memref<10112x128xf32, #tpu.memory_space<hbm>>) dst(%arg7 : memref<125x128xf32, #tpu.memory_space<vmem>>)
      "tpu.region"() ({
        %run_scoped3A_49 = tpu.sem_alloc : memref<!tpu.dma_semaphore, #tpu.memory_space<semaphore_mem>>
        %dma_start3A_50 = arith.constant 0 : i32
        %dma_start3A_51 = tpu.memref_slice %arg6[%scan3A_38, %dma_start3A_50] : memref<80x125xi32, #tpu.memory_space<vmem>> -> memref<1x125xi32, #tpu.memory_space<vmem>>
        %dma_start3A_52 = tpu.memref_squeeze %dma_start3A_51 : memref<1x125xi32, #tpu.memory_space<vmem>> -> memref<125xi32, #tpu.memory_space<vmem>>
        %dma_start3A_53 = arith.constant 0 : i32
        %dma_start3A_54 = arith.constant 0 : i32
        %dma_start3A_55 = tpu.memref_slice %arg8[%dma_start3A_53, %dma_start3A_54] : memref<10112x128xf32, #tpu.memory_space<vmem_shared>> -> memref<10112x128xf32, #tpu.memory_space<vmem_shared>>
        tpu.enqueue_indirect_dma source(%arg7 : memref<125x128xf32, #tpu.memory_space<vmem>>) target(%dma_start3A_55 : memref<10112x128xf32, #tpu.memory_space<vmem_shared>>) offsets(%dma_start3A_52 : memref<125xi32, #tpu.memory_space<vmem>>) semaphore(%run_scoped3A_49 : memref<!tpu.dma_semaphore, #tpu.memory_space<semaphore_mem>>) {add = true}
        %dma_wait3A_56 = arith.constant 0 : i32
        %dma_wait3A_57 = tpu.memref_slice %arg6[%scan3A_38, %dma_wait3A_56] : memref<80x125xi32, #tpu.memory_space<vmem>> -> memref<1x125xi32, #tpu.memory_space<vmem>>
        %dma_wait3A_58 = tpu.memref_squeeze %dma_wait3A_57 : memref<1x125xi32, #tpu.memory_space<vmem>> -> memref<125xi32, #tpu.memory_space<vmem>>
        %dma_wait3A_59 = arith.constant 0 : i32
        %dma_wait3A_60 = arith.constant 0 : i32
        %dma_wait3A_61 = tpu.memref_slice %arg8[%dma_wait3A_59, %dma_wait3A_60] : memref<10112x128xf32, #tpu.memory_space<vmem_shared>> -> memref<10112x128xf32, #tpu.memory_space<vmem_shared>>
        tpu.wait_indirect_dma semaphore(%run_scoped3A_49 : memref<!tpu.dma_semaphore, #tpu.memory_space<semaphore_mem>>) src(%arg7 : memref<125x128xf32, #tpu.memory_space<vmem>>) dst(%dma_wait3A_61 : memref<10112x128xf32, #tpu.memory_space<vmem_shared>>)
        tpu.yield
      }) : () -> ()
    }
    %scan3A_23 = arith.constant 80 : i32
    %barrier3A_24 = arith.constant 0 : index
    tpu.barrier barrier_id(%barrier3A_24)
    %scan3A_25 = arith.constant 0 : i32
    %scan3A_26 = arith.constant 0 : i32
    %scan3A_27 = arith.constant 7 : i32
    %scan3A_28 = arith.addi %scan3A_26, %scan3A_27 : i32
    %scan3A_29 = arith.constant 1 : i32
    scf.for %scan3A_38 = %scan3A_26 to %scan3A_28 step %scan3A_29  : i32 {
      %mul3A_39 = arith.constant 632 : i32
      %mul3A_40 = arith.muli %arg1, %mul3A_39 : i32
      %mul3A_41 = arith.constant 80 : i32
      %mul3A_42 = arith.muli %scan3A_38, %mul3A_41 : i32
      %add3A_43 = arith.addi %mul3A_40, %mul3A_42 : i32
      "tpu.region"() ({
        %run_scoped3A_47 = tpu.sem_alloc : memref<!tpu.dma_semaphore, #tpu.memory_space<semaphore_mem>>
        %dma_start3A = arith.constant 0 : i32
        %dma_start3A_48 = arith.constant 0 : i32
        %dma_start3A_49 = tpu.memref_slice %arg7[%dma_start3A, %dma_start3A_48] : memref<125x128xf32, #tpu.memory_space<vmem>> -> memref<80x128xf32, #tpu.memory_space<vmem>>
        %dma_start3A_50 = arith.constant 0 : i32
        %dma_start3A_51 = tpu.memref_slice %arg8[%add3A_43, %dma_start3A_50] : memref<10112x128xf32, #tpu.memory_space<vmem_shared>> -> memref<80x128xf32, #tpu.memory_space<vmem_shared>>
        %dma_start3A_52 = arith.constant 0 : i32
        %dma_start3A_53 = arith.constant 0 : i32
        %dma_start3A_54 = tpu.memref_slice %arg7[%dma_start3A_52, %dma_start3A_53] : memref<125x128xf32, #tpu.memory_space<vmem>> -> memref<80x128xf32, #tpu.memory_space<vmem>>
        %dma_start3A_55 = arith.constant 0 : i32
        %dma_start3A_56 = tpu.memref_slice %arg8[%add3A_43, %dma_start3A_55] : memref<10112x128xf32, #tpu.memory_space<vmem_shared>> -> memref<80x128xf32, #tpu.memory_space<vmem_shared>>
        tpu.enqueue_dma source(%dma_start3A_56 : memref<80x128xf32, #tpu.memory_space<vmem_shared>>) target(%dma_start3A_54 : memref<80x128xf32, #tpu.memory_space<vmem>>) target_semaphore(%run_scoped3A_47 : memref<!tpu.dma_semaphore, #tpu.memory_space<semaphore_mem>>)
        %dma_wait3A = arith.constant 0 : i32
        %dma_wait3A_57 = arith.constant 0 : i32
        %dma_wait3A_58 = tpu.memref_slice %arg7[%dma_wait3A, %dma_wait3A_57] : memref<125x128xf32, #tpu.memory_space<vmem>> -> memref<80x128xf32, #tpu.memory_space<vmem>>
        %dma_wait3A_59 = arith.constant 0 : i32
        %dma_wait3A_60 = tpu.memref_slice %arg8[%add3A_43, %dma_wait3A_59] : memref<10112x128xf32, #tpu.memory_space<vmem_shared>> -> memref<80x128xf32, #tpu.memory_space<vmem_shared>>
        %dma_wait3A_61 = arith.constant 0 : i32
        %dma_wait3A_62 = arith.constant 0 : i32
        %dma_wait3A_63 = tpu.memref_slice %arg7[%dma_wait3A_61, %dma_wait3A_62] : memref<125x128xf32, #tpu.memory_space<vmem>> -> memref<80x128xf32, #tpu.memory_space<vmem>>
        %dma_wait3A_64 = arith.constant 0 : i32
        %dma_wait3A_65 = tpu.memref_slice %arg8[%add3A_43, %dma_wait3A_64] : memref<10112x128xf32, #tpu.memory_space<vmem_shared>> -> memref<80x128xf32, #tpu.memory_space<vmem_shared>>
        tpu.wait_dma2 semaphore(%run_scoped3A_47 : memref<!tpu.dma_semaphore, #tpu.memory_space<semaphore_mem>>) src(%dma_wait3A_65 : memref<80x128xf32, #tpu.memory_space<vmem_shared>>) dst(%dma_wait3A_63 : memref<80x128xf32, #tpu.memory_space<vmem>>)
        tpu.yield
      }) : () -> ()
      %mul3A_44 = arith.constant 10112 : i32
      %mul3A_45 = arith.muli %arg0, %mul3A_44 : i32
      %add3A_46 = arith.addi %mul3A_45, %add3A_43 : i32
      "tpu.region"() ({
        %run_scoped3A_47 = tpu.sem_alloc : memref<!tpu.dma_semaphore, #tpu.memory_space<semaphore_mem>>
        %dma_start3A = arith.constant 0 : i32
        %dma_start3A_48 = arith.constant 0 : i32
        %dma_start3A_49 = tpu.memref_slice %arg7[%dma_start3A, %dma_start3A_48] : memref<125x128xf32, #tpu.memory_space<vmem>> -> memref<80x128xf32, #tpu.memory_space<vmem>>
        %dma_start3A_50 = arith.constant 0 : i32
        %dma_start3A_51 = tpu.memref_slice %arg4[%add3A_46, %dma_start3A_50] : memref<20224x128xf32, #tpu.memory_space<hbm>> -> memref<80x128xf32, #tpu.memory_space<hbm>>
        %dma_start3A_52 = arith.constant 0 : i32
        %dma_start3A_53 = tpu.memref_slice %arg4[%add3A_46, %dma_start3A_52] : memref<20224x128xf32, #tpu.memory_space<hbm>> -> memref<80x128xf32, #tpu.memory_space<hbm>>
        %dma_start3A_54 = arith.constant 0 : i32
        %dma_start3A_55 = arith.constant 0 : i32
        %dma_start3A_56 = tpu.memref_slice %arg7[%dma_start3A_54, %dma_start3A_55] : memref<125x128xf32, #tpu.memory_space<vmem>> -> memref<80x128xf32, #tpu.memory_space<vmem>>
        tpu.enqueue_dma source(%dma_start3A_56 : memref<80x128xf32, #tpu.memory_space<vmem>>) target(%dma_start3A_53 : memref<80x128xf32, #tpu.memory_space<hbm>>) target_semaphore(%run_scoped3A_47 : memref<!tpu.dma_semaphore, #tpu.memory_space<semaphore_mem>>)
        %dma_wait3A = arith.constant 0 : i32
        %dma_wait3A_57 = arith.constant 0 : i32
        %dma_wait3A_58 = tpu.memref_slice %arg7[%dma_wait3A, %dma_wait3A_57] : memref<125x128xf32, #tpu.memory_space<vmem>> -> memref<80x128xf32, #tpu.memory_space<vmem>>
        %dma_wait3A_59 = arith.constant 0 : i32
        %dma_wait3A_60 = tpu.memref_slice %arg4[%add3A_46, %dma_wait3A_59] : memref<20224x128xf32, #tpu.memory_space<hbm>> -> memref<80x128xf32, #tpu.memory_space<hbm>>
        %dma_wait3A_61 = arith.constant 0 : i32
        %dma_wait3A_62 = tpu.memref_slice %arg4[%add3A_46, %dma_wait3A_61] : memref<20224x128xf32, #tpu.memory_space<hbm>> -> memref<80x128xf32, #tpu.memory_space<hbm>>
        %dma_wait3A_63 = arith.constant 0 : i32
        %dma_wait3A_64 = arith.constant 0 : i32
        %dma_wait3A_65 = tpu.memref_slice %arg7[%dma_wait3A_63, %dma_wait3A_64] : memref<125x128xf32, #tpu.memory_space<vmem>> -> memref<80x128xf32, #tpu.memory_space<vmem>>
        tpu.wait_dma2 semaphore(%run_scoped3A_47 : memref<!tpu.dma_semaphore, #tpu.memory_space<semaphore_mem>>) src(%dma_wait3A_65 : memref<80x128xf32, #tpu.memory_space<vmem>>) dst(%dma_wait3A_62 : memref<80x128xf32, #tpu.memory_space<hbm>>)
        tpu.yield
      }) : () -> ()
    }
    %scan3A_30 = arith.constant 7 : i32
    %mul3A_31 = arith.constant 632 : i32
    %mul3A_32 = arith.muli %arg1, %mul3A_31 : i32
    %add3A_33 = arith.constant 560 : i32
    %add3A_34 = arith.addi %mul3A_32, %add3A_33 : i32
    "tpu.region"() ({
      %run_scoped3A_38 = tpu.sem_alloc : memref<!tpu.dma_semaphore, #tpu.memory_space<semaphore_mem>>
      %dma_start3A = arith.constant 0 : i32
      %dma_start3A_39 = arith.constant 0 : i32
      %dma_start3A_40 = tpu.memref_slice %arg7[%dma_start3A, %dma_start3A_39] : memref<125x128xf32, #tpu.memory_space<vmem>> -> memref<72x128xf32, #tpu.memory_space<vmem>>
      %dma_start3A_41 = arith.constant 0 : i32
      %dma_start3A_42 = tpu.memref_slice %arg8[%add3A_34, %dma_start3A_41] : memref<10112x128xf32, #tpu.memory_space<vmem_shared>> -> memref<72x128xf32, #tpu.memory_space<vmem_shared>>
      %dma_start3A_43 = arith.constant 0 : i32
      %dma_start3A_44 = arith.constant 0 : i32
      %dma_start3A_45 = tpu.memref_slice %arg7[%dma_start3A_43, %dma_start3A_44] : memref<125x128xf32, #tpu.memory_space<vmem>> -> memref<72x128xf32, #tpu.memory_space<vmem>>
      %dma_start3A_46 = arith.constant 0 : i32
      %dma_start3A_47 = tpu.memref_slice %arg8[%add3A_34, %dma_start3A_46] : memref<10112x128xf32, #tpu.memory_space<vmem_shared>> -> memref<72x128xf32, #tpu.memory_space<vmem_shared>>
      tpu.enqueue_dma source(%dma_start3A_47 : memref<72x128xf32, #tpu.memory_space<vmem_shared>>) target(%dma_start3A_45 : memref<72x128xf32, #tpu.memory_space<vmem>>) target_semaphore(%run_scoped3A_38 : memref<!tpu.dma_semaphore, #tpu.memory_space<semaphore_mem>>)
      %dma_wait3A = arith.constant 0 : i32
      %dma_wait3A_48 = arith.constant 0 : i32
      %dma_wait3A_49 = tpu.memref_slice %arg7[%dma_wait3A, %dma_wait3A_48] : memref<125x128xf32, #tpu.memory_space<vmem>> -> memref<72x128xf32, #tpu.memory_space<vmem>>
      %dma_wait3A_50 = arith.constant 0 : i32
      %dma_wait3A_51 = tpu.memref_slice %arg8[%add3A_34, %dma_wait3A_50] : memref<10112x128xf32, #tpu.memory_space<vmem_shared>> -> memref<72x128xf32, #tpu.memory_space<vmem_shared>>
      %dma_wait3A_52 = arith.constant 0 : i32
      %dma_wait3A_53 = arith.constant 0 : i32
      %dma_wait3A_54 = tpu.memref_slice %arg7[%dma_wait3A_52, %dma_wait3A_53] : memref<125x128xf32, #tpu.memory_space<vmem>> -> memref<72x128xf32, #tpu.memory_space<vmem>>
      %dma_wait3A_55 = arith.constant 0 : i32
      %dma_wait3A_56 = tpu.memref_slice %arg8[%add3A_34, %dma_wait3A_55] : memref<10112x128xf32, #tpu.memory_space<vmem_shared>> -> memref<72x128xf32, #tpu.memory_space<vmem_shared>>
      tpu.wait_dma2 semaphore(%run_scoped3A_38 : memref<!tpu.dma_semaphore, #tpu.memory_space<semaphore_mem>>) src(%dma_wait3A_56 : memref<72x128xf32, #tpu.memory_space<vmem_shared>>) dst(%dma_wait3A_54 : memref<72x128xf32, #tpu.memory_space<vmem>>)
      tpu.yield
    }) : () -> ()
    %mul3A_35 = arith.constant 10112 : i32
    %mul3A_36 = arith.muli %arg0, %mul3A_35 : i32
    %add3A_37 = arith.addi %mul3A_36, %add3A_34 : i32
    "tpu.region"() ({
      %run_scoped3A_38 = tpu.sem_alloc : memref<!tpu.dma_semaphore, #tpu.memory_space<semaphore_mem>>
      %dma_start3A = arith.constant 0 : i32
      %dma_start3A_39 = arith.constant 0 : i32
      %dma_start3A_40 = tpu.memref_slice %arg7[%dma_start3A, %dma_start3A_39] : memref<125x128xf32, #tpu.memory_space<vmem>> -> memref<72x128xf32, #tpu.memory_space<vmem>>
      %dma_start3A_41 = arith.constant 0 : i32
      %dma_start3A_42 = tpu.memref_slice %arg4[%add3A_37, %dma_start3A_41] : memref<20224x128xf32, #tpu.memory_space<hbm>> -> memref<72x128xf32, #tpu.memory_space<hbm>>
      %dma_start3A_43 = arith.constant 0 : i32
      %dma_start3A_44 = tpu.memref_slice %arg4[%add3A_37, %dma_start3A_43] : memref<20224x128xf32, #tpu.memory_space<hbm>> -> memref<72x128xf32, #tpu.memory_space<hbm>>
      %dma_start3A_45 = arith.constant 0 : i32
      %dma_start3A_46 = arith.constant 0 : i32
      %dma_start3A_47 = tpu.memref_slice %arg7[%dma_start3A_45, %dma_start3A_46] : memref<125x128xf32, #tpu.memory_space<vmem>> -> memref<72x128xf32, #tpu.memory_space<vmem>>
      tpu.enqueue_dma source(%dma_start3A_47 : memref<72x128xf32, #tpu.memory_space<vmem>>) target(%dma_start3A_44 : memref<72x128xf32, #tpu.memory_space<hbm>>) target_semaphore(%run_scoped3A_38 : memref<!tpu.dma_semaphore, #tpu.memory_space<semaphore_mem>>)
      %dma_wait3A = arith.constant 0 : i32
      %dma_wait3A_48 = arith.constant 0 : i32
      %dma_wait3A_49 = tpu.memref_slice %arg7[%dma_wait3A, %dma_wait3A_48] : memref<125x128xf32, #tpu.memory_space<vmem>> -> memref<72x128xf32, #tpu.memory_space<vmem>>
      %dma_wait3A_50 = arith.constant 0 : i32
      %dma_wait3A_51 = tpu.memref_slice %arg4[%add3A_37, %dma_wait3A_50] : memref<20224x128xf32, #tpu.memory_space<hbm>> -> memref<72x128xf32, #tpu.memory_space<hbm>>
      %dma_wait3A_52 = arith.constant 0 : i32
      %dma_wait3A_53 = tpu.memref_slice %arg4[%add3A_37, %dma_wait3A_52] : memref<20224x128xf32, #tpu.memory_space<hbm>> -> memref<72x128xf32, #tpu.memory_space<hbm>>
      %dma_wait3A_54 = arith.constant 0 : i32
      %dma_wait3A_55 = arith.constant 0 : i32
      %dma_wait3A_56 = tpu.memref_slice %arg7[%dma_wait3A_54, %dma_wait3A_55] : memref<125x128xf32, #tpu.memory_space<vmem>> -> memref<72x128xf32, #tpu.memory_space<vmem>>
      tpu.wait_dma2 semaphore(%run_scoped3A_38 : memref<!tpu.dma_semaphore, #tpu.memory_space<semaphore_mem>>) src(%dma_wait3A_56 : memref<72x128xf32, #tpu.memory_space<vmem>>) dst(%dma_wait3A_53 : memref<72x128xf32, #tpu.memory_space<hbm>>)
      tpu.yield
    }) : () -> ()
    return
  }
}

module attributes {stable_mosaic.version = 14 : i64} {
  func.func @_prep_body(%arg0: i32, %arg1: memref<632x128xf32, #tpu.memory_space<vmem>>, %arg2: memref<128x128xf32, #tpu.memory_space<vmem>>, %arg3: memref<632x128xf32, #tpu.memory_space<vmem>>, %arg4: memref<632x128xf32, #tpu.memory_space<vmem>>, %arg5: memref<632x128xf32, #tpu.memory_space<vmem>>) attributes {dimension_semantics = [#tpu.dimension_semantics<arbitrary>], iteration_bounds = array<i64: 16>, scalar_prefetch = 0 : i64, scratch_operands = 0 : i64, tpu.core_type = #tpu.core_type<tc>, window_params = [{transform_indices = @transform_0, window_bounds = array<i64: 632, 128>}, {pipeline_mode = #tpu.pipeline_mode<synchronous>, transform_indices = @transform_1, window_bounds = array<i64: 128, 128>}, {transform_indices = @transform_2, window_bounds = array<i64: 632, 128>}, {transform_indices = @transform_3, window_bounds = array<i64: 632, 128>}, {transform_indices = @transform_4, window_bounds = array<i64: 632, 128>}]} {
    %get3A = arith.constant 0 : index
    %get3A_0 = arith.constant 0 : index
    %get3A_1 = vector.load %arg3[%get3A, %get3A_0] : memref<632x128xf32, #tpu.memory_space<vmem>>, vector<632x128xf32>
    %get3A_2 = arith.constant 0 : index
    %get3A_3 = arith.constant 0 : index
    %get3A_4 = vector.load %arg4[%get3A_2, %get3A_3] : memref<632x128xf32, #tpu.memory_space<vmem>>, vector<632x128xf32>
    %slice3A = vector.extract_strided_slice %get3A_1 {offsets = [0, 0], sizes = [632, 1], strides = [1, 1]} : vector<632x128xf32> to vector<632x1xf32>
    %add3A = arith.constant 1.000000e+00 : f32
    %add3A_5 = vector.broadcast %add3A : f32 to vector<632x1xf32>
    %add3A_6 = arith.addf %add3A_5, %slice3A : vector<632x1xf32>
    %slice3A_7 = vector.extract_strided_slice %get3A_4 {offsets = [0, 0], sizes = [632, 1], strides = [1, 1]} : vector<632x128xf32> to vector<632x1xf32>
    %add3A_8 = arith.addf %add3A_6, %slice3A_7 : vector<632x1xf32>
    %rsqrt3A = math.rsqrt %add3A_8 : vector<632x1xf32>
    %get3A_9 = arith.constant 0 : index
    %get3A_10 = arith.constant 0 : index
    %get3A_11 = vector.load %arg1[%get3A_9, %get3A_10] : memref<632x128xf32, #tpu.memory_space<vmem>>, vector<632x128xf32>
    %get3A_12 = arith.constant 0 : index
    %get3A_13 = arith.constant 0 : index
    %get3A_14 = vector.load %arg2[%get3A_12, %get3A_13] : memref<128x128xf32, #tpu.memory_space<vmem>>, vector<128x128xf32>
    %dot_general3A = arith.constant dense<0.000000e+00> : vector<632x128xf32>
    %dot_general3A_15 = tpu.matmul %get3A_11, %get3A_14, %dot_general3A {dimension_numbers = #tpu.dot_dimension_numbers<[1], [0], [0], [1], [0, 0, 1, 1], [], []>, transpose_lhs_hint = false} : vector<632x128xf32>, vector<128x128xf32>, vector<632x128xf32> -> vector<632x128xf32>
    %mul3A = vector.broadcast %rsqrt3A : vector<632x1xf32> to vector<632x128xf32>
    %mul3A_16 = arith.mulf %dot_general3A_15, %mul3A : vector<632x128xf32>
    %swap3A = arith.constant 0 : index
    %swap3A_17 = arith.constant 0 : index
    %swap3A_18 = vector.load %arg5[%swap3A, %swap3A_17] : memref<632x128xf32, #tpu.memory_space<vmem>>, vector<632x128xf32>
    tpu.vector_store %arg5[%swap3A, %swap3A_17], %mul3A_16 {strides = array<i32>} : memref<632x128xf32, #tpu.memory_space<vmem>>, vector<632x128xf32>,
    return
  }
  func.func @transform_0(%arg0: i32) -> (i32, i32) {
    %c0_i32 = arith.constant 0 : i32
    %c0_i32_0 = arith.constant 0 : i32
    return %arg0, %c0_i32 : i32, i32
  }
  func.func @transform_1(%arg0: i32) -> (i32, i32) {
    %c0_i32 = arith.constant 0 : i32
    %c0_i32_0 = arith.constant 0 : i32
    %c0_i32_1 = arith.constant 0 : i32
    return %c0_i32, %c0_i32_0 : i32, i32
  }
  func.func @transform_2(%arg0: i32) -> (i32, i32) {
    %c0_i32 = arith.constant 0 : i32
    %c0_i32_0 = arith.constant 0 : i32
    return %arg0, %c0_i32 : i32, i32
  }
  func.func @transform_3(%arg0: i32) -> (i32, i32) {
    %add3A = arith.constant 16 : i32
    %add3A_0 = arith.addi %add3A, %arg0 : i32
    %c0_i32 = arith.constant 0 : i32
    %c0_i32_1 = arith.constant 0 : i32
    return %add3A_0, %c0_i32 : i32, i32
  }
  func.func @transform_4(%arg0: i32) -> (i32, i32) {
    %c0_i32 = arith.constant 0 : i32
    %c0_i32_0 = arith.constant 0 : i32
    return %arg0, %c0_i32 : i32, i32
  }
}

module attributes {stable_mosaic.version = 14 : i64} {
  func.func @_layer_body(%arg0: i32, %arg1: memref<632x128xf32, #tpu.memory_space<vmem>>, %arg2: memref<632x128xf32, #tpu.memory_space<vmem>>, %arg3: memref<632x128xf32, #tpu.memory_space<vmem>>, %arg4: memref<632x128xf32, #tpu.memory_space<vmem>>, %arg5: memref<632x128xf32, #tpu.memory_space<vmem>>, %arg6: memref<1x128xf32, #tpu.memory_space<vmem>>, %arg7: memref<128x128xf32, #tpu.memory_space<vmem>>, %arg8: memref<632x128xf32, #tpu.memory_space<vmem>>, %arg9: memref<632x128xf32, #tpu.memory_space<vmem>>) attributes {dimension_semantics = [#tpu.dimension_semantics<arbitrary>], iteration_bounds = array<i64: 16>, scalar_prefetch = 0 : i64, scratch_operands = 0 : i64, tpu.core_type = #tpu.core_type<tc>, window_params = [{transform_indices = @transform_0, window_bounds = array<i64: 632, 128>}, {transform_indices = @transform_1, window_bounds = array<i64: 632, 128>}, {transform_indices = @transform_2, window_bounds = array<i64: 632, 128>}, {transform_indices = @transform_3, window_bounds = array<i64: 632, 128>}, {transform_indices = @transform_4, window_bounds = array<i64: 632, 128>}, {pipeline_mode = #tpu.pipeline_mode<synchronous>, transform_indices = @transform_5, window_bounds = array<i64: 1, 128>}, {pipeline_mode = #tpu.pipeline_mode<synchronous>, transform_indices = @transform_6, window_bounds = array<i64: 128, 128>}, {transform_indices = @transform_7, window_bounds = array<i64: 632, 128>}, {transform_indices = @transform_8, window_bounds = array<i64: 632, 128>}]} {
    %get3A = arith.constant 0 : index
    %get3A_0 = arith.constant 0 : index
    %get3A_1 = vector.load %arg4[%get3A, %get3A_0] : memref<632x128xf32, #tpu.memory_space<vmem>>, vector<632x128xf32>
    %get3A_2 = arith.constant 0 : index
    %get3A_3 = arith.constant 0 : index
    %get3A_4 = vector.load %arg5[%get3A_2, %get3A_3] : memref<632x128xf32, #tpu.memory_space<vmem>>, vector<632x128xf32>
    %slice3A = vector.extract_strided_slice %get3A_1 {offsets = [0, 0], sizes = [632, 1], strides = [1, 1]} : vector<632x128xf32> to vector<632x1xf32>
    %add3A = arith.constant 1.000000e+00 : f32
    %add3A_5 = vector.broadcast %add3A : f32 to vector<632x1xf32>
    %add3A_6 = arith.addf %add3A_5, %slice3A : vector<632x1xf32>
    %slice3A_7 = vector.extract_strided_slice %get3A_4 {offsets = [0, 0], sizes = [632, 1], strides = [1, 1]} : vector<632x128xf32> to vector<632x1xf32>
    %add3A_8 = arith.addf %add3A_6, %slice3A_7 : vector<632x1xf32>
    %rsqrt3A = math.rsqrt %add3A_8 : vector<632x1xf32>
    %get3A_9 = arith.constant 0 : index
    %get3A_10 = arith.constant 0 : index
    %get3A_11 = vector.load %arg1[%get3A_9, %get3A_10] : memref<632x128xf32, #tpu.memory_space<vmem>>, vector<632x128xf32>
    %get3A_12 = arith.constant 0 : index
    %get3A_13 = arith.constant 0 : index
    %get3A_14 = vector.load %arg2[%get3A_12, %get3A_13] : memref<632x128xf32, #tpu.memory_space<vmem>>, vector<632x128xf32>
    %add3A_15 = arith.addf %get3A_11, %get3A_14 : vector<632x128xf32>
    %get3A_16 = arith.constant 0 : index
    %get3A_17 = arith.constant 0 : index
    %get3A_18 = vector.load %arg3[%get3A_16, %get3A_17] : memref<632x128xf32, #tpu.memory_space<vmem>>, vector<632x128xf32>
    %add3A_19 = arith.addf %add3A_15, %get3A_18 : vector<632x128xf32>
    %mul3A = vector.broadcast %rsqrt3A : vector<632x1xf32> to vector<632x128xf32>
    %mul3A_20 = arith.mulf %add3A_19, %mul3A : vector<632x128xf32>
    %get3A_21 = arith.constant 0 : index
    %get3A_22 = arith.constant 0 : index
    %get3A_23 = vector.load %arg6[%get3A_21, %get3A_22] : memref<1x128xf32, #tpu.memory_space<vmem>>, vector<1x128xf32>
    %add3A_24 = vector.broadcast %get3A_23 : vector<1x128xf32> to vector<632x128xf32>
    %add3A_25 = arith.addf %mul3A_20, %add3A_24 : vector<632x128xf32>
    %max3A = arith.constant 0.000000e+00 : f32
    %max3A_26 = vector.broadcast %max3A : f32 to vector<632x128xf32>
    %max3A_27 = arith.maximumf %add3A_25, %max3A_26 : vector<632x128xf32>
    %swap3A = arith.constant 0 : index
    %swap3A_28 = arith.constant 0 : index
    %swap3A_29 = vector.load %arg8[%swap3A, %swap3A_28] : memref<632x128xf32, #tpu.memory_space<vmem>>, vector<632x128xf32>
    tpu.vector_store %arg8[%swap3A, %swap3A_28], %max3A_27 {strides = array<i32>} : memref<632x128xf32, #tpu.memory_space<vmem>>, vector<632x128xf32>,
    %get3A_30 = arith.constant 0 : index
    %get3A_31 = arith.constant 0 : index
    %get3A_32 = vector.load %arg7[%get3A_30, %get3A_31] : memref<128x128xf32, #tpu.memory_space<vmem>>, vector<128x128xf32>
    %dot_general3A = arith.constant dense<0.000000e+00> : vector<632x128xf32>
    %dot_general3A_33 = tpu.matmul %max3A_27, %get3A_32, %dot_general3A {dimension_numbers = #tpu.dot_dimension_numbers<[1], [0], [0], [1], [0, 0, 1, 1], [], []>, transpose_lhs_hint = false} : vector<632x128xf32>, vector<128x128xf32>, vector<632x128xf32> -> vector<632x128xf32>
    %mul3A_34 = vector.broadcast %rsqrt3A : vector<632x1xf32> to vector<632x128xf32>
    %mul3A_35 = arith.mulf %dot_general3A_33, %mul3A_34 : vector<632x128xf32>
    %swap3A_36 = arith.constant 0 : index
    %swap3A_37 = arith.constant 0 : index
    %swap3A_38 = vector.load %arg9[%swap3A_36, %swap3A_37] : memref<632x128xf32, #tpu.memory_space<vmem>>, vector<632x128xf32>
    tpu.vector_store %arg9[%swap3A_36, %swap3A_37], %mul3A_35 {strides = array<i32>} : memref<632x128xf32, #tpu.memory_space<vmem>>, vector<632x128xf32>,
    return
  }
  func.func @transform_0(%arg0: i32) -> (i32, i32) {
    %c0_i32 = arith.constant 0 : i32
    %c0_i32_0 = arith.constant 0 : i32
    return %arg0, %c0_i32 : i32, i32
  }
  func.func @transform_1(%arg0: i32) -> (i32, i32) {
    %add3A = arith.constant 16 : i32
    %add3A_0 = arith.addi %add3A, %arg0 : i32
    %c0_i32 = arith.constant 0 : i32
    %c0_i32_1 = arith.constant 0 : i32
    return %add3A_0, %c0_i32 : i32, i32
  }
  func.func @transform_2(%arg0: i32) -> (i32, i32) {
    %c0_i32 = arith.constant 0 : i32
    %c0_i32_0 = arith.constant 0 : i32
    return %arg0, %c0_i32 : i32, i32
  }
  func.func @transform_3(%arg0: i32) -> (i32, i32) {
    %c0_i32 = arith.constant 0 : i32
    %c0_i32_0 = arith.constant 0 : i32
    return %arg0, %c0_i32 : i32, i32
  }
  func.func @transform_4(%arg0: i32) -> (i32, i32) {
    %add3A = arith.constant 16 : i32
    %add3A_0 = arith.addi %add3A, %arg0 : i32
    %c0_i32 = arith.constant 0 : i32
    %c0_i32_1 = arith.constant 0 : i32
    return %add3A_0, %c0_i32 : i32, i32
  }
  func.func @transform_5(%arg0: i32) -> (i32, i32) {
    %c0_i32 = arith.constant 0 : i32
    %c0_i32_0 = arith.constant 0 : i32
    %c0_i32_1 = arith.constant 0 : i32
    return %c0_i32, %c0_i32_0 : i32, i32
  }
  func.func @transform_6(%arg0: i32) -> (i32, i32) {
    %c0_i32 = arith.constant 0 : i32
    %c0_i32_0 = arith.constant 0 : i32
    %c0_i32_1 = arith.constant 0 : i32
    return %c0_i32, %c0_i32_0 : i32, i32
  }
  func.func @transform_7(%arg0: i32) -> (i32, i32) {
    %c0_i32 = arith.constant 0 : i32
    %c0_i32_0 = arith.constant 0 : i32
    return %arg0, %c0_i32 : i32, i32
  }
  func.func @transform_8(%arg0: i32) -> (i32, i32) {
    %c0_i32 = arith.constant 0 : i32
    %c0_i32_0 = arith.constant 0 : i32
    return %arg0, %c0_i32 : i32, i32
  }
}

module attributes {stable_mosaic.version = 14 : i64} {
  func.func @_final_body(%arg0: i32, %arg1: memref<632x128xf32, #tpu.memory_space<vmem>>, %arg2: memref<632x128xf32, #tpu.memory_space<vmem>>, %arg3: memref<632x128xf32, #tpu.memory_space<vmem>>, %arg4: memref<632x128xf32, #tpu.memory_space<vmem>>, %arg5: memref<632x128xf32, #tpu.memory_space<vmem>>, %arg6: memref<1x128xf32, #tpu.memory_space<vmem>>, %arg7: memref<632x128xf32, #tpu.memory_space<vmem>>, %arg8: memref<632x128xf32, #tpu.memory_space<vmem>>, %arg9: memref<128x64xf32, #tpu.memory_space<vmem>>, %arg10: memref<1x64xf32, #tpu.memory_space<vmem>>, %arg11: memref<632x64xf32, #tpu.memory_space<vmem>>) attributes {dimension_semantics = [#tpu.dimension_semantics<arbitrary>], iteration_bounds = array<i64: 16>, scalar_prefetch = 0 : i64, scratch_operands = 0 : i64, tpu.core_type = #tpu.core_type<tc>, window_params = [{transform_indices = @transform_0, window_bounds = array<i64: 632, 128>}, {transform_indices = @transform_1, window_bounds = array<i64: 632, 128>}, {transform_indices = @transform_2, window_bounds = array<i64: 632, 128>}, {transform_indices = @transform_3, window_bounds = array<i64: 632, 128>}, {transform_indices = @transform_4, window_bounds = array<i64: 632, 128>}, {pipeline_mode = #tpu.pipeline_mode<synchronous>, transform_indices = @transform_5, window_bounds = array<i64: 1, 128>}, {transform_indices = @transform_6, window_bounds = array<i64: 632, 128>}, {transform_indices = @transform_7, window_bounds = array<i64: 632, 128>}, {pipeline_mode = #tpu.pipeline_mode<synchronous>, transform_indices = @transform_8, window_bounds = array<i64: 128, 64>}, {pipeline_mode = #tpu.pipeline_mode<synchronous>, transform_indices = @transform_9, window_bounds = array<i64: 1, 64>}, {transform_indices = @transform_10, window_bounds = array<i64: 632, 64>}]} {
    %get3A = arith.constant 0 : index
    %get3A_0 = arith.constant 0 : index
    %get3A_1 = vector.load %arg4[%get3A, %get3A_0] : memref<632x128xf32, #tpu.memory_space<vmem>>, vector<632x128xf32>
    %get3A_2 = arith.constant 0 : index
    %get3A_3 = arith.constant 0 : index
    %get3A_4 = vector.load %arg5[%get3A_2, %get3A_3] : memref<632x128xf32, #tpu.memory_space<vmem>>, vector<632x128xf32>
    %slice3A = vector.extract_strided_slice %get3A_1 {offsets = [0, 0], sizes = [632, 1], strides = [1, 1]} : vector<632x128xf32> to vector<632x1xf32>
    %add3A = arith.constant 1.000000e+00 : f32
    %add3A_5 = vector.broadcast %add3A : f32 to vector<632x1xf32>
    %add3A_6 = arith.addf %add3A_5, %slice3A : vector<632x1xf32>
    %slice3A_7 = vector.extract_strided_slice %get3A_4 {offsets = [0, 0], sizes = [632, 1], strides = [1, 1]} : vector<632x128xf32> to vector<632x1xf32>
    %add3A_8 = arith.addf %add3A_6, %slice3A_7 : vector<632x1xf32>
    %rsqrt3A = math.rsqrt %add3A_8 : vector<632x1xf32>
    %get3A_9 = arith.constant 0 : index
    %get3A_10 = arith.constant 0 : index
    %get3A_11 = vector.load %arg1[%get3A_9, %get3A_10] : memref<632x128xf32, #tpu.memory_space<vmem>>, vector<632x128xf32>
    %get3A_12 = arith.constant 0 : index
    %get3A_13 = arith.constant 0 : index
    %get3A_14 = vector.load %arg2[%get3A_12, %get3A_13] : memref<632x128xf32, #tpu.memory_space<vmem>>, vector<632x128xf32>
    %add3A_15 = arith.addf %get3A_11, %get3A_14 : vector<632x128xf32>
    %get3A_16 = arith.constant 0 : index
    %get3A_17 = arith.constant 0 : index
    %get3A_18 = vector.load %arg3[%get3A_16, %get3A_17] : memref<632x128xf32, #tpu.memory_space<vmem>>, vector<632x128xf32>
    %add3A_19 = arith.addf %add3A_15, %get3A_18 : vector<632x128xf32>
    %mul3A = vector.broadcast %rsqrt3A : vector<632x1xf32> to vector<632x128xf32>
    %mul3A_20 = arith.mulf %add3A_19, %mul3A : vector<632x128xf32>
    %get3A_21 = arith.constant 0 : index
    %get3A_22 = arith.constant 0 : index
    %get3A_23 = vector.load %arg6[%get3A_21, %get3A_22] : memref<1x128xf32, #tpu.memory_space<vmem>>, vector<1x128xf32>
    %add3A_24 = vector.broadcast %get3A_23 : vector<1x128xf32> to vector<632x128xf32>
    %add3A_25 = arith.addf %mul3A_20, %add3A_24 : vector<632x128xf32>
    %max3A = arith.constant 0.000000e+00 : f32
    %max3A_26 = vector.broadcast %max3A : f32 to vector<632x128xf32>
    %max3A_27 = arith.maximumf %add3A_25, %max3A_26 : vector<632x128xf32>
    %get3A_28 = arith.constant 0 : index
    %get3A_29 = arith.constant 0 : index
    %get3A_30 = vector.load %arg7[%get3A_28, %get3A_29] : memref<632x128xf32, #tpu.memory_space<vmem>>, vector<632x128xf32>
    %get3A_31 = arith.constant 0 : index
    %get3A_32 = arith.constant 0 : index
    %get3A_33 = vector.load %arg8[%get3A_31, %get3A_32] : memref<632x128xf32, #tpu.memory_space<vmem>>, vector<632x128xf32>
    %max3A_34 = arith.maximumf %get3A_33, %max3A_27 : vector<632x128xf32>
    %max3A_35 = arith.maximumf %get3A_30, %max3A_34 : vector<632x128xf32>
    %get3A_36 = arith.constant 0 : index
    %get3A_37 = arith.constant 0 : index
    %get3A_38 = vector.load %arg9[%get3A_36, %get3A_37] : memref<128x64xf32, #tpu.memory_space<vmem>>, vector<128x64xf32>
    %dot_general3A = arith.constant dense<0.000000e+00> : vector<632x64xf32>
    %dot_general3A_39 = tpu.matmul %max3A_35, %get3A_38, %dot_general3A {dimension_numbers = #tpu.dot_dimension_numbers<[1], [0], [0], [1], [0, 0, 1, 1], [], []>, transpose_lhs_hint = false} : vector<632x128xf32>, vector<128x64xf32>, vector<632x64xf32> -> vector<632x64xf32>
    %get3A_40 = arith.constant 0 : index
    %get3A_41 = arith.constant 0 : index
    %get3A_42 = vector.load %arg10[%get3A_40, %get3A_41] : memref<1x64xf32, #tpu.memory_space<vmem>>, vector<1x64xf32>
    %add3A_43 = vector.broadcast %get3A_42 : vector<1x64xf32> to vector<632x64xf32>
    %add3A_44 = arith.addf %dot_general3A_39, %add3A_43 : vector<632x64xf32>
    %swap3A = arith.constant 0 : index
    %swap3A_45 = arith.constant 0 : index
    %swap3A_46 = vector.load %arg11[%swap3A, %swap3A_45] : memref<632x64xf32, #tpu.memory_space<vmem>>, vector<632x64xf32>
    tpu.vector_store %arg11[%swap3A, %swap3A_45], %add3A_44 {strides = array<i32>} : memref<632x64xf32, #tpu.memory_space<vmem>>, vector<632x64xf32>,
    return
  }
  func.func @transform_0(%arg0: i32) -> (i32, i32) {
    %c0_i32 = arith.constant 0 : i32
    %c0_i32_0 = arith.constant 0 : i32
    return %arg0, %c0_i32 : i32, i32
  }
  func.func @transform_1(%arg0: i32) -> (i32, i32) {
    %add3A = arith.constant 16 : i32
    %add3A_0 = arith.addi %add3A, %arg0 : i32
    %c0_i32 = arith.constant 0 : i32
    %c0_i32_1 = arith.constant 0 : i32
    return %add3A_0, %c0_i32 : i32, i32
  }
  func.func @transform_2(%arg0: i32) -> (i32, i32) {
    %c0_i32 = arith.constant 0 : i32
    %c0_i32_0 = arith.constant 0 : i32
    return %arg0, %c0_i32 : i32, i32
  }
  func.func @transform_3(%arg0: i32) -> (i32, i32) {
    %c0_i32 = arith.constant 0 : i32
    %c0_i32_0 = arith.constant 0 : i32
    return %arg0, %c0_i32 : i32, i32
  }
  func.func @transform_4(%arg0: i32) -> (i32, i32) {
    %add3A = arith.constant 16 : i32
    %add3A_0 = arith.addi %add3A, %arg0 : i32
    %c0_i32 = arith.constant 0 : i32
    %c0_i32_1 = arith.constant 0 : i32
    return %add3A_0, %c0_i32 : i32, i32
  }
  func.func @transform_5(%arg0: i32) -> (i32, i32) {
    %c0_i32 = arith.constant 0 : i32
    %c0_i32_0 = arith.constant 0 : i32
    %c0_i32_1 = arith.constant 0 : i32
    return %c0_i32, %c0_i32_0 : i32, i32
  }
  func.func @transform_6(%arg0: i32) -> (i32, i32) {
    %c0_i32 = arith.constant 0 : i32
    %c0_i32_0 = arith.constant 0 : i32
    return %arg0, %c0_i32 : i32, i32
  }
  func.func @transform_7(%arg0: i32) -> (i32, i32) {
    %c0_i32 = arith.constant 0 : i32
    %c0_i32_0 = arith.constant 0 : i32
    return %arg0, %c0_i32 : i32, i32
  }
  func.func @transform_8(%arg0: i32) -> (i32, i32) {
    %c0_i32 = arith.constant 0 : i32
    %c0_i32_0 = arith.constant 0 : i32
    %c0_i32_1 = arith.constant 0 : i32
    return %c0_i32, %c0_i32_0 : i32, i32
  }
  func.func @transform_9(%arg0: i32) -> (i32, i32) {
    %c0_i32 = arith.constant 0 : i32
    %c0_i32_0 = arith.constant 0 : i32
    %c0_i32_1 = arith.constant 0 : i32
    return %c0_i32, %c0_i32_0 : i32, i32
  }
  func.func @transform_10(%arg0: i32) -> (i32, i32) {
    %c0_i32 = arith.constant 0 : i32
    %c0_i32_0 = arith.constant 0 : i32
    return %arg0, %c0_i32 : i32, i32
  }
}

</mosaic_0001>

<sc_bundles>
// kernel: kernel.10.cloned.1.call-start
scs
__scs_entry_jumppad:
0x0: {  	(pc) =	sbr.rel $0x88, $3  }
0x1: {  	(tag) =	ssettag $0x0;
	lr =	simm.s32 $0x1  }
0x2: {  	[smem:$0x3F97] =	sst lr;
	_ =	strace $0xD0000000  }
0x3: {  	_ = 	snop  }
0x4: {  	_ = 	snop  }
0x5: {  	_ = 	snop  }
0x6: {  	_ = 	snop  }
0x7: {  	_ = 	snop  }
__scs_overlays_trampoline_lowered:
0x8: {  	[smem:$0x3FA6] =	sst s0  }
0x9: {  	[smem:$0x3FA7] =	sst s1  }
0xa: {  	[smem:$0x3FA8] =	sst s2  }
0xb: {  	[smem:$0x3FA9] =	sst s3  }
0xc: {  	[smem:$0x3FAA] =	sst s4  }
0xd: {  	[smem:$0x3FAB] =	sst s5  }
0xe: {  	[smem:$0x3FAC] =	sst s6  }
0xf: {  	[smem:$0x3FAD] =	sst s7  }
0x10: {  	[smem:$0x3FAE] =	sst s8  }
0x11: {  	[smem:$0x3FAF] =	sst s9;
	s0 =	simm.s32 @!p0 $0x0  }
0x12: {  	s1 =	sld [smem:$0x3F95];
	s0 =	simm.s32 @p0 $0x1  }
0x13: {  	[smem:$0x3FB0] =	sst s0;
	s0 =	simm.s32 @!p1 $0x0  }
0x14: {  	s2 =	sld [smem:$0x3F94];
	s0 =	simm.s32 @p1 $0x1  }
0x15: {  	[smem:$0x3FB1] =	sst s0;
	s0 =	simm.s32 @!p2 $0x0  }
0x16: {  	s3 =	sld [smem:$0x3FDB];
	s0 =	simm.s32 @p2 $0x1  }
0x17: {  	s4 =	simm.s32 $0x1BF5;
	[smem:$0x3FB3] =	sst s0  }
0x18: {  	s0 =	sld [smem:$0x3F96];
	_ =	swait.ge [sflag:s4], $0x0  }
0x19: {  	s7 =	sld [smem:$0x3F97]  }
0x1a: {  	s8 =	sadd.s32 $0xFFFFE003, lr  }
0x1b: {  	s9 =	sadd.s32 $0xFFFFFEF7, lr;
	s5 =	simm.s32 $0xFFFFFFFF;
	p2 =	slt.u32 s8, $0xFFFFF086  }
0x1c: {  	p1 =	slt.u32 s9, $0xF7A;
	s5 =	simm.s32 @!p2 $0x0  }
0x1d: {  	s5 =	simm.s32 @p1 $0x1;
	p0 =	seq.s32 s7, s2  }
0x1e: {  	s7 =	smul.u32 @!p0 $0xF7A, s2;
	p2 =	seq.s32 @!p0 s5, $0x0  }
0x1f: {  	s9 =	smul.u32 $0xF7A, s1;
	s8 =	simm.s32 @!p0 $0x1BF5;
	p2 =	por !p2, p0  }
0x20: {  	[sflag:s8] =	ssyncset.s32 @!p0 $0xFFFFF086;
	s6 =	sadd.s32 @!p0 s3, s7;
	s7 =	simm.s32 @!p0 $0x108  }
0x21: {  	s3 =	sadd.s32 s3, s9;
	s6 =	sadd.s32 @!p0 $0x88, s6;
	s7 =	simm.s32 @p2 $0x1082  }
0x22: {  	[simem:s7], [sflag:s8] =	dma.local @!p0 [hbm:s6], $0xF7A  }
0x23: {  	s9 =	sor.u32 $0xD0000000, s2;
	s6 =	simm.s32 $0x108;
	_ =	swait.ge @!p0 [sflag:s8], $0x0  }
0x24: {  	s3 =	sadd.s32 $0x88, s3;
	s6 =	simm.s32 @!p1 $0x1082;
	[sflag:s4] =	ssyncset.s32 $0xFFFFF086  }
0x25: {  	[simem:s6], [sflag:s4] =	dma.local [hbm:s3], $0xF7A  }
0x26: {  	[smem:$0x3F97] =	sst s1;
	(tag) =	ssettag s2;
	_ =	strace s9  }
0x27: {  	s1 =	sld [smem:$0x3FA7]  }
0x28: {  	s2 =	sld [smem:$0x3FA8]  }
0x29: {  	s4 =	sld [smem:$0x3FAA]  }
0x2a: {  	p0 =	seq.s32 s5, $0x0;
	s5 =	sld [smem:$0x3FAB]  }
0x2b: {  	s6 =	sld [smem:$0x3FAC]  }
0x2c: {  	s7 =	sld [smem:$0x3FAD]  }
0x2d: {  	s3 =	simm.s32 $0x108;
	s8 =	sld [smem:$0x3FAE]  }
0x2e: {  	s3 =	simm.s32 @!p0 $0x1082;
	s9 =	sld [smem:$0x3FAF]  }
0x2f: {  	lr =	sadd.s32 s0, s3;
	s0 =	sld [smem:$0x3FA6]  }
0x30: {  	s3 =	sld [smem:$0x3FA9]  }
0x31: {  	[smem:$0x3FB2] =	sst s10  }
0x32: {  	s10 =	sld [smem:$0x3FB0];
	_ =	sdelay $0x3  }
0x33: {  	p0 =	seq.s32 s10, $0x1;
	s10 =	sld [smem:$0x3FB2];
	_ =	sdelay $0x3  }
0x34: {  	[smem:$0x3FB2] =	sst s10  }
0x35: {  	s10 =	sld [smem:$0x3FB1];
	_ =	sdelay $0x3  }
0x36: {  	p1 =	seq.s32 s10, $0x1;
	s10 =	sld [smem:$0x3FB2];
	_ =	sdelay $0x3  }
0x37: {  	[smem:$0x3FB2] =	sst s10  }
0x38: {  	s10 =	sld [smem:$0x3FB3]  }
0x39: {  	_ = 	snop;
	(pc) =	sbr.ind lr, $3  }
0x3a: {  	_ = 	snop  }
0x3b: {  	_ = 	snop  }
0x3c: {  	p2 =	seq.s32 s10, $0x1;
	s10 =	sld [smem:$0x3FB2]  }
0x3d: {  	_ =	shalt  }
0x3e: {  	_ =	shalt  }
0x3f: {  	_ =	shalt  }
0x40: {  	_ =	shalt  }
0x41: {  	_ =	shalt  }
0x42: {  	_ =	shalt  }
0x43: {  	_ =	shalt  }
0x44: {  	_ =	shalt  }
0x45: {  	_ =	shalt  }
0x46: {  	_ =	shalt  }
0x47: {  	_ =	shalt  }
0x48: {  	_ =	shalt  }
0x49: {  	_ =	shalt  }
0x4a: {  	_ =	shalt  }
0x4b: {  	_ =	shalt  }
0x4c: {  	_ =	shalt  }
0x4d: {  	_ =	shalt  }
0x4e: {  	_ =	shalt  }
0x4f: {  	_ =	shalt  }
0x50: {  	_ =	shalt  }
0x51: {  	_ =	shalt  }
0x52: {  	_ =	shalt  }
0x53: {  	_ =	shalt  }
0x54: {  	_ =	shalt  }
0x55: {  	_ =	shalt  }
0x56: {  	_ =	shalt  }
0x57: {  	_ =	shalt  }
0x58: {  	_ =	shalt  }
0x59: {  	_ =	shalt  }
0x5a: {  	_ =	shalt  }
0x5b: {  	_ =	shalt  }
0x5c: {  	_ =	shalt  }
0x5d: {  	_ =	shalt  }
0x5e: {  	_ =	shalt  }
0x5f: {  	_ =	shalt  }
0x60: {  	_ =	shalt  }
0x61: {  	_ =	shalt  }
0x62: {  	_ =	shalt  }
0x63: {  	_ =	shalt  }
0x64: {  	_ =	shalt  }
0x65: {  	_ =	shalt  }
0x66: {  	_ =	shalt  }
0x67: {  	_ =	shalt  }
0x68: {  	_ =	shalt  }
0x69: {  	_ =	shalt  }
0x6a: {  	_ =	shalt  }
0x6b: {  	_ =	shalt  }
0x6c: {  	_ =	shalt  }
0x6d: {  	_ =	shalt  }
0x6e: {  	_ =	shalt  }
0x6f: {  	_ =	shalt  }
0x70: {  	_ =	shalt  }
0x71: {  	_ =	shalt  }
0x72: {  	_ =	shalt  }
0x73: {  	_ =	shalt  }
0x74: {  	_ =	shalt  }
0x75: {  	_ =	shalt  }
0x76: {  	_ =	shalt  }
0x77: {  	_ =	shalt  }
0x78: {  	_ =	shalt  }
0x79: {  	_ =	shalt  }
0x7a: {  	_ =	shalt  }
0x7b: {  	_ =	shalt  }
0x7c: {  	_ =	shalt  }
0x7d: {  	_ =	shalt  }
0x7e: {  	_ =	shalt  }
0x7f: {  	_ =	shalt  }
0x80: {  	_ =	shalt  }
0x81: {  	_ =	shalt  }
0x82: {  	_ =	shalt  }
0x83: {  	_ =	shalt  }
0x84: {  	_ =	shalt  }
0x85: {  	_ =	shalt  }
0x86: {  	_ =	shalt  }
0x87: {  	_ =	shalt  }
.Lfunc_end0:
.L_simem_size_0:
called_computation_lowered:
.L_overlay_start_0:
0x88: {  	s2 =	sld [smem:$0x3FD9]  }
0x89: {  	s3 =	sld [smem:$0x3FFE];
	_ =	sdelay $0x1  }
0x8a: {  	s1 =	srdreg.scid  }
0x8b: {  	s0 =	sand.u32 $0x1, s1  }
0x8c: {  	s16 =	sshll.u32 s0, $0xA;
	s2 =	sadd.s32 s3, s2  }
0x8d: {  	s2 =	sadd.s32 s2, s16  }
0x8e: {  	[smem:$0x3FBE] =	sst s2  }
0x8f: {  	_ = 	snop  }
0x90: {  	(tm) =	ssettm $0x1  }
0x91: {  	s17 =	sld [smem:$0x3FFB];
	_ =	sdelay $0x3  }
0x92: {  	_ =	strace s17  }
0x93: {  	s2 =	sld [smem:$0x3FFC];
	_ =	sdelay $0x3  }
0x94: {  	_ =	strace s2  }
0x95: {  	s2 =	sld [smem:$0x3FFD];
	_ =	sdelay $0x3  }
0x96: {  	_ =	strace s2  }
0x97: {  	_ =	strace $0x8FFFFFFF  }
0x98: {  	s18 =	sld [smem:$0x3FDB];
	_ =	sdelay $0x1  }
0x99: {  	s19 =	simm.s32 $_scs_section_size  }
0x9a: {  	s4 =	simm.s32 $_size__tile_overlayer_lowered;
	s5 =	simm.s32 $_tile_overlayer_lowered  }
0x9b: {  	s22 =	simm.s32 $0x1BFF;
	s21 =	sshll.u32 s5, $0x1;
	s2 =	sadd.s32 s19, s18  }
0x9c: {  	s6 =	simm.s32 $0x0;
	s20 =	sshll.u32 s4, $0x1;
	s4 =	sadd.s32 s21, s2  }
0x9d: {  	[timem:s6], [sflag:s22] =	dma.local [hbm:s4], s20  }
0x9e: {  	_ =	swait.ge [sflag:s22], s20  }
0x9f: {  	s3 =	ssub.s32 $0x0, s20;
	[sflag:s22] =	ssyncset.done $0x0  }
0xa0: {  	[sflag:s22] =	ssyncadd.s32 s3;
	_ =	sdelay $0x1  }
0xa1: {  	s23 =	simm.s32 $0x1B8B  }
0xa2: {  	_ =	swait.ge [sflag:s23], $0x1  }
0xa3: {  	[sflag:s23] =	ssyncset.done $0x0  }
0xa4: {  	s25 =	simm.s32 $0x1B8E;
	s24 =	sld [smem:$0x3FFE];
	[sflag:s23] =	ssyncadd.s32 $0xFFFFFFFF  }
0xa5: {  	s26 =	simm.s32 $execute0_lowered;
	[smem:$0x3FD2] =	sst s25  }
0xa6: {  	s4 =	sshll.u32 s26, $0x1;
	_ =	strace $0x80000046;
	[dreg:$0x1] =	wrdreg $0xFFFFFFFF  }
0xa7: {  	s28 =	simm.s32 $_size_execute0_lowered;
	s2 =	sadd.s32 s2, s4;
	[dreg:$0x0] =	wrdreg $0x0  }
0xa8: {  	s4 =	sshll.u32 s28, $0x1;
	[dreg:$0x2] =	wrdreg s2  }
0xa9: {  	[dreg:$0x3] =	wrdreg s4  }
0xaa: {  	[dreg:$0x4] =	wrdreg $0xC0  }
0xab: {  	_ =	task [dreg:s6], $0x5FFFF  }
0xac: {  	[dreg:$0x1] =	wrdreg $0xFFFFFFFF  }
0xad: {  	[dreg:$0x0] =	wrdreg $0x60  }
0xae: {  	[dreg:$0x2] =	wrdreg s24  }
0xaf: {  	[dreg:$0x3] =	wrdreg $0xA8000  }
0xb0: {  	[dreg:$0x4] =	wrdreg $0x9  }
0xb1: {  	_ =	task.clear_ibuf [dreg:s6], $0x5FFFF;
	_ =	strace $0x90000046  }
0xb2: {  	s29 =	simm.s32 $0x9;
	_ =	strace $0x80000048  }
0xb3: {  	_ =	swait.ge [sflag:s29], $0x1  }
0xb4: {  	[sflag:s29] =	ssyncadd.s32 $0xFFFFFFFF  }
0xb5: {  	_ =	strace $0x90000048  }
0xb6: {  	_ =	sfence  }
0xb7: {  	s30 =	sld [smem:$0x0];
	_ =	sdelay $0x2  }
0xb8: {  	s31 =	sshll.u32 s1, $0xD;
	s1 =	sshrl.u32 s1, $0x2  }
0xb9: {  	s3 =	sand.u32 $0x4000, s31;
	s1 =	sadd.s32 s1, s30  }
0xba: {  	s0 =	sor.u32 s3, s0;
	s1 =	sshll.u32 s1, $0x11  }
0xbb: {  	s0 =	sor.u32 s1, s0  }
0xbc: {  	s0 =	sadd.s32 $0x8F2B, s0  }
0xbd: {  	[sflag:s0] =	ssyncadd.remote.s32 $0x1  }
0xbe: {  	_ =	sfence.sel $0xFFFF  }
0xbf: {  	[dreg:$0x0] =	wrdreg $0xFFFFFFFF;
	(pc) =	sbr.abs _section_cstart, $3  }
0xc0: {  	[dreg:$0x1] =	wrdreg $0xFFFFFFFF  }
0xc1: {  	_ =	task.clear_ibuf [dreg:s6], $0x2FFFF;
	_ =	strace $0x9FFFFFFF  }
0xc2: {  	(tm) =	ssettm $0x7FFFFFFF  }
0xc3: {  	_ =	shalt  }
tec
execute0_lowered:
.L_overlay_start_1:
0x0: {  	(tag) =	ssettag $0x1  }
0x1: {  	s5 =	rddreg [dreg:$0x0]  }
0x2: {  	s2 =	rddreg [dreg:$0x1];
	s4 =	srdreg.scid  }
0x3: {  	s3 =	simm.s32 $0x0;
	s1 =	stileid.u32;
	s25 =	simm.s32 $0x2800  }
0x4: {  	s28 =	simm.s32 $0x0;
	s4 =	sand.u32 $0x1, s4;
	s13 =	smul.u32 $0x278, s1  }
0x5: {  	[smem:$0x7FF] =	sst s3;
	s21 =	sadd.s32 $0x17A00, s5;
	s29 =	smul.u32 $0x4F000, s1  }
0x6: {  	s6 =	sshll.u32 s4, $0x4;
	_ =	strace $0x80000047;
	s7 =	ssub.s32 $0x2, s4  }
0x7: {  	s19 =	smul.u32 $0x2780, s4;
	s6 =	sor.u32 s1, s6;
	s8 =	sadd.s32 $0x230, s13  }
0x8: {  	s9 =	sshrl.u32 s7, $0x1;
	s16 =	sadd.s32 $0x50, s13;
	s17 =	sadd.s32 $0xA0, s13  }
0x9: {  	s18 =	sadd.s32 $0xF0, s13;
	s20 =	sadd.s32 $0x140, s13;
	s22 =	sadd.s32 $0x190, s13  }
0xa: {  	s23 =	sadd.s32 $0x1E0, s13;
	s6 =	smul.u32 $0x5000, s6;
	s10 =	sshll.u32 s8, $0x7  }
0xb: {  	s9 =	ssub.s32 s7, s9;
	s26 =	sadd.s32 s19, s8;
	s7 =	sshrl.u32 s29, $0x2  }
0xc: {  	s30 =	sshll.u32 s16, $0x7;
	s31 =	sshll.u32 s17, $0x7;
	s11 =	sshll.u32 s18, $0x7  }
0xd: {  	s12 =	sshll.u32 s20, $0x7;
	s13 =	sadd.s32 s19, s13;
	s14 =	sshll.u32 s22, $0x7  }
0xe: {  	s15 =	sshll.u32 s23, $0x7;
	s16 =	sadd.s32 s19, s16;
	s17 =	sadd.s32 s19, s17  }
0xf: {  	s18 =	sadd.s32 s19, s18;
	s20 =	sadd.s32 s19, s20;
	s22 =	sadd.s32 s19, s22  }
0x10: {  	s19 =	sadd.s32 s19, s23;
	s4 =	sadd.s32 s10, s2;
	s7 =	sadd.s32 s7, s2  }
0x11: {  	s8 =	smax.u32 s9, $0x1;
	s9 =	sadd.s32 s30, s2;
	s10 =	sadd.s32 s31, s2  }
0x12: {  	s11 =	sadd.s32 s11, s2;
	s12 =	sadd.s32 s12, s2;
	s24 =	sshll.u32 s13, $0x4  }
0x13: {  	s13 =	sadd.s32 s14, s2;
	s14 =	sadd.s32 s15, s2;
	s16 =	sshll.u32 s16, $0x4  }
0x14: {  	s17 =	sshll.u32 s17, $0x4;
	s18 =	sshll.u32 s18, $0x4;
	s20 =	sshll.u32 s20, $0x4  }
0x15: {  	s22 =	sshll.u32 s22, $0x4;
	s23 =	sshll.u32 s19, $0x4;
	s6 =	sshrl.u32 s6, $0x3  }
0x16: {  	s15 =	sadd.s32 s21, s24;
	s16 =	sadd.s32 s21, s16;
	s17 =	sadd.s32 s21, s17  }
0x17: {  	s18 =	sadd.s32 s21, s18;
	s19 =	sadd.s32 s21, s20;
	s20 =	sadd.s32 s21, s22  }
0x18: {  	s22 =	simm.s32 $0x6800;
	s24 =	simm.s32 $0x7D;
	s5 =	sadd.s32 s5, s6  }
0x19: {  	s6 =	sshll.u32 s26, $0x4;
	s26 =	simm.s32 $0x1;
	s5 =	sadd.s32 $0x3F00, s5  }
0x1a: {  	v0 =	vimm.f32 $0.0e+00;
	v1 =	vimm.f32 $1.000000000e+00;
	s6 =	sadd.s32 s21, s6;
	s21 =	sadd.s32 s21, s23;
	s23 =	simm.s32 $0x2  }
.LBB2_1:
0x1b: {  	s29 =	simm.s32 $0x0;
	s30 =	simm.s32 $0x200  }
.LBB2_2:
0x1c: {  	p0 =	sne.s32 s30, $0xF800;
	[tilespmem:s29+$0x2870] =	vst v1  }
0x1d: {  	[tilespmem:s29+$0x6800] =	vst v0  }
0x1e: {  	[tilespmem:s29+$0x2800] =	vst v1  }
0x1f: {  	[tilespmem:s29+$0x6810] =	vst v0  }
0x20: {  	[tilespmem:s29+$0x2810] =	vst v1  }
0x21: {  	[tilespmem:s29+$0x6820] =	vst v0  }
0x22: {  	[tilespmem:s29+$0x2820] =	vst v1  }
0x23: {  	[tilespmem:s29+$0x6830] =	vst v0  }
0x24: {  	[tilespmem:s29+$0x2830] =	vst v1  }
0x25: {  	[tilespmem:s29+$0x6840] =	vst v0  }
0x26: {  	[tilespmem:s29+$0x2840] =	vst v1  }
.Ltmp0:
0x27: {  	[tilespmem:s29+$0x6850] =	vst v0;
	(pc) =	sbr.rel @p0 .LBB2_2-.Ltmp0, $4  }
0x28: {  	[tilespmem:s29+$0x2850] =	vst v1  }
0x29: {  	[tilespmem:s29+$0x6860] =	vst v0  }
0x2a: {  	[tilespmem:s29+$0x2860] =	vst v1  }
0x2b: {  	[tilespmem:s29+$0x6870] =	vst v0;
	s29 =	sshra.s32 s30, $0x2;
	s30 =	sadd.s32 $0x200, s30  }
0x2c: {  	[tilespmem:s29+$0x2870] =	vst v1  }
0x2d: {  	[tilespmem:s29+$0x6800] =	vst v0  }
0x2e: {  	[tilespmem:s29+$0x2800] =	vst v1  }
0x2f: {  	[tilespmem:s29+$0x6810] =	vst v0  }
0x30: {  	[tilespmem:s29+$0x2810] =	vst v1  }
0x31: {  	[tilespmem:s29+$0x6820] =	vst v0  }
0x32: {  	[tilespmem:s29+$0x2820] =	vst v1  }
0x33: {  	[tilespmem:s29+$0x6830] =	vst v0  }
0x34: {  	[tilespmem:s29+$0x2830] =	vst v1  }
0x35: {  	[tilespmem:s29+$0x6840] =	vst v0  }
0x36: {  	[tilespmem:s29+$0x2840] =	vst v1  }
0x37: {  	[tilespmem:s29+$0x6850] =	vst v0  }
0x38: {  	[tilespmem:s29+$0x2850] =	vst v1  }
0x39: {  	[tilespmem:s29+$0x6860] =	vst v0  }
0x3a: {  	[tilespmem:s29+$0x2860] =	vst v1  }
0x3b: {  	[tilespmem:s29+$0x6870] =	vst v0  }
0x3c: {  	[spmem:s7] =	stream.linear.scatter [tilespmem:s22], [sflag:$0x2], $0x2800, $0x38;
	[tilespmem:$0x1E400] =	vst v63  }
0x3d: {  	_ =	swait.ge [sflag:s23], $0x2800  }
0x3e: {  	[sflag:s23] =	ssyncset.done $0x0  }
0x3f: {  	[sflag:s23] =	ssyncadd.s32 $0xFFFFD800  }
0x40: {  	[spmem:s9] =	stream.linear.scatter [tilespmem:s22], [sflag:$0x2], $0x2800, $0x38;
	[tilespmem:$0x1E400] =	vst v63  }
0x41: {  	_ =	swait.ge [sflag:s23], $0x2800  }
0x42: {  	[sflag:s23] =	ssyncset.done $0x0  }
0x43: {  	[sflag:s23] =	ssyncadd.s32 $0xFFFFD800  }
0x44: {  	[spmem:s10] =	stream.linear.scatter [tilespmem:s22], [sflag:$0x2], $0x2800, $0x38;
	[tilespmem:$0x1E400] =	vst v63  }
0x45: {  	_ =	swait.ge [sflag:s23], $0x2800  }
0x46: {  	[sflag:s23] =	ssyncset.done $0x0  }
0x47: {  	[sflag:s23] =	ssyncadd.s32 $0xFFFFD800  }
0x48: {  	[spmem:s11] =	stream.linear.scatter [tilespmem:s22], [sflag:$0x2], $0x2800, $0x38;
	[tilespmem:$0x1E400] =	vst v63  }
0x49: {  	_ =	swait.ge [sflag:s23], $0x2800  }
0x4a: {  	[sflag:s23] =	ssyncset.done $0x0  }
0x4b: {  	[sflag:s23] =	ssyncadd.s32 $0xFFFFD800  }
0x4c: {  	[spmem:s12] =	stream.linear.scatter [tilespmem:s22], [sflag:$0x2], $0x2800, $0x38;
	[tilespmem:$0x1E400] =	vst v63  }
0x4d: {  	_ =	swait.ge [sflag:s23], $0x2800  }
0x4e: {  	[sflag:s23] =	ssyncset.done $0x0  }
0x4f: {  	[sflag:s23] =	ssyncadd.s32 $0xFFFFD800  }
0x50: {  	[spmem:s13] =	stream.linear.scatter [tilespmem:s22], [sflag:$0x2], $0x2800, $0x38;
	[tilespmem:$0x1E400] =	vst v63  }
0x51: {  	_ =	swait.ge [sflag:s23], $0x2800  }
0x52: {  	[sflag:s23] =	ssyncset.done $0x0  }
0x53: {  	[sflag:s23] =	ssyncadd.s32 $0xFFFFD800  }
0x54: {  	[spmem:s14] =	stream.linear.scatter [tilespmem:s22], [sflag:$0x2], $0x2800, $0x38;
	[tilespmem:$0x1E400] =	vst v63  }
0x55: {  	_ =	swait.ge [sflag:s23], $0x2800  }
0x56: {  	[sflag:s23] =	ssyncset.done $0x0  }
0x57: {  	[sflag:s23] =	ssyncadd.s32 $0xFFFFD800  }
0x58: {  	[spmem:s4] =	stream.linear.scatter [tilespmem:s22], [sflag:$0x2], $0x2400, $0x38;
	[tilespmem:$0x1E400] =	vst v63  }
0x59: {  	_ =	swait.ge [sflag:s23], $0x2400  }
0x5a: {  	[sflag:s23] =	ssyncset.done $0x0  }
0x5b: {  	s29 =	simm.s32 $0x0;
	[sflag:s23] =	ssyncadd.s32 $0xFFFFDC00  }
0x5c: {  	[tilespmem:s29], [sflag:$0x2] =	stream.linear.gather [hbm4b:s5+s29], $0x2800, $0x38;
	[tilespmem:$0x1E400] =	vst v63  }
0x5d: {  	_ =	swait.ge [sflag:s23], $0x2800  }
0x5e: {  	[sflag:s23] =	ssyncset.done $0x0  }
0x5f: {  	[sflag:s23] =	ssyncadd.s32 $0xFFFFD800  }
0x60: {  	s29 =	simm.s32 $0x0;
	[bflag:$0x0] =	sbarrier.arrive $0xFFFF  }
0x61: {  	[spmem:s2] =	stream.indirect.scatter.add.f32 [tilespmem:s25], [sflag:$0x1], $0x80, s29, s24, $0xb8;
	[tilespmem:$0x1E400] =	vst v63  }
0x62: {  	s29 =	simm.s32 $0x80  }
0x63: {  	[spmem:s2] =	stream.indirect.scatter.add.f32 [tilespmem:s25], [sflag:$0x1], $0x80, s29, s24, $0xb8;
	[tilespmem:$0x1E400] =	vst v63  }
0x64: {  	s29 =	simm.s32 $0x100  }
0x65: {  	[spmem:s2] =	stream.indirect.scatter.add.f32 [tilespmem:s25], [sflag:$0x1], $0x80, s29, s24, $0xb8;
	[tilespmem:$0x1E400] =	vst v63  }
0x66: {  	s29 =	simm.s32 $0x180  }
0x67: {  	[spmem:s2] =	stream.indirect.scatter.add.f32 [tilespmem:s25], [sflag:$0x1], $0x80, s29, s24, $0xb8;
	[tilespmem:$0x1E400] =	vst v63  }
0x68: {  	s29 =	simm.s32 $0x200  }
0x69: {  	[spmem:s2] =	stream.indirect.scatter.add.f32 [tilespmem:s25], [sflag:$0x1], $0x80, s29, s24, $0xb8;
	[tilespmem:$0x1E400] =	vst v63  }
0x6a: {  	s29 =	simm.s32 $0x280  }
0x6b: {  	[spmem:s2] =	stream.indirect.scatter.add.f32 [tilespmem:s25], [sflag:$0x1], $0x80, s29, s24, $0xb8;
	[tilespmem:$0x1E400] =	vst v63  }
0x6c: {  	s29 =	simm.s32 $0x300  }
0x6d: {  	[spmem:s2] =	stream.indirect.scatter.add.f32 [tilespmem:s25], [sflag:$0x1], $0x80, s29, s24, $0xb8;
	[tilespmem:$0x1E400] =	vst v63  }
0x6e: {  	s29 =	simm.s32 $0x380  }
0x6f: {  	[spmem:s2] =	stream.indirect.scatter.add.f32 [tilespmem:s25], [sflag:$0x1], $0x80, s29, s24, $0xb8;
	[tilespmem:$0x1E400] =	vst v63  }
0x70: {  	s29 =	simm.s32 $0x400  }
0x71: {  	[spmem:s2] =	stream.indirect.scatter.add.f32 [tilespmem:s25], [sflag:$0x1], $0x80, s29, s24, $0xb8;
	[tilespmem:$0x1E400] =	vst v63  }
0x72: {  	s29 =	simm.s32 $0x480  }
0x73: {  	[spmem:s2] =	stream.indirect.scatter.add.f32 [tilespmem:s25], [sflag:$0x1], $0x80, s29, s24, $0xb8;
	[tilespmem:$0x1E400] =	vst v63  }
0x74: {  	_ =	swait.ge [sflag:s26], $0x3E80  }
0x75: {  	[sflag:s26] =	ssyncset.done $0x0  }
0x76: {  	[sflag:s26] =	ssyncadd.s32 $0xFFFFC180  }
0x77: {  	_ =	swait.ge [sflag:s26], $0x3E80  }
0x78: {  	[sflag:s26] =	ssyncset.done $0x0  }
0x79: {  	[sflag:s26] =	ssyncadd.s32 $0xFFFFC180  }
0x7a: {  	_ =	swait.ge [sflag:s26], $0x3E80  }
0x7b: {  	[sflag:s26] =	ssyncset.done $0x0  }
0x7c: {  	[sflag:s26] =	ssyncadd.s32 $0xFFFFC180  }
0x7d: {  	_ =	swait.ge [sflag:s26], $0x3E80  }
0x7e: {  	[sflag:s26] =	ssyncset.done $0x0  }
0x7f: {  	[sflag:s26] =	ssyncadd.s32 $0xFFFFC180  }
0x80: {  	_ =	swait.ge [sflag:s26], $0x3E80  }
0x81: {  	[sflag:s26] =	ssyncset.done $0x0  }
0x82: {  	[sflag:s26] =	ssyncadd.s32 $0xFFFFC180  }
0x83: {  	_ =	swait.ge [sflag:s26], $0x3E80  }
0x84: {  	[sflag:s26] =	ssyncset.done $0x0  }
0x85: {  	[sflag:s26] =	ssyncadd.s32 $0xFFFFC180  }
0x86: {  	_ =	swait.ge [sflag:s26], $0x3E80  }
0x87: {  	[sflag:s26] =	ssyncset.done $0x0  }
0x88: {  	[sflag:s26] =	ssyncadd.s32 $0xFFFFC180  }
0x89: {  	_ =	swait.ge [sflag:s26], $0x3E80  }
0x8a: {  	[sflag:s26] =	ssyncset.done $0x0  }
0x8b: {  	[sflag:s26] =	ssyncadd.s32 $0xFFFFC180  }
0x8c: {  	_ =	swait.ge [sflag:s26], $0x3E80  }
0x8d: {  	[sflag:s26] =	ssyncset.done $0x0  }
0x8e: {  	[sflag:s26] =	ssyncadd.s32 $0xFFFFC180  }
0x8f: {  	_ =	swait.ge [sflag:s26], $0x3E80  }
0x90: {  	s31 =	simm.s32 $0x2800;
	s29 =	simm.s32 $0x1400;
	[sflag:s26] =	ssyncset.done $0x0  }
.LBB2_4:
0x91: {  	s0 =	sshra.s32 s29, $0x2  }
0x92: {  	[sflag:s26] =	ssyncadd.s32 $0xFFFFC180;
	s29 =	smov.u32 s31;
	s30 =	sadd.s32 $0x1400, s31  }
0x93: {  	[spmem:s2] =	stream.indirect.scatter.add.f32 [tilespmem:s25], [sflag:$0x1], $0x80, s0, s24, $0xb8;
	[tilespmem:$0x1E400] =	vst v63  }
0x94: {  	p0 =	sne.s32 s31, $0x8C00;
	s31 =	sadd.s32 $0x80, s0  }
0x95: {  	[spmem:s2] =	stream.indirect.scatter.add.f32 [tilespmem:s25], [sflag:$0x1], $0x80, s31, s24, $0xb8;
	[tilespmem:$0x1E400] =	vst v63  }
0x96: {  	s31 =	sadd.s32 $0x100, s0  }
0x97: {  	[spmem:s2] =	stream.indirect.scatter.add.f32 [tilespmem:s25], [sflag:$0x1], $0x80, s31, s24, $0xb8;
	[tilespmem:$0x1E400] =	vst v63  }
0x98: {  	s31 =	sadd.s32 $0x180, s0  }
0x99: {  	[spmem:s2] =	stream.indirect.scatter.add.f32 [tilespmem:s25], [sflag:$0x1], $0x80, s31, s24, $0xb8;
	[tilespmem:$0x1E400] =	vst v63  }
0x9a: {  	s31 =	sadd.s32 $0x200, s0  }
0x9b: {  	[spmem:s2] =	stream.indirect.scatter.add.f32 [tilespmem:s25], [sflag:$0x1], $0x80, s31, s24, $0xb8;
	[tilespmem:$0x1E400] =	vst v63  }
0x9c: {  	s31 =	sadd.s32 $0x280, s0  }
0x9d: {  	[spmem:s2] =	stream.indirect.scatter.add.f32 [tilespmem:s25], [sflag:$0x1], $0x80, s31, s24, $0xb8;
	[tilespmem:$0x1E400] =	vst v63  }
0x9e: {  	s31 =	sadd.s32 $0x300, s0  }
0x9f: {  	[spmem:s2] =	stream.indirect.scatter.add.f32 [tilespmem:s25], [sflag:$0x1], $0x80, s31, s24, $0xb8;
	[tilespmem:$0x1E400] =	vst v63  }
0xa0: {  	s31 =	sadd.s32 $0x380, s0  }
0xa1: {  	[spmem:s2] =	stream.indirect.scatter.add.f32 [tilespmem:s25], [sflag:$0x1], $0x80, s31, s24, $0xb8;
	[tilespmem:$0x1E400] =	vst v63  }
0xa2: {  	s31 =	sadd.s32 $0x400, s0  }
0xa3: {  	[spmem:s2] =	stream.indirect.scatter.add.f32 [tilespmem:s25], [sflag:$0x1], $0x80, s31, s24, $0xb8;
	[tilespmem:$0x1E400] =	vst v63  }
0xa4: {  	s0 =	sadd.s32 $0x480, s0  }
0xa5: {  	[spmem:s2] =	stream.indirect.scatter.add.f32 [tilespmem:s25], [sflag:$0x1], $0x80, s0, s24, $0xb8;
	[tilespmem:$0x1E400] =	vst v63  }
0xa6: {  	_ =	swait.ge [sflag:s26], $0x3E80  }
0xa7: {  	[sflag:s26] =	ssyncset.done $0x0  }
0xa8: {  	[sflag:s26] =	ssyncadd.s32 $0xFFFFC180  }
0xa9: {  	_ =	swait.ge [sflag:s26], $0x3E80  }
0xaa: {  	[sflag:s26] =	ssyncset.done $0x0  }
0xab: {  	[sflag:s26] =	ssyncadd.s32 $0xFFFFC180  }
0xac: {  	_ =	swait.ge [sflag:s26], $0x3E80  }
0xad: {  	[sflag:s26] =	ssyncset.done $0x0  }
0xae: {  	[sflag:s26] =	ssyncadd.s32 $0xFFFFC180  }
0xaf: {  	_ =	swait.ge [sflag:s26], $0x3E80  }
0xb0: {  	[sflag:s26] =	ssyncset.done $0x0  }
0xb1: {  	[sflag:s26] =	ssyncadd.s32 $0xFFFFC180  }
0xb2: {  	_ =	swait.ge [sflag:s26], $0x3E80  }
0xb3: {  	[sflag:s26] =	ssyncset.done $0x0  }
0xb4: {  	[sflag:s26] =	ssyncadd.s32 $0xFFFFC180  }
0xb5: {  	_ =	swait.ge [sflag:s26], $0x3E80  }
0xb6: {  	[sflag:s26] =	ssyncset.done $0x0  }
0xb7: {  	[sflag:s26] =	ssyncadd.s32 $0xFFFFC180  }
0xb8: {  	_ =	swait.ge [sflag:s26], $0x3E80  }
0xb9: {  	[sflag:s26] =	ssyncset.done $0x0  }
0xba: {  	[sflag:s26] =	ssyncadd.s32 $0xFFFFC180  }
0xbb: {  	_ =	swait.ge [sflag:s26], $0x3E80  }
0xbc: {  	[sflag:s26] =	ssyncset.done $0x0  }
0xbd: {  	[sflag:s26] =	ssyncadd.s32 $0xFFFFC180  }
.Ltmp1:
0xbe: {  	_ =	swait.ge [sflag:s26], $0x3E80;
	(pc) =	sbr.rel @p0 .LBB2_4-.Ltmp1, $4  }
0xbf: {  	[sflag:s26] =	ssyncset.done $0x0  }
0xc0: {  	[sflag:s26] =	ssyncadd.s32 $0xFFFFC180  }
0xc1: {  	_ =	swait.ge [sflag:s26], $0x3E80  }
0xc2: {  	s31 =	smov.u32 s30;
	[sflag:s26] =	ssyncset.done $0x0  }
0xc3: {  	s0 =	sshra.s32 s29, $0x2;
	[sflag:s26] =	ssyncadd.s32 $0xFFFFC180  }
0xc4: {  	[spmem:s2] =	stream.indirect.scatter.add.f32 [tilespmem:s25], [sflag:$0x1], $0x80, s0, s24, $0xb8;
	[tilespmem:$0x1E400] =	vst v63  }
0xc5: {  	s29 =	sadd.s32 $0x80, s0  }
0xc6: {  	[spmem:s2] =	stream.indirect.scatter.add.f32 [tilespmem:s25], [sflag:$0x1], $0x80, s29, s24, $0xb8;
	[tilespmem:$0x1E400] =	vst v63  }
0xc7: {  	s31 =	sadd.s32 $0x100, s0  }
0xc8: {  	[spmem:s2] =	stream.indirect.scatter.add.f32 [tilespmem:s25], [sflag:$0x1], $0x80, s31, s24, $0xb8;
	[tilespmem:$0x1E400] =	vst v63  }
0xc9: {  	s30 =	sadd.s32 $0x180, s0  }
0xca: {  	[spmem:s2] =	stream.indirect.scatter.add.f32 [tilespmem:s25], [sflag:$0x1], $0x80, s30, s24, $0xb8;
	[tilespmem:$0x1E400] =	vst v63  }
0xcb: {  	s31 =	sadd.s32 $0x200, s0  }
0xcc: {  	[spmem:s2] =	stream.indirect.scatter.add.f32 [tilespmem:s25], [sflag:$0x1], $0x80, s31, s24, $0xb8;
	[tilespmem:$0x1E400] =	vst v63  }
0xcd: {  	s30 =	sadd.s32 $0x280, s0  }
0xce: {  	[spmem:s2] =	stream.indirect.scatter.add.f32 [tilespmem:s25], [sflag:$0x1], $0x80, s30, s24, $0xb8;
	[tilespmem:$0x1E400] =	vst v63  }
0xcf: {  	s31 =	sadd.s32 $0x300, s0  }
0xd0: {  	[spmem:s2] =	stream.indirect.scatter.add.f32 [tilespmem:s25], [sflag:$0x1], $0x80, s31, s24, $0xb8;
	[tilespmem:$0x1E400] =	vst v63  }
0xd1: {  	s30 =	sadd.s32 $0x380, s0  }
0xd2: {  	[spmem:s2] =	stream.indirect.scatter.add.f32 [tilespmem:s25], [sflag:$0x1], $0x80, s30, s24, $0xb8;
	[tilespmem:$0x1E400] =	vst v63  }
0xd3: {  	s31 =	sadd.s32 $0x400, s0  }
0xd4: {  	[spmem:s2] =	stream.indirect.scatter.add.f32 [tilespmem:s25], [sflag:$0x1], $0x80, s31, s24, $0xb8;
	[tilespmem:$0x1E400] =	vst v63  }
0xd5: {  	s0 =	sadd.s32 $0x480, s0  }
0xd6: {  	[spmem:s2] =	stream.indirect.scatter.add.f32 [tilespmem:s25], [sflag:$0x1], $0x80, s0, s24, $0xb8;
	[tilespmem:$0x1E400] =	vst v63  }
0xd7: {  	_ =	swait.ge [sflag:s26], $0x3E80  }
0xd8: {  	[sflag:s26] =	ssyncset.done $0x0  }
0xd9: {  	[sflag:s26] =	ssyncadd.s32 $0xFFFFC180  }
0xda: {  	_ =	swait.ge [sflag:s26], $0x3E80  }
0xdb: {  	[sflag:s26] =	ssyncset.done $0x0  }
0xdc: {  	[sflag:s26] =	ssyncadd.s32 $0xFFFFC180  }
0xdd: {  	_ =	swait.ge [sflag:s26], $0x3E80  }
0xde: {  	[sflag:s26] =	ssyncset.done $0x0  }
0xdf: {  	[sflag:s26] =	ssyncadd.s32 $0xFFFFC180  }
0xe0: {  	_ =	swait.ge [sflag:s26], $0x3E80  }
0xe1: {  	[sflag:s26] =	ssyncset.done $0x0  }
0xe2: {  	[sflag:s26] =	ssyncadd.s32 $0xFFFFC180  }
0xe3: {  	_ =	swait.ge [sflag:s26], $0x3E80  }
0xe4: {  	[sflag:s26] =	ssyncset.done $0x0  }
0xe5: {  	[sflag:s26] =	ssyncadd.s32 $0xFFFFC180  }
0xe6: {  	_ =	swait.ge [sflag:s26], $0x3E80  }
0xe7: {  	[sflag:s26] =	ssyncset.done $0x0  }
0xe8: {  	[sflag:s26] =	ssyncadd.s32 $0xFFFFC180  }
0xe9: {  	_ =	swait.ge [sflag:s26], $0x3E80  }
0xea: {  	[sflag:s26] =	ssyncset.done $0x0  }
0xeb: {  	[sflag:s26] =	ssyncadd.s32 $0xFFFFC180  }
0xec: {  	_ =	swait.ge [sflag:s26], $0x3E80  }
0xed: {  	[sflag:s26] =	ssyncset.done $0x0  }
0xee: {  	[sflag:s26] =	ssyncadd.s32 $0xFFFFC180  }
0xef: {  	_ =	swait.ge [sflag:s26], $0x3E80  }
0xf0: {  	[sflag:s26] =	ssyncset.done $0x0  }
0xf1: {  	[sflag:s26] =	ssyncadd.s32 $0xFFFFC180  }
0xf2: {  	_ =	swait.ge [sflag:s26], $0x3E80  }
0xf3: {  	[sflag:s26] =	ssyncset.done $0x0  }
0xf4: {  	[sflag:s26] =	ssyncadd.s32 $0xFFFFC180  }
0xf5: {  	[bflag:$0x0] =	sbarrier.arrive $0xFFFF  }
0xf6: {  	[tilespmem:s22], [sflag:$0x2] =	stream.linear.gather [spmem:s7], $0x2800, $0x38;
	[tilespmem:$0x1E400] =	vst v63  }
0xf7: {  	_ =	swait.ge [sflag:s23], $0x2800  }
0xf8: {  	[sflag:s23] =	ssyncset.done $0x0  }
0xf9: {  	[sflag:s23] =	ssyncadd.s32 $0xFFFFD800  }
0xfa: {  	[hbm4b:s15+s3] =	stream.linear.scatter [tilespmem:s22], [sflag:$0x2], $0x2800, $0x38;
	[tilespmem:$0x1E400] =	vst v63  }
0xfb: {  	_ =	swait.ge [sflag:s23], $0x2800  }
0xfc: {  	[sflag:s23] =	ssyncset.done $0x0  }
0xfd: {  	[sflag:s23] =	ssyncadd.s32 $0xFFFFD800  }
0xfe: {  	[tilespmem:s22], [sflag:$0x2] =	stream.linear.gather [spmem:s9], $0x2800, $0x38;
	[tilespmem:$0x1E400] =	vst v63  }
0xff: {  	_ =	swait.ge [sflag:s23], $0x2800  }
0x100: {  	[sflag:s23] =	ssyncset.done $0x0  }
0x101: {  	[sflag:s23] =	ssyncadd.s32 $0xFFFFD800  }
0x102: {  	[hbm4b:s16+s3] =	stream.linear.scatter [tilespmem:s22], [sflag:$0x2], $0x2800, $0x38;
	[tilespmem:$0x1E400] =	vst v63  }
0x103: {  	_ =	swait.ge [sflag:s23], $0x2800  }
0x104: {  	[sflag:s23] =	ssyncset.done $0x0  }
0x105: {  	[sflag:s23] =	ssyncadd.s32 $0xFFFFD800  }
0x106: {  	[tilespmem:s22], [sflag:$0x2] =	stream.linear.gather [spmem:s10], $0x2800, $0x38;
	[tilespmem:$0x1E400] =	vst v63  }
0x107: {  	_ =	swait.ge [sflag:s23], $0x2800  }
0x108: {  	[sflag:s23] =	ssyncset.done $0x0  }
0x109: {  	[sflag:s23] =	ssyncadd.s32 $0xFFFFD800  }
0x10a: {  	[hbm4b:s17+s3] =	stream.linear.scatter [tilespmem:s22], [sflag:$0x2], $0x2800, $0x38;
	[tilespmem:$0x1E400] =	vst v63  }
0x10b: {  	_ =	swait.ge [sflag:s23], $0x2800  }
0x10c: {  	[sflag:s23] =	ssyncset.done $0x0  }
0x10d: {  	[sflag:s23] =	ssyncadd.s32 $0xFFFFD800  }
0x10e: {  	[tilespmem:s22], [sflag:$0x2] =	stream.linear.gather [spmem:s11], $0x2800, $0x38;
	[tilespmem:$0x1E400] =	vst v63  }
0x10f: {  	_ =	swait.ge [sflag:s23], $0x2800  }
0x110: {  	[sflag:s23] =	ssyncset.done $0x0  }
0x111: {  	[sflag:s23] =	ssyncadd.s32 $0xFFFFD800  }
0x112: {  	[hbm4b:s18+s3] =	stream.linear.scatter [tilespmem:s22], [sflag:$0x2], $0x2800, $0x38;
	[tilespmem:$0x1E400] =	vst v63  }
0x113: {  	_ =	swait.ge [sflag:s23], $0x2800  }
0x114: {  	[sflag:s23] =	ssyncset.done $0x0  }
0x115: {  	[sflag:s23] =	ssyncadd.s32 $0xFFFFD800  }
0x116: {  	[tilespmem:s22], [sflag:$0x2] =	stream.linear.gather [spmem:s12], $0x2800, $0x38;
	[tilespmem:$0x1E400] =	vst v63  }
0x117: {  	_ =	swait.ge [sflag:s23], $0x2800  }
0x118: {  	[sflag:s23] =	ssyncset.done $0x0  }
0x119: {  	[sflag:s23] =	ssyncadd.s32 $0xFFFFD800  }
0x11a: {  	[hbm4b:s19+s3] =	stream.linear.scatter [tilespmem:s22], [sflag:$0x2], $0x2800, $0x38;
	[tilespmem:$0x1E400] =	vst v63  }
0x11b: {  	_ =	swait.ge [sflag:s23], $0x2800  }
0x11c: {  	[sflag:s23] =	ssyncset.done $0x0  }
0x11d: {  	[sflag:s23] =	ssyncadd.s32 $0xFFFFD800  }
0x11e: {  	[tilespmem:s22], [sflag:$0x2] =	stream.linear.gather [spmem:s13], $0x2800, $0x38;
	[tilespmem:$0x1E400] =	vst v63  }
0x11f: {  	_ =	swait.ge [sflag:s23], $0x2800  }
0x120: {  	[sflag:s23] =	ssyncset.done $0x0  }
0x121: {  	[sflag:s23] =	ssyncadd.s32 $0xFFFFD800  }
0x122: {  	[hbm4b:s20+s3] =	stream.linear.scatter [tilespmem:s22], [sflag:$0x2], $0x2800, $0x38;
	[tilespmem:$0x1E400] =	vst v63  }
0x123: {  	_ =	swait.ge [sflag:s23], $0x2800  }
0x124: {  	[sflag:s23] =	ssyncset.done $0x0  }
0x125: {  	[sflag:s23] =	ssyncadd.s32 $0xFFFFD800  }
0x126: {  	[tilespmem:s22], [sflag:$0x2] =	stream.linear.gather [spmem:s14], $0x2800, $0x38;
	[tilespmem:$0x1E400] =	vst v63  }
0x127: {  	_ =	swait.ge [sflag:s23], $0x2800  }
0x128: {  	[sflag:s23] =	ssyncset.done $0x0  }
0x129: {  	[sflag:s23] =	ssyncadd.s32 $0xFFFFD800  }
0x12a: {  	[hbm4b:s21+s3] =	stream.linear.scatter [tilespmem:s22], [sflag:$0x2], $0x2800, $0x38;
	[tilespmem:$0x1E400] =	vst v63  }
0x12b: {  	_ =	swait.ge [sflag:s23], $0x2800  }
0x12c: {  	[sflag:s23] =	ssyncset.done $0x0  }
0x12d: {  	[sflag:s23] =	ssyncadd.s32 $0xFFFFD800  }
0x12e: {  	[tilespmem:s22], [sflag:$0x2] =	stream.linear.gather [spmem:s4], $0x2400, $0x38;
	[tilespmem:$0x1E400] =	vst v63  }
0x12f: {  	s28 =	sadd.s32 $0x1, s28;
	_ =	swait.ge [sflag:s23], $0x2400  }
0x130: {  	p0 =	sne.s32 s28, s8;
	[sflag:s23] =	ssyncset.done $0x0  }
.Ltmp2:
0x131: {  	[sflag:s23] =	ssyncadd.s32 $0xFFFFDC00;
	(pc) =	sbr.rel @p0 .LBB2_1-.Ltmp2, $4  }
0x132: {  	[hbm4b:s6+s3] =	stream.linear.scatter [tilespmem:s22], [sflag:$0x2], $0x2400, $0x38;
	[tilespmem:$0x1E400] =	vst v63  }
0x133: {  	_ =	swait.ge [sflag:s23], $0x2400  }
0x134: {  	[sflag:s23] =	ssyncset.done $0x0  }
0x135: {  	[sflag:s23] =	ssyncadd.s32 $0xFFFFDC00  }
0x136: {  	_ =	sfence.sel $0x180000  }
0x137: {  	[bflag:$0x0] =	sbarrier.arrive $0xFFFF  }
0x138: {  	_ =	strace $0x90000047  }
0x139: {  	[bflag:$0x2] =	sbarrier.arrive $0xFFFF  }
0x13a: {  	p0 =	sne.s32 s1, $0x0;
	s0 =	rddreg [dreg:$0x2]  }
0x13b: {  	s0 =	sadd.s32 @!p0 $0x100000, s0  }
0x13c: {  	[sflag:s0] =	ssyncadd.tile.s32 @!p0 $0x1;
	_ =	shalt  }
.Lfunc_end2:
_tile_overlayer_lowered:
.L_overlay_start_2:
0x13d: {  	(tag) =	ssettag $0x2  }
0x13e: {  	s0 =	rddreg [dreg:$0x0];
	s2 =	stileid.u32  }
0x13f: {  	s1 =	rddreg [dreg:$0x1];
	p0 =	sne.s32 s2, $0x0  }
0x140: {  	s3 =	rddreg [dreg:$0x2];
	[bflag:$0x3] =	sbarrier.arrive $0xFFFF;
	s2 =	simm.s32 @!p0 $0x1C02  }
0x141: {  	[timem:s3], [sflag:s2] =	dma.local @!p0 [hbm:s0], s1  }
0x142: {  	s0 =	simm.s32 @!p0 $0x2  }
0x143: {  	_ =	swait.ge @!p0 [sflag:s0], s1  }
0x144: {  	s1 =	ssub.s32 @!p0 $0x0, s1;
	[sflag:s0] =	ssyncset.done @!p0 $0x0  }
0x145: {  	[sflag:s0] =	ssyncadd.s32 @!p0 s1  }
0x146: {  	[bflag:$0x3] =	sbarrier.arrive $0xFFFF  }
0x147: {  	_ =	shalt  }

// kernel: kernel.13.cloned.1.call-start
scs
__scs_entry_jumppad:
0x0: {  	(pc) =	sbr.rel $0x88, $3  }
0x1: {  	(tag) =	ssettag $0x0;
	lr =	simm.s32 $0x1  }
0x2: {  	[smem:$0x3F97] =	sst lr;
	_ =	strace $0xD0000000  }
0x3: {  	_ = 	snop  }
0x4: {  	_ = 	snop  }
0x5: {  	_ = 	snop  }
0x6: {  	_ = 	snop  }
0x7: {  	_ = 	snop  }
__scs_overlays_trampoline_lowered:
0x8: {  	[smem:$0x3FA6] =	sst s0  }
0x9: {  	[smem:$0x3FA7] =	sst s1  }
0xa: {  	[smem:$0x3FA8] =	sst s2  }
0xb: {  	[smem:$0x3FA9] =	sst s3  }
0xc: {  	[smem:$0x3FAA] =	sst s4  }
0xd: {  	[smem:$0x3FAB] =	sst s5  }
0xe: {  	[smem:$0x3FAC] =	sst s6  }
0xf: {  	[smem:$0x3FAD] =	sst s7  }
0x10: {  	[smem:$0x3FAE] =	sst s8  }
0x11: {  	[smem:$0x3FAF] =	sst s9;
	s0 =	simm.s32 @!p0 $0x0  }
0x12: {  	s1 =	sld [smem:$0x3F95];
	s0 =	simm.s32 @p0 $0x1  }
0x13: {  	[smem:$0x3FB0] =	sst s0;
	s0 =	simm.s32 @!p1 $0x0  }
0x14: {  	s2 =	sld [smem:$0x3F94];
	s0 =	simm.s32 @p1 $0x1  }
0x15: {  	[smem:$0x3FB1] =	sst s0;
	s0 =	simm.s32 @!p2 $0x0  }
0x16: {  	s3 =	sld [smem:$0x3FDB];
	s0 =	simm.s32 @p2 $0x1  }
0x17: {  	s4 =	simm.s32 $0x1BF5;
	[smem:$0x3FB3] =	sst s0  }
0x18: {  	s0 =	sld [smem:$0x3F96];
	_ =	swait.ge [sflag:s4], $0x0  }
0x19: {  	s7 =	sld [smem:$0x3F97]  }
0x1a: {  	s8 =	sadd.s32 $0xFFFFE003, lr  }
0x1b: {  	s9 =	sadd.s32 $0xFFFFFEF7, lr;
	s5 =	simm.s32 $0xFFFFFFFF;
	p2 =	slt.u32 s8, $0xFFFFF086  }
0x1c: {  	p1 =	slt.u32 s9, $0xF7A;
	s5 =	simm.s32 @!p2 $0x0  }
0x1d: {  	s5 =	simm.s32 @p1 $0x1;
	p0 =	seq.s32 s7, s2  }
0x1e: {  	s7 =	smul.u32 @!p0 $0xF7A, s2;
	p2 =	seq.s32 @!p0 s5, $0x0  }
0x1f: {  	s9 =	smul.u32 $0xF7A, s1;
	s8 =	simm.s32 @!p0 $0x1BF5;
	p2 =	por !p2, p0  }
0x20: {  	[sflag:s8] =	ssyncset.s32 @!p0 $0xFFFFF086;
	s6 =	sadd.s32 @!p0 s3, s7;
	s7 =	simm.s32 @!p0 $0x108  }
0x21: {  	s3 =	sadd.s32 s3, s9;
	s6 =	sadd.s32 @!p0 $0x88, s6;
	s7 =	simm.s32 @p2 $0x1082  }
0x22: {  	[simem:s7], [sflag:s8] =	dma.local @!p0 [hbm:s6], $0xF7A  }
0x23: {  	s9 =	sor.u32 $0xD0000000, s2;
	s6 =	simm.s32 $0x108;
	_ =	swait.ge @!p0 [sflag:s8], $0x0  }
0x24: {  	s3 =	sadd.s32 $0x88, s3;
	s6 =	simm.s32 @!p1 $0x1082;
	[sflag:s4] =	ssyncset.s32 $0xFFFFF086  }
0x25: {  	[simem:s6], [sflag:s4] =	dma.local [hbm:s3], $0xF7A  }
0x26: {  	[smem:$0x3F97] =	sst s1;
	(tag) =	ssettag s2;
	_ =	strace s9  }
0x27: {  	s1 =	sld [smem:$0x3FA7]  }
0x28: {  	s2 =	sld [smem:$0x3FA8]  }
0x29: {  	s4 =	sld [smem:$0x3FAA]  }
0x2a: {  	p0 =	seq.s32 s5, $0x0;
	s5 =	sld [smem:$0x3FAB]  }
0x2b: {  	s6 =	sld [smem:$0x3FAC]  }
0x2c: {  	s7 =	sld [smem:$0x3FAD]  }
0x2d: {  	s3 =	simm.s32 $0x108;
	s8 =	sld [smem:$0x3FAE]  }
0x2e: {  	s3 =	simm.s32 @!p0 $0x1082;
	s9 =	sld [smem:$0x3FAF]  }
0x2f: {  	lr =	sadd.s32 s0, s3;
	s0 =	sld [smem:$0x3FA6]  }
0x30: {  	s3 =	sld [smem:$0x3FA9]  }
0x31: {  	[smem:$0x3FB2] =	sst s10  }
0x32: {  	s10 =	sld [smem:$0x3FB0];
	_ =	sdelay $0x3  }
0x33: {  	p0 =	seq.s32 s10, $0x1;
	s10 =	sld [smem:$0x3FB2];
	_ =	sdelay $0x3  }
0x34: {  	[smem:$0x3FB2] =	sst s10  }
0x35: {  	s10 =	sld [smem:$0x3FB1];
	_ =	sdelay $0x3  }
0x36: {  	p1 =	seq.s32 s10, $0x1;
	s10 =	sld [smem:$0x3FB2];
	_ =	sdelay $0x3  }
0x37: {  	[smem:$0x3FB2] =	sst s10  }
0x38: {  	s10 =	sld [smem:$0x3FB3]  }
0x39: {  	_ = 	snop;
	(pc) =	sbr.ind lr, $3  }
0x3a: {  	_ = 	snop  }
0x3b: {  	_ = 	snop  }
0x3c: {  	p2 =	seq.s32 s10, $0x1;
	s10 =	sld [smem:$0x3FB2]  }
0x3d: {  	_ =	shalt  }
0x3e: {  	_ =	shalt  }
0x3f: {  	_ =	shalt  }
0x40: {  	_ =	shalt  }
0x41: {  	_ =	shalt  }
0x42: {  	_ =	shalt  }
0x43: {  	_ =	shalt  }
0x44: {  	_ =	shalt  }
0x45: {  	_ =	shalt  }
0x46: {  	_ =	shalt  }
0x47: {  	_ =	shalt  }
0x48: {  	_ =	shalt  }
0x49: {  	_ =	shalt  }
0x4a: {  	_ =	shalt  }
0x4b: {  	_ =	shalt  }
0x4c: {  	_ =	shalt  }
0x4d: {  	_ =	shalt  }
0x4e: {  	_ =	shalt  }
0x4f: {  	_ =	shalt  }
0x50: {  	_ =	shalt  }
0x51: {  	_ =	shalt  }
0x52: {  	_ =	shalt  }
0x53: {  	_ =	shalt  }
0x54: {  	_ =	shalt  }
0x55: {  	_ =	shalt  }
0x56: {  	_ =	shalt  }
0x57: {  	_ =	shalt  }
0x58: {  	_ =	shalt  }
0x59: {  	_ =	shalt  }
0x5a: {  	_ =	shalt  }
0x5b: {  	_ =	shalt  }
0x5c: {  	_ =	shalt  }
0x5d: {  	_ =	shalt  }
0x5e: {  	_ =	shalt  }
0x5f: {  	_ =	shalt  }
0x60: {  	_ =	shalt  }
0x61: {  	_ =	shalt  }
0x62: {  	_ =	shalt  }
0x63: {  	_ =	shalt  }
0x64: {  	_ =	shalt  }
0x65: {  	_ =	shalt  }
0x66: {  	_ =	shalt  }
0x67: {  	_ =	shalt  }
0x68: {  	_ =	shalt  }
0x69: {  	_ =	shalt  }
0x6a: {  	_ =	shalt  }
0x6b: {  	_ =	shalt  }
0x6c: {  	_ =	shalt  }
0x6d: {  	_ =	shalt  }
0x6e: {  	_ =	shalt  }
0x6f: {  	_ =	shalt  }
0x70: {  	_ =	shalt  }
0x71: {  	_ =	shalt  }
0x72: {  	_ =	shalt  }
0x73: {  	_ =	shalt  }
0x74: {  	_ =	shalt  }
0x75: {  	_ =	shalt  }
0x76: {  	_ =	shalt  }
0x77: {  	_ =	shalt  }
0x78: {  	_ =	shalt  }
0x79: {  	_ =	shalt  }
0x7a: {  	_ =	shalt  }
0x7b: {  	_ =	shalt  }
0x7c: {  	_ =	shalt  }
0x7d: {  	_ =	shalt  }
0x7e: {  	_ =	shalt  }
0x7f: {  	_ =	shalt  }
0x80: {  	_ =	shalt  }
0x81: {  	_ =	shalt  }
0x82: {  	_ =	shalt  }
0x83: {  	_ =	shalt  }
0x84: {  	_ =	shalt  }
0x85: {  	_ =	shalt  }
0x86: {  	_ =	shalt  }
0x87: {  	_ =	shalt  }
.Lfunc_end0:
.L_simem_size_0:
called_computation.1_lowered:
.L_overlay_start_0:
0x88: {  	s2 =	sld [smem:$0x3FD9]  }
0x89: {  	s3 =	sld [smem:$0x3FFE];
	_ =	sdelay $0x1  }
0x8a: {  	s1 =	srdreg.scid  }
0x8b: {  	s0 =	sand.u32 $0x1, s1  }
0x8c: {  	s16 =	sshll.u32 s0, $0xA;
	s2 =	sadd.s32 s3, s2  }
0x8d: {  	s2 =	sadd.s32 s2, s16  }
0x8e: {  	[smem:$0x3FBE] =	sst s2  }
0x8f: {  	_ = 	snop  }
0x90: {  	(tm) =	ssettm $0x1  }
0x91: {  	s17 =	sld [smem:$0x3FFB];
	_ =	sdelay $0x3  }
0x92: {  	_ =	strace s17  }
0x93: {  	s2 =	sld [smem:$0x3FFC];
	_ =	sdelay $0x3  }
0x94: {  	_ =	strace s2  }
0x95: {  	s2 =	sld [smem:$0x3FFD];
	_ =	sdelay $0x3  }
0x96: {  	_ =	strace s2  }
0x97: {  	_ =	strace $0x8FFFFFFF  }
0x98: {  	s18 =	sld [smem:$0x3FDB];
	_ =	sdelay $0x1  }
0x99: {  	s19 =	simm.s32 $_scs_section_size  }
0x9a: {  	s4 =	simm.s32 $_size__tile_overlayer_lowered;
	s5 =	simm.s32 $_tile_overlayer_lowered  }
0x9b: {  	s22 =	simm.s32 $0x1BFF;
	s21 =	sshll.u32 s5, $0x1;
	s2 =	sadd.s32 s19, s18  }
0x9c: {  	s6 =	simm.s32 $0x0;
	s20 =	sshll.u32 s4, $0x1;
	s4 =	sadd.s32 s21, s2  }
0x9d: {  	[timem:s6], [sflag:s22] =	dma.local [hbm:s4], s20  }
0x9e: {  	_ =	swait.ge [sflag:s22], s20  }
0x9f: {  	s3 =	ssub.s32 $0x0, s20;
	[sflag:s22] =	ssyncset.done $0x0  }
0xa0: {  	[sflag:s22] =	ssyncadd.s32 s3;
	_ =	sdelay $0x1  }
0xa1: {  	s23 =	simm.s32 $0x1B8B  }
0xa2: {  	_ =	swait.ge [sflag:s23], $0x1  }
0xa3: {  	[sflag:s23] =	ssyncset.done $0x0  }
0xa4: {  	s25 =	simm.s32 $0x1B8E;
	s24 =	sld [smem:$0x3FFE];
	[sflag:s23] =	ssyncadd.s32 $0xFFFFFFFF  }
0xa5: {  	s26 =	simm.s32 $execute0_lowered;
	[smem:$0x3FD2] =	sst s25  }
0xa6: {  	s4 =	sshll.u32 s26, $0x1;
	_ =	strace $0x80000049;
	[dreg:$0x1] =	wrdreg $0xFFFFFFFF  }
0xa7: {  	s28 =	simm.s32 $_size_execute0_lowered;
	s2 =	sadd.s32 s2, s4;
	[dreg:$0x0] =	wrdreg $0x0  }
0xa8: {  	s4 =	sshll.u32 s28, $0x1;
	[dreg:$0x2] =	wrdreg s2  }
0xa9: {  	[dreg:$0x3] =	wrdreg s4  }
0xaa: {  	[dreg:$0x4] =	wrdreg $0xC0  }
0xab: {  	_ =	task [dreg:s6], $0x5FFFF  }
0xac: {  	[dreg:$0x1] =	wrdreg $0xFFFFFFFF  }
0xad: {  	[dreg:$0x0] =	wrdreg $0x60  }
0xae: {  	[dreg:$0x2] =	wrdreg s24  }
0xaf: {  	[dreg:$0x3] =	wrdreg $0x90000  }
0xb0: {  	[dreg:$0x4] =	wrdreg $0x9  }
0xb1: {  	_ =	task.clear_ibuf [dreg:s6], $0x5FFFF;
	_ =	strace $0x90000049  }
0xb2: {  	s29 =	simm.s32 $0x9;
	_ =	strace $0x8000004B  }
0xb3: {  	_ =	swait.ge [sflag:s29], $0x1  }
0xb4: {  	[sflag:s29] =	ssyncadd.s32 $0xFFFFFFFF  }
0xb5: {  	_ =	strace $0x9000004B  }
0xb6: {  	_ =	sfence  }
0xb7: {  	s30 =	sld [smem:$0x0];
	_ =	sdelay $0x2  }
0xb8: {  	s31 =	sshll.u32 s1, $0xD;
	s1 =	sshrl.u32 s1, $0x2  }
0xb9: {  	s3 =	sand.u32 $0x4000, s31;
	s1 =	sadd.s32 s1, s30  }
0xba: {  	s0 =	sor.u32 s3, s0;
	s1 =	sshll.u32 s1, $0x11  }
0xbb: {  	s0 =	sor.u32 s1, s0  }
0xbc: {  	s0 =	sadd.s32 $0x8F2B, s0  }
0xbd: {  	[sflag:s0] =	ssyncadd.remote.s32 $0x1  }
0xbe: {  	_ =	sfence.sel $0xFFFF  }
0xbf: {  	[dreg:$0x0] =	wrdreg $0xFFFFFFFF;
	(pc) =	sbr.abs _section_cstart, $3  }
0xc0: {  	[dreg:$0x1] =	wrdreg $0xFFFFFFFF  }
0xc1: {  	_ =	task.clear_ibuf [dreg:s6], $0x2FFFF;
	_ =	strace $0x9FFFFFFF  }
0xc2: {  	(tm) =	ssettm $0x7FFFFFFF  }
0xc3: {  	_ =	shalt  }
tec
execute0_lowered:
.L_overlay_start_1:
0x0: {  	(tag) =	ssettag $0x1  }
0x1: {  	s0 =	srdreg.scid;
	s5 =	rddreg [dreg:$0x0]  }
0x2: {  	s24 =	stileid.u32;
	s2 =	rddreg [dreg:$0x1]  }
0x3: {  	s28 =	simm.s32 $0x7D;
	s29 =	simm.s32 $0x1;
	s30 =	simm.s32 $0x0  }
0x4: {  	s1 =	sand.u32 $0x1, s0;
	s15 =	smul.u32 $0x278, s24;
	s23 =	sadd.s32 $0x8E200, s5  }
0x5: {  	s26 =	smul.u32 $0x4F000, s24;
	s3 =	sshll.u32 s1, $0x4;
	s25 =	ssub.s32 $0x2, s1  }
0x6: {  	s1 =	smul.u32 $0x2780, s1;
	s4 =	sor.u32 s24, s3;
	s3 =	simm.s32 $0x0  }
0x7: {  	s8 =	sadd.s32 $0x230, s15;
	s9 =	sshrl.u32 s25, $0x1;
	s18 =	sadd.s32 $0x50, s15  }
0x8: {  	s19 =	sadd.s32 $0xA0, s15;
	s20 =	sadd.s32 $0xF0, s15;
	s21 =	sadd.s32 $0x140, s15  }
0x9: {  	s22 =	sadd.s32 $0x190, s15;
	s24 =	sadd.s32 $0x1E0, s15;
	s6 =	smul.u32 $0x5000, s4  }
0xa: {  	[smem:$0x7FF] =	sst s3;
	s4 =	sadd.s32 $0x66A00, s5;
	s10 =	sshll.u32 s8, $0x7  }
0xb: {  	s11 =	ssub.s32 s25, s9;
	s8 =	sadd.s32 s1, s8;
	s9 =	sshrl.u32 s26, $0x2  }
0xc: {  	s12 =	sshll.u32 s18, $0x7;
	s31 =	sshll.u32 s19, $0x7;
	s13 =	sshll.u32 s20, $0x7  }
0xd: {  	s14 =	sshll.u32 s21, $0x7;
	s15 =	sadd.s32 s1, s15;
	s16 =	sshll.u32 s22, $0x7  }
0xe: {  	s17 =	sshll.u32 s24, $0x7;
	s18 =	sadd.s32 s1, s18;
	s19 =	sadd.s32 s1, s19  }
0xf: {  	s20 =	sadd.s32 s1, s20;
	s21 =	sadd.s32 s1, s21;
	s22 =	sadd.s32 s1, s22  }
0x10: {  	s1 =	sadd.s32 s1, s24;
	s24 =	simm.s32 $0x5000;
	_ =	strace $0x8000004A  }
0x11: {  	s8 =	sshll.u32 s8, $0x4;
	s9 =	sadd.s32 s9, s2;
	s13 =	sadd.s32 s13, s2  }
0x12: {  	s14 =	sadd.s32 s14, s2;
	s25 =	sshll.u32 s15, $0x4;
	s15 =	sadd.s32 s16, s2  }
0x13: {  	s16 =	sadd.s32 s17, s2;
	s18 =	sshll.u32 s18, $0x4;
	s19 =	sshll.u32 s19, $0x4  }
0x14: {  	s20 =	sshll.u32 s20, $0x4;
	s21 =	sshll.u32 s21, $0x4;
	s22 =	sshll.u32 s22, $0x4  }
0x15: {  	s1 =	sshll.u32 s1, $0x4;
	s6 =	sshrl.u32 s6, $0x3;
	s8 =	sadd.s32 s23, s8  }
0x16: {  	s17 =	sadd.s32 s23, s25;
	s18 =	sadd.s32 s23, s18;
	s19 =	sadd.s32 s23, s19  }
0x17: {  	s20 =	sadd.s32 s23, s20;
	s21 =	sadd.s32 s23, s21;
	s22 =	sadd.s32 s23, s22  }
0x18: {  	s23 =	sadd.s32 s23, s1;
	s25 =	simm.s32 $0x2;
	s7 =	sadd.s32 s6, s5  }
0x19: {  	s5 =	sadd.s32 s10, s2;
	s10 =	smax.u32 s11, $0x1;
	s11 =	sadd.s32 s12, s2  }
0x1a: {  	v0 =	vimm.f32 $0.0e+00;
	s12 =	sadd.s32 s31, s2;
	s6 =	sadd.s32 $0x3A00, s7;
	s7 =	sadd.s32 $0x3F00, s7  }
.LBB2_1:
0x1b: {  	s31 =	simm.s32 $0x0;
	s1 =	simm.s32 $0x200  }
.LBB2_2:
0x1c: {  	p0 =	sne.s32 s1, $0xF800;
	[tilespmem:s31+$0x5070] =	vst v0  }
0x1d: {  	[tilespmem:s31+$0x5000] =	vst v0  }
0x1e: {  	[tilespmem:s31+$0x5010] =	vst v0  }
.Ltmp0:
0x1f: {  	[tilespmem:s31+$0x5020] =	vst v0;
	(pc) =	sbr.rel @p0 .LBB2_2-.Ltmp0, $4  }
0x20: {  	[tilespmem:s31+$0x5030] =	vst v0  }
0x21: {  	[tilespmem:s31+$0x5040] =	vst v0  }
0x22: {  	[tilespmem:s31+$0x5050] =	vst v0  }
0x23: {  	[tilespmem:s31+$0x5060] =	vst v0;
	s31 =	sshra.s32 s1, $0x2;
	s1 =	sadd.s32 $0x200, s1  }
0x24: {  	[tilespmem:s31+$0x5070] =	vst v0  }
0x25: {  	[tilespmem:s31+$0x5000] =	vst v0  }
0x26: {  	[tilespmem:s31+$0x5010] =	vst v0  }
0x27: {  	[tilespmem:s31+$0x5020] =	vst v0  }
0x28: {  	[tilespmem:s31+$0x5030] =	vst v0  }
0x29: {  	[tilespmem:s31+$0x5040] =	vst v0  }
0x2a: {  	[tilespmem:s31+$0x5050] =	vst v0  }
0x2b: {  	[tilespmem:s31+$0x5060] =	vst v0  }
0x2c: {  	[spmem:s9] =	stream.linear.scatter [tilespmem:s24], [sflag:$0x2], $0x2800, $0x38;
	[tilespmem:$0x1CC00] =	vst v63  }
0x2d: {  	_ =	swait.ge [sflag:s25], $0x2800  }
0x2e: {  	[sflag:s25] =	ssyncset.done $0x0  }
0x2f: {  	[sflag:s25] =	ssyncadd.s32 $0xFFFFD800  }
0x30: {  	[spmem:s11] =	stream.linear.scatter [tilespmem:s24], [sflag:$0x2], $0x2800, $0x38;
	[tilespmem:$0x1CC00] =	vst v63  }
0x31: {  	_ =	swait.ge [sflag:s25], $0x2800  }
0x32: {  	[sflag:s25] =	ssyncset.done $0x0  }
0x33: {  	[sflag:s25] =	ssyncadd.s32 $0xFFFFD800  }
0x34: {  	[spmem:s12] =	stream.linear.scatter [tilespmem:s24], [sflag:$0x2], $0x2800, $0x38;
	[tilespmem:$0x1CC00] =	vst v63  }
0x35: {  	_ =	swait.ge [sflag:s25], $0x2800  }
0x36: {  	[sflag:s25] =	ssyncset.done $0x0  }
0x37: {  	[sflag:s25] =	ssyncadd.s32 $0xFFFFD800  }
0x38: {  	[spmem:s13] =	stream.linear.scatter [tilespmem:s24], [sflag:$0x2], $0x2800, $0x38;
	[tilespmem:$0x1CC00] =	vst v63  }
0x39: {  	_ =	swait.ge [sflag:s25], $0x2800  }
0x3a: {  	[sflag:s25] =	ssyncset.done $0x0  }
0x3b: {  	[sflag:s25] =	ssyncadd.s32 $0xFFFFD800  }
0x3c: {  	[spmem:s14] =	stream.linear.scatter [tilespmem:s24], [sflag:$0x2], $0x2800, $0x38;
	[tilespmem:$0x1CC00] =	vst v63  }
0x3d: {  	_ =	swait.ge [sflag:s25], $0x2800  }
0x3e: {  	[sflag:s25] =	ssyncset.done $0x0  }
0x3f: {  	[sflag:s25] =	ssyncadd.s32 $0xFFFFD800  }
0x40: {  	[spmem:s15] =	stream.linear.scatter [tilespmem:s24], [sflag:$0x2], $0x2800, $0x38;
	[tilespmem:$0x1CC00] =	vst v63  }
0x41: {  	_ =	swait.ge [sflag:s25], $0x2800  }
0x42: {  	[sflag:s25] =	ssyncset.done $0x0  }
0x43: {  	[sflag:s25] =	ssyncadd.s32 $0xFFFFD800  }
0x44: {  	[spmem:s16] =	stream.linear.scatter [tilespmem:s24], [sflag:$0x2], $0x2800, $0x38;
	[tilespmem:$0x1CC00] =	vst v63  }
0x45: {  	_ =	swait.ge [sflag:s25], $0x2800  }
0x46: {  	[sflag:s25] =	ssyncset.done $0x0  }
0x47: {  	[sflag:s25] =	ssyncadd.s32 $0xFFFFD800  }
0x48: {  	[spmem:s5] =	stream.linear.scatter [tilespmem:s24], [sflag:$0x2], $0x2400, $0x38;
	[tilespmem:$0x1CC00] =	vst v63  }
0x49: {  	_ =	swait.ge [sflag:s25], $0x2400  }
0x4a: {  	[sflag:s25] =	ssyncset.done $0x0  }
0x4b: {  	s1 =	simm.s32 $0x0;
	[sflag:s25] =	ssyncadd.s32 $0xFFFFDC00  }
0x4c: {  	[tilespmem:s1], [sflag:$0x2] =	stream.linear.gather [hbm4b:s6+s1], $0x2800, $0x38;
	[tilespmem:$0x1CC00] =	vst v63  }
0x4d: {  	_ =	swait.ge [sflag:s25], $0x2800  }
0x4e: {  	[sflag:s25] =	ssyncset.done $0x0  }
0x4f: {  	s0 =	simm.s32 $0x2800;
	[sflag:s25] =	ssyncadd.s32 $0xFFFFD800  }
0x50: {  	[tilespmem:s0], [sflag:$0x2] =	stream.linear.gather [hbm4b:s7+s1], $0x2800, $0x38;
	[tilespmem:$0x1CC00] =	vst v63  }
0x51: {  	_ =	swait.ge [sflag:s25], $0x2800  }
0x52: {  	[sflag:s25] =	ssyncset.done $0x0  }
0x53: {  	[sflag:s25] =	ssyncadd.s32 $0xFFFFD800  }
0x54: {  	s0 =	simm.s32 $0x0;
	[bflag:$0x0] =	sbarrier.arrive $0xFFFF  }
0x55: {  	[tilespmem:s24], [sflag:$0x1] =	stream.indirect.gather [hbm4b:s4+s28], $0x80, s0, s28, $0xb8;
	[tilespmem:$0x1CC00] =	vst v63  }
0x56: {  	_ =	swait.ge [sflag:s29], $0x3E80  }
0x57: {  	[sflag:s29] =	ssyncset.done $0x0  }
0x58: {  	s26 =	simm.s32 $0x2800;
	[sflag:s29] =	ssyncadd.s32 $0xFFFFC180  }
0x59: {  	[spmem:s2] =	stream.indirect.scatter.add.f32 [tilespmem:s24], [sflag:$0x2], $0x80, s26, s28, $0xb8;
	[tilespmem:$0x1CC00] =	vst v63  }
0x5a: {  	_ =	swait.ge [sflag:s25], $0x3E80  }
0x5b: {  	s31 =	simm.s32 $0x200;
	s1 =	simm.s32 $0x400;
	[sflag:s25] =	ssyncset.done $0x0  }
.LBB2_4:
0x5c: {  	s0 =	sshra.s32 s31, $0x2  }
0x5d: {  	[sflag:s25] =	ssyncadd.s32 $0xFFFFC180;
	s31 =	smov.u32 s1;
	s26 =	sadd.s32 $0x200, s1  }
0x5e: {  	[tilespmem:s24], [sflag:$0x1] =	stream.indirect.gather [hbm4b:s4+s28], $0x80, s0, s28, $0xb8;
	[tilespmem:$0x1CC00] =	vst v63  }
0x5f: {  	p0 =	sne.s32 s1, $0x9E00;
	_ =	swait.ge [sflag:s29], $0x3E80  }
.Ltmp1:
0x60: {  	[sflag:s29] =	ssyncset.done $0x0;
	(pc) =	sbr.rel @p0 .LBB2_4-.Ltmp1, $4  }
0x61: {  	s0 =	sadd.s32 $0x2800, s0;
	[sflag:s29] =	ssyncadd.s32 $0xFFFFC180  }
0x62: {  	[spmem:s2] =	stream.indirect.scatter.add.f32 [tilespmem:s24], [sflag:$0x2], $0x80, s0, s28, $0xb8;
	[tilespmem:$0x1CC00] =	vst v63  }
0x63: {  	_ =	swait.ge [sflag:s25], $0x3E80  }
0x64: {  	s1 =	smov.u32 s26;
	[sflag:s25] =	ssyncset.done $0x0  }
0x65: {  	s0 =	sshra.s32 s31, $0x2;
	[sflag:s25] =	ssyncadd.s32 $0xFFFFC180  }
0x66: {  	[tilespmem:s24], [sflag:$0x1] =	stream.indirect.gather [hbm4b:s4+s28], $0x80, s0, s28, $0xb8;
	[tilespmem:$0x1CC00] =	vst v63  }
0x67: {  	_ =	swait.ge [sflag:s29], $0x3E80  }
0x68: {  	[sflag:s29] =	ssyncset.done $0x0  }
0x69: {  	s0 =	sadd.s32 $0x2800, s0;
	[sflag:s29] =	ssyncadd.s32 $0xFFFFC180  }
0x6a: {  	[spmem:s2] =	stream.indirect.scatter.add.f32 [tilespmem:s24], [sflag:$0x2], $0x80, s0, s28, $0xb8;
	[tilespmem:$0x1CC00] =	vst v63  }
0x6b: {  	_ =	swait.ge [sflag:s25], $0x3E80  }
0x6c: {  	[sflag:s25] =	ssyncset.done $0x0  }
0x6d: {  	[sflag:s25] =	ssyncadd.s32 $0xFFFFC180  }
0x6e: {  	[bflag:$0x0] =	sbarrier.arrive $0xFFFF  }
0x6f: {  	[tilespmem:s24], [sflag:$0x2] =	stream.linear.gather [spmem:s9], $0x2800, $0x38;
	[tilespmem:$0x1CC00] =	vst v63  }
0x70: {  	_ =	swait.ge [sflag:s25], $0x2800  }
0x71: {  	[sflag:s25] =	ssyncset.done $0x0  }
0x72: {  	[sflag:s25] =	ssyncadd.s32 $0xFFFFD800  }
0x73: {  	[hbm4b:s17+s3] =	stream.linear.scatter [tilespmem:s24], [sflag:$0x2], $0x2800, $0x38;
	[tilespmem:$0x1CC00] =	vst v63  }
0x74: {  	_ =	swait.ge [sflag:s25], $0x2800  }
0x75: {  	[sflag:s25] =	ssyncset.done $0x0  }
0x76: {  	[sflag:s25] =	ssyncadd.s32 $0xFFFFD800  }
0x77: {  	[tilespmem:s24], [sflag:$0x2] =	stream.linear.gather [spmem:s11], $0x2800, $0x38;
	[tilespmem:$0x1CC00] =	vst v63  }
0x78: {  	_ =	swait.ge [sflag:s25], $0x2800  }
0x79: {  	[sflag:s25] =	ssyncset.done $0x0  }
0x7a: {  	[sflag:s25] =	ssyncadd.s32 $0xFFFFD800  }
0x7b: {  	[hbm4b:s18+s3] =	stream.linear.scatter [tilespmem:s24], [sflag:$0x2], $0x2800, $0x38;
	[tilespmem:$0x1CC00] =	vst v63  }
0x7c: {  	_ =	swait.ge [sflag:s25], $0x2800  }
0x7d: {  	[sflag:s25] =	ssyncset.done $0x0  }
0x7e: {  	[sflag:s25] =	ssyncadd.s32 $0xFFFFD800  }
0x7f: {  	[tilespmem:s24], [sflag:$0x2] =	stream.linear.gather [spmem:s12], $0x2800, $0x38;
	[tilespmem:$0x1CC00] =	vst v63  }
0x80: {  	_ =	swait.ge [sflag:s25], $0x2800  }
0x81: {  	[sflag:s25] =	ssyncset.done $0x0  }
0x82: {  	[sflag:s25] =	ssyncadd.s32 $0xFFFFD800  }
0x83: {  	[hbm4b:s19+s3] =	stream.linear.scatter [tilespmem:s24], [sflag:$0x2], $0x2800, $0x38;
	[tilespmem:$0x1CC00] =	vst v63  }
0x84: {  	_ =	swait.ge [sflag:s25], $0x2800  }
0x85: {  	[sflag:s25] =	ssyncset.done $0x0  }
0x86: {  	[sflag:s25] =	ssyncadd.s32 $0xFFFFD800  }
0x87: {  	[tilespmem:s24], [sflag:$0x2] =	stream.linear.gather [spmem:s13], $0x2800, $0x38;
	[tilespmem:$0x1CC00] =	vst v63  }
0x88: {  	_ =	swait.ge [sflag:s25], $0x2800  }
0x89: {  	[sflag:s25] =	ssyncset.done $0x0  }
0x8a: {  	[sflag:s25] =	ssyncadd.s32 $0xFFFFD800  }
0x8b: {  	[hbm4b:s20+s3] =	stream.linear.scatter [tilespmem:s24], [sflag:$0x2], $0x2800, $0x38;
	[tilespmem:$0x1CC00] =	vst v63  }
0x8c: {  	_ =	swait.ge [sflag:s25], $0x2800  }
0x8d: {  	[sflag:s25] =	ssyncset.done $0x0  }
0x8e: {  	[sflag:s25] =	ssyncadd.s32 $0xFFFFD800  }
0x8f: {  	[tilespmem:s24], [sflag:$0x2] =	stream.linear.gather [spmem:s14], $0x2800, $0x38;
	[tilespmem:$0x1CC00] =	vst v63  }
0x90: {  	_ =	swait.ge [sflag:s25], $0x2800  }
0x91: {  	[sflag:s25] =	ssyncset.done $0x0  }
0x92: {  	[sflag:s25] =	ssyncadd.s32 $0xFFFFD800  }
0x93: {  	[hbm4b:s21+s3] =	stream.linear.scatter [tilespmem:s24], [sflag:$0x2], $0x2800, $0x38;
	[tilespmem:$0x1CC00] =	vst v63  }
0x94: {  	_ =	swait.ge [sflag:s25], $0x2800  }
0x95: {  	[sflag:s25] =	ssyncset.done $0x0  }
0x96: {  	[sflag:s25] =	ssyncadd.s32 $0xFFFFD800  }
0x97: {  	[tilespmem:s24], [sflag:$0x2] =	stream.linear.gather [spmem:s15], $0x2800, $0x38;
	[tilespmem:$0x1CC00] =	vst v63  }
0x98: {  	_ =	swait.ge [sflag:s25], $0x2800  }
0x99: {  	[sflag:s25] =	ssyncset.done $0x0  }
0x9a: {  	[sflag:s25] =	ssyncadd.s32 $0xFFFFD800  }
0x9b: {  	[hbm4b:s22+s3] =	stream.linear.scatter [tilespmem:s24], [sflag:$0x2], $0x2800, $0x38;
	[tilespmem:$0x1CC00] =	vst v63  }
0x9c: {  	_ =	swait.ge [sflag:s25], $0x2800  }
0x9d: {  	[sflag:s25] =	ssyncset.done $0x0  }
0x9e: {  	[sflag:s25] =	ssyncadd.s32 $0xFFFFD800  }
0x9f: {  	[tilespmem:s24], [sflag:$0x2] =	stream.linear.gather [spmem:s16], $0x2800, $0x38;
	[tilespmem:$0x1CC00] =	vst v63  }
0xa0: {  	_ =	swait.ge [sflag:s25], $0x2800  }
0xa1: {  	[sflag:s25] =	ssyncset.done $0x0  }
0xa2: {  	[sflag:s25] =	ssyncadd.s32 $0xFFFFD800  }
0xa3: {  	[hbm4b:s23+s3] =	stream.linear.scatter [tilespmem:s24], [sflag:$0x2], $0x2800, $0x38;
	[tilespmem:$0x1CC00] =	vst v63  }
0xa4: {  	_ =	swait.ge [sflag:s25], $0x2800  }
0xa5: {  	[sflag:s25] =	ssyncset.done $0x0  }
0xa6: {  	[sflag:s25] =	ssyncadd.s32 $0xFFFFD800  }
0xa7: {  	[tilespmem:s24], [sflag:$0x2] =	stream.linear.gather [spmem:s5], $0x2400, $0x38;
	[tilespmem:$0x1CC00] =	vst v63  }
0xa8: {  	s30 =	sadd.s32 $0x1, s30;
	_ =	swait.ge [sflag:s25], $0x2400  }
0xa9: {  	p0 =	sne.s32 s30, s10;
	[sflag:s25] =	ssyncset.done $0x0  }
.Ltmp2:
0xaa: {  	[sflag:s25] =	ssyncadd.s32 $0xFFFFDC00;
	(pc) =	sbr.rel @p0 .LBB2_1-.Ltmp2, $4  }
0xab: {  	[hbm4b:s8+s3] =	stream.linear.scatter [tilespmem:s24], [sflag:$0x2], $0x2400, $0x38;
	[tilespmem:$0x1CC00] =	vst v63  }
0xac: {  	_ =	swait.ge [sflag:s25], $0x2400  }
0xad: {  	[sflag:s25] =	ssyncset.done $0x0  }
0xae: {  	[sflag:s25] =	ssyncadd.s32 $0xFFFFDC00  }
0xaf: {  	_ =	sfence.sel $0x180000  }
0xb0: {  	[bflag:$0x0] =	sbarrier.arrive $0xFFFF  }
0xb1: {  	_ =	strace $0x9000004A  }
0xb2: {  	s0 =	stileid.u32;
	[bflag:$0x2] =	sbarrier.arrive $0xFFFF  }
0xb3: {  	p0 =	sne.s32 s0, $0x0;
	s0 =	rddreg [dreg:$0x2]  }
0xb4: {  	s0 =	sadd.s32 @!p0 $0x100000, s0  }
0xb5: {  	[sflag:s0] =	ssyncadd.tile.s32 @!p0 $0x1;
	_ =	shalt  }
.Lfunc_end2:
_tile_overlayer_lowered:
.L_overlay_start_2:
0xb6: {  	(tag) =	ssettag $0x2  }
0xb7: {  	s0 =	rddreg [dreg:$0x0];
	s2 =	stileid.u32  }
0xb8: {  	s1 =	rddreg [dreg:$0x1];
	p0 =	sne.s32 s2, $0x0  }
0xb9: {  	s3 =	rddreg [dreg:$0x2];
	[bflag:$0x3] =	sbarrier.arrive $0xFFFF;
	s2 =	simm.s32 @!p0 $0x1C02  }
0xba: {  	[timem:s3], [sflag:s2] =	dma.local @!p0 [hbm:s0], s1  }
0xbb: {  	s0 =	simm.s32 @!p0 $0x2  }
0xbc: {  	_ =	swait.ge @!p0 [sflag:s0], s1  }
0xbd: {  	s1 =	ssub.s32 @!p0 $0x0, s1;
	[sflag:s0] =	ssyncset.done @!p0 $0x0  }
0xbe: {  	[sflag:s0] =	ssyncadd.s32 @!p0 s1  }
0xbf: {  	[bflag:$0x3] =	sbarrier.arrive $0xFFFF  }
0xc0: {  	_ =	shalt  }

// kernel: kernel.16.cloned.1.call-start
scs
__scs_entry_jumppad:
0x0: {  	(pc) =	sbr.rel $0x88, $3  }
0x1: {  	(tag) =	ssettag $0x0;
	lr =	simm.s32 $0x1  }
0x2: {  	[smem:$0x3F97] =	sst lr;
	_ =	strace $0xD0000000  }
0x3: {  	_ = 	snop  }
0x4: {  	_ = 	snop  }
0x5: {  	_ = 	snop  }
0x6: {  	_ = 	snop  }
0x7: {  	_ = 	snop  }
__scs_overlays_trampoline_lowered:
0x8: {  	[smem:$0x3FA6] =	sst s0  }
0x9: {  	[smem:$0x3FA7] =	sst s1  }
0xa: {  	[smem:$0x3FA8] =	sst s2  }
0xb: {  	[smem:$0x3FA9] =	sst s3  }
0xc: {  	[smem:$0x3FAA] =	sst s4  }
0xd: {  	[smem:$0x3FAB] =	sst s5  }
0xe: {  	[smem:$0x3FAC] =	sst s6  }
0xf: {  	[smem:$0x3FAD] =	sst s7  }
0x10: {  	[smem:$0x3FAE] =	sst s8  }
0x11: {  	[smem:$0x3FAF] =	sst s9;
	s0 =	simm.s32 @!p0 $0x0  }
0x12: {  	s1 =	sld [smem:$0x3F95];
	s0 =	simm.s32 @p0 $0x1  }
0x13: {  	[smem:$0x3FB0] =	sst s0;
	s0 =	simm.s32 @!p1 $0x0  }
0x14: {  	s2 =	sld [smem:$0x3F94];
	s0 =	simm.s32 @p1 $0x1  }
0x15: {  	[smem:$0x3FB1] =	sst s0;
	s0 =	simm.s32 @!p2 $0x0  }
0x16: {  	s3 =	sld [smem:$0x3FDB];
	s0 =	simm.s32 @p2 $0x1  }
0x17: {  	s4 =	simm.s32 $0x1BF5;
	[smem:$0x3FB3] =	sst s0  }
0x18: {  	s0 =	sld [smem:$0x3F96];
	_ =	swait.ge [sflag:s4], $0x0  }
0x19: {  	s7 =	sld [smem:$0x3F97]  }
0x1a: {  	s8 =	sadd.s32 $0xFFFFE003, lr  }
0x1b: {  	s9 =	sadd.s32 $0xFFFFFEF7, lr;
	s5 =	simm.s32 $0xFFFFFFFF;
	p2 =	slt.u32 s8, $0xFFFFF086  }
0x1c: {  	p1 =	slt.u32 s9, $0xF7A;
	s5 =	simm.s32 @!p2 $0x0  }
0x1d: {  	s5 =	simm.s32 @p1 $0x1;
	p0 =	seq.s32 s7, s2  }
0x1e: {  	s7 =	smul.u32 @!p0 $0xF7A, s2;
	p2 =	seq.s32 @!p0 s5, $0x0  }
0x1f: {  	s9 =	smul.u32 $0xF7A, s1;
	s8 =	simm.s32 @!p0 $0x1BF5;
	p2 =	por !p2, p0  }
0x20: {  	[sflag:s8] =	ssyncset.s32 @!p0 $0xFFFFF086;
	s6 =	sadd.s32 @!p0 s3, s7;
	s7 =	simm.s32 @!p0 $0x108  }
0x21: {  	s3 =	sadd.s32 s3, s9;
	s6 =	sadd.s32 @!p0 $0x88, s6;
	s7 =	simm.s32 @p2 $0x1082  }
0x22: {  	[simem:s7], [sflag:s8] =	dma.local @!p0 [hbm:s6], $0xF7A  }
0x23: {  	s9 =	sor.u32 $0xD0000000, s2;
	s6 =	simm.s32 $0x108;
	_ =	swait.ge @!p0 [sflag:s8], $0x0  }
0x24: {  	s3 =	sadd.s32 $0x88, s3;
	s6 =	simm.s32 @!p1 $0x1082;
	[sflag:s4] =	ssyncset.s32 $0xFFFFF086  }
0x25: {  	[simem:s6], [sflag:s4] =	dma.local [hbm:s3], $0xF7A  }
0x26: {  	[smem:$0x3F97] =	sst s1;
	(tag) =	ssettag s2;
	_ =	strace s9  }
0x27: {  	s1 =	sld [smem:$0x3FA7]  }
0x28: {  	s2 =	sld [smem:$0x3FA8]  }
0x29: {  	s4 =	sld [smem:$0x3FAA]  }
0x2a: {  	p0 =	seq.s32 s5, $0x0;
	s5 =	sld [smem:$0x3FAB]  }
0x2b: {  	s6 =	sld [smem:$0x3FAC]  }
0x2c: {  	s7 =	sld [smem:$0x3FAD]  }
0x2d: {  	s3 =	simm.s32 $0x108;
	s8 =	sld [smem:$0x3FAE]  }
0x2e: {  	s3 =	simm.s32 @!p0 $0x1082;
	s9 =	sld [smem:$0x3FAF]  }
0x2f: {  	lr =	sadd.s32 s0, s3;
	s0 =	sld [smem:$0x3FA6]  }
0x30: {  	s3 =	sld [smem:$0x3FA9]  }
0x31: {  	[smem:$0x3FB2] =	sst s10  }
0x32: {  	s10 =	sld [smem:$0x3FB0];
	_ =	sdelay $0x3  }
0x33: {  	p0 =	seq.s32 s10, $0x1;
	s10 =	sld [smem:$0x3FB2];
	_ =	sdelay $0x3  }
0x34: {  	[smem:$0x3FB2] =	sst s10  }
0x35: {  	s10 =	sld [smem:$0x3FB1];
	_ =	sdelay $0x3  }
0x36: {  	p1 =	seq.s32 s10, $0x1;
	s10 =	sld [smem:$0x3FB2];
	_ =	sdelay $0x3  }
0x37: {  	[smem:$0x3FB2] =	sst s10  }
0x38: {  	s10 =	sld [smem:$0x3FB3]  }
0x39: {  	_ = 	snop;
	(pc) =	sbr.ind lr, $3  }
0x3a: {  	_ = 	snop  }
0x3b: {  	_ = 	snop  }
0x3c: {  	p2 =	seq.s32 s10, $0x1;
	s10 =	sld [smem:$0x3FB2]  }
0x3d: {  	_ =	shalt  }
0x3e: {  	_ =	shalt  }
0x3f: {  	_ =	shalt  }
0x40: {  	_ =	shalt  }
0x41: {  	_ =	shalt  }
0x42: {  	_ =	shalt  }
0x43: {  	_ =	shalt  }
0x44: {  	_ =	shalt  }
0x45: {  	_ =	shalt  }
0x46: {  	_ =	shalt  }
0x47: {  	_ =	shalt  }
0x48: {  	_ =	shalt  }
0x49: {  	_ =	shalt  }
0x4a: {  	_ =	shalt  }
0x4b: {  	_ =	shalt  }
0x4c: {  	_ =	shalt  }
0x4d: {  	_ =	shalt  }
0x4e: {  	_ =	shalt  }
0x4f: {  	_ =	shalt  }
0x50: {  	_ =	shalt  }
0x51: {  	_ =	shalt  }
0x52: {  	_ =	shalt  }
0x53: {  	_ =	shalt  }
0x54: {  	_ =	shalt  }
0x55: {  	_ =	shalt  }
0x56: {  	_ =	shalt  }
0x57: {  	_ =	shalt  }
0x58: {  	_ =	shalt  }
0x59: {  	_ =	shalt  }
0x5a: {  	_ =	shalt  }
0x5b: {  	_ =	shalt  }
0x5c: {  	_ =	shalt  }
0x5d: {  	_ =	shalt  }
0x5e: {  	_ =	shalt  }
0x5f: {  	_ =	shalt  }
0x60: {  	_ =	shalt  }
0x61: {  	_ =	shalt  }
0x62: {  	_ =	shalt  }
0x63: {  	_ =	shalt  }
0x64: {  	_ =	shalt  }
0x65: {  	_ =	shalt  }
0x66: {  	_ =	shalt  }
0x67: {  	_ =	shalt  }
0x68: {  	_ =	shalt  }
0x69: {  	_ =	shalt  }
0x6a: {  	_ =	shalt  }
0x6b: {  	_ =	shalt  }
0x6c: {  	_ =	shalt  }
0x6d: {  	_ =	shalt  }
0x6e: {  	_ =	shalt  }
0x6f: {  	_ =	shalt  }
0x70: {  	_ =	shalt  }
0x71: {  	_ =	shalt  }
0x72: {  	_ =	shalt  }
0x73: {  	_ =	shalt  }
0x74: {  	_ =	shalt  }
0x75: {  	_ =	shalt  }
0x76: {  	_ =	shalt  }
0x77: {  	_ =	shalt  }
0x78: {  	_ =	shalt  }
0x79: {  	_ =	shalt  }
0x7a: {  	_ =	shalt  }
0x7b: {  	_ =	shalt  }
0x7c: {  	_ =	shalt  }
0x7d: {  	_ =	shalt  }
0x7e: {  	_ =	shalt  }
0x7f: {  	_ =	shalt  }
0x80: {  	_ =	shalt  }
0x81: {  	_ =	shalt  }
0x82: {  	_ =	shalt  }
0x83: {  	_ =	shalt  }
0x84: {  	_ =	shalt  }
0x85: {  	_ =	shalt  }
0x86: {  	_ =	shalt  }
0x87: {  	_ =	shalt  }
.Lfunc_end0:
.L_simem_size_0:
called_computation.2_lowered:
.L_overlay_start_0:
0x88: {  	s2 =	sld [smem:$0x3FD9]  }
0x89: {  	s3 =	sld [smem:$0x3FFE];
	_ =	sdelay $0x1  }
0x8a: {  	s1 =	srdreg.scid  }
0x8b: {  	s0 =	sand.u32 $0x1, s1  }
0x8c: {  	s16 =	sshll.u32 s0, $0xA;
	s2 =	sadd.s32 s3, s2  }
0x8d: {  	s2 =	sadd.s32 s2, s16  }
0x8e: {  	[smem:$0x3FBE] =	sst s2  }
0x8f: {  	_ = 	snop  }
0x90: {  	(tm) =	ssettm $0x1  }
0x91: {  	s17 =	sld [smem:$0x3FFB];
	_ =	sdelay $0x3  }
0x92: {  	_ =	strace s17  }
0x93: {  	s2 =	sld [smem:$0x3FFC];
	_ =	sdelay $0x3  }
0x94: {  	_ =	strace s2  }
0x95: {  	s2 =	sld [smem:$0x3FFD];
	_ =	sdelay $0x3  }
0x96: {  	_ =	strace s2  }
0x97: {  	_ =	strace $0x8FFFFFFF  }
0x98: {  	s18 =	sld [smem:$0x3FDB];
	_ =	sdelay $0x1  }
0x99: {  	s19 =	simm.s32 $_scs_section_size  }
0x9a: {  	s4 =	simm.s32 $_size__tile_overlayer_lowered;
	s5 =	simm.s32 $_tile_overlayer_lowered  }
0x9b: {  	s22 =	simm.s32 $0x1BFF;
	s21 =	sshll.u32 s5, $0x1;
	s2 =	sadd.s32 s19, s18  }
0x9c: {  	s6 =	simm.s32 $0x0;
	s20 =	sshll.u32 s4, $0x1;
	s4 =	sadd.s32 s21, s2  }
0x9d: {  	[timem:s6], [sflag:s22] =	dma.local [hbm:s4], s20  }
0x9e: {  	_ =	swait.ge [sflag:s22], s20  }
0x9f: {  	s3 =	ssub.s32 $0x0, s20;
	[sflag:s22] =	ssyncset.done $0x0  }
0xa0: {  	[sflag:s22] =	ssyncadd.s32 s3;
	_ =	sdelay $0x1  }
0xa1: {  	s23 =	simm.s32 $0x1B8B  }
0xa2: {  	_ =	swait.ge [sflag:s23], $0x1  }
0xa3: {  	[sflag:s23] =	ssyncset.done $0x0  }
0xa4: {  	s25 =	simm.s32 $0x1B8E;
	s24 =	sld [smem:$0x3FFE];
	[sflag:s23] =	ssyncadd.s32 $0xFFFFFFFF  }
0xa5: {  	s26 =	simm.s32 $execute0_lowered;
	[smem:$0x3FD2] =	sst s25  }
0xa6: {  	s4 =	sshll.u32 s26, $0x1;
	_ =	strace $0x8000004C;
	[dreg:$0x1] =	wrdreg $0xFFFFFFFF  }
0xa7: {  	s28 =	simm.s32 $_size_execute0_lowered;
	s2 =	sadd.s32 s2, s4;
	[dreg:$0x0] =	wrdreg $0x0  }
0xa8: {  	s4 =	sshll.u32 s28, $0x1;
	[dreg:$0x2] =	wrdreg s2  }
0xa9: {  	[dreg:$0x3] =	wrdreg s4  }
0xaa: {  	[dreg:$0x4] =	wrdreg $0xC0  }
0xab: {  	_ =	task [dreg:s6], $0x5FFFF  }
0xac: {  	[dreg:$0x1] =	wrdreg $0xFFFFFFFF  }
0xad: {  	[dreg:$0x0] =	wrdreg $0x60  }
0xae: {  	[dreg:$0x2] =	wrdreg s24  }
0xaf: {  	[dreg:$0x3] =	wrdreg $0x90000  }
0xb0: {  	[dreg:$0x4] =	wrdreg $0x9  }
0xb1: {  	_ =	task.clear_ibuf [dreg:s6], $0x5FFFF;
	_ =	strace $0x9000004C  }
0xb2: {  	s29 =	simm.s32 $0x9;
	_ =	strace $0x8000004E  }
0xb3: {  	_ =	swait.ge [sflag:s29], $0x1  }
0xb4: {  	[sflag:s29] =	ssyncadd.s32 $0xFFFFFFFF  }
0xb5: {  	_ =	strace $0x9000004E  }
0xb6: {  	_ =	sfence  }
0xb7: {  	s30 =	sld [smem:$0x0];
	_ =	sdelay $0x2  }
0xb8: {  	s31 =	sshll.u32 s1, $0xD;
	s1 =	sshrl.u32 s1, $0x2  }
0xb9: {  	s3 =	sand.u32 $0x4000, s31;
	s1 =	sadd.s32 s1, s30  }
0xba: {  	s0 =	sor.u32 s3, s0;
	s1 =	sshll.u32 s1, $0x11  }
0xbb: {  	s0 =	sor.u32 s1, s0  }
0xbc: {  	s0 =	sadd.s32 $0x8F2B, s0  }
0xbd: {  	[sflag:s0] =	ssyncadd.remote.s32 $0x1  }
0xbe: {  	_ =	sfence.sel $0xFFFF  }
0xbf: {  	[dreg:$0x0] =	wrdreg $0xFFFFFFFF;
	(pc) =	sbr.abs _section_cstart, $3  }
0xc0: {  	[dreg:$0x1] =	wrdreg $0xFFFFFFFF  }
0xc1: {  	_ =	task.clear_ibuf [dreg:s6], $0x2FFFF;
	_ =	strace $0x9FFFFFFF  }
0xc2: {  	(tm) =	ssettm $0x7FFFFFFF  }
0xc3: {  	_ =	shalt  }
tec
execute0_lowered:
.L_overlay_start_1:
0x0: {  	(tag) =	ssettag $0x1  }
0x1: {  	s0 =	srdreg.scid;
	s5 =	rddreg [dreg:$0x0]  }
0x2: {  	s24 =	stileid.u32;
	s2 =	rddreg [dreg:$0x1]  }
0x3: {  	s28 =	simm.s32 $0x7D;
	s29 =	simm.s32 $0x1;
	s30 =	simm.s32 $0x0  }
0x4: {  	s1 =	sand.u32 $0x1, s0;
	s15 =	smul.u32 $0x278, s24;
	s23 =	sadd.s32 $0x8E200, s5  }
0x5: {  	s26 =	smul.u32 $0x4F000, s24;
	s3 =	sshll.u32 s1, $0x4;
	s25 =	ssub.s32 $0x2, s1  }
0x6: {  	s1 =	smul.u32 $0x2780, s1;
	s4 =	sor.u32 s24, s3;
	s3 =	simm.s32 $0x0  }
0x7: {  	s8 =	sadd.s32 $0x230, s15;
	s9 =	sshrl.u32 s25, $0x1;
	s18 =	sadd.s32 $0x50, s15  }
0x8: {  	s19 =	sadd.s32 $0xA0, s15;
	s20 =	sadd.s32 $0xF0, s15;
	s21 =	sadd.s32 $0x140, s15  }
0x9: {  	s22 =	sadd.s32 $0x190, s15;
	s24 =	sadd.s32 $0x1E0, s15;
	s6 =	smul.u32 $0x5000, s4  }
0xa: {  	[smem:$0x7FF] =	sst s3;
	s4 =	sadd.s32 $0x66A00, s5;
	s10 =	sshll.u32 s8, $0x7  }
0xb: {  	s11 =	ssub.s32 s25, s9;
	s8 =	sadd.s32 s1, s8;
	s9 =	sshrl.u32 s26, $0x2  }
0xc: {  	s12 =	sshll.u32 s18, $0x7;
	s31 =	sshll.u32 s19, $0x7;
	s13 =	sshll.u32 s20, $0x7  }
0xd: {  	s14 =	sshll.u32 s21, $0x7;
	s15 =	sadd.s32 s1, s15;
	s16 =	sshll.u32 s22, $0x7  }
0xe: {  	s17 =	sshll.u32 s24, $0x7;
	s18 =	sadd.s32 s1, s18;
	s19 =	sadd.s32 s1, s19  }
0xf: {  	s20 =	sadd.s32 s1, s20;
	s21 =	sadd.s32 s1, s21;
	s22 =	sadd.s32 s1, s22  }
0x10: {  	s1 =	sadd.s32 s1, s24;
	s24 =	simm.s32 $0x5000;
	_ =	strace $0x8000004D  }
0x11: {  	s8 =	sshll.u32 s8, $0x4;
	s9 =	sadd.s32 s9, s2;
	s13 =	sadd.s32 s13, s2  }
0x12: {  	s14 =	sadd.s32 s14, s2;
	s25 =	sshll.u32 s15, $0x4;
	s15 =	sadd.s32 s16, s2  }
0x13: {  	s16 =	sadd.s32 s17, s2;
	s18 =	sshll.u32 s18, $0x4;
	s19 =	sshll.u32 s19, $0x4  }
0x14: {  	s20 =	sshll.u32 s20, $0x4;
	s21 =	sshll.u32 s21, $0x4;
	s22 =	sshll.u32 s22, $0x4  }
0x15: {  	s1 =	sshll.u32 s1, $0x4;
	s6 =	sshrl.u32 s6, $0x3;
	s8 =	sadd.s32 s23, s8  }
0x16: {  	s17 =	sadd.s32 s23, s25;
	s18 =	sadd.s32 s23, s18;
	s19 =	sadd.s32 s23, s19  }
0x17: {  	s20 =	sadd.s32 s23, s20;
	s21 =	sadd.s32 s23, s21;
	s22 =	sadd.s32 s23, s22  }
0x18: {  	s23 =	sadd.s32 s23, s1;
	s25 =	simm.s32 $0x2;
	s7 =	sadd.s32 s6, s5  }
0x19: {  	s5 =	sadd.s32 s10, s2;
	s10 =	smax.u32 s11, $0x1;
	s11 =	sadd.s32 s12, s2  }
0x1a: {  	v0 =	vimm.f32 $0.0e+00;
	s12 =	sadd.s32 s31, s2;
	s6 =	sadd.s32 $0x3A00, s7;
	s7 =	sadd.s32 $0x3F00, s7  }
.LBB2_1:
0x1b: {  	s31 =	simm.s32 $0x0;
	s1 =	simm.s32 $0x200  }
.LBB2_2:
0x1c: {  	p0 =	sne.s32 s1, $0xF800;
	[tilespmem:s31+$0x5070] =	vst v0  }
0x1d: {  	[tilespmem:s31+$0x5000] =	vst v0  }
0x1e: {  	[tilespmem:s31+$0x5010] =	vst v0  }
.Ltmp0:
0x1f: {  	[tilespmem:s31+$0x5020] =	vst v0;
	(pc) =	sbr.rel @p0 .LBB2_2-.Ltmp0, $4  }
0x20: {  	[tilespmem:s31+$0x5030] =	vst v0  }
0x21: {  	[tilespmem:s31+$0x5040] =	vst v0  }
0x22: {  	[tilespmem:s31+$0x5050] =	vst v0  }
0x23: {  	[tilespmem:s31+$0x5060] =	vst v0;
	s31 =	sshra.s32 s1, $0x2;
	s1 =	sadd.s32 $0x200, s1  }
0x24: {  	[tilespmem:s31+$0x5070] =	vst v0  }
0x25: {  	[tilespmem:s31+$0x5000] =	vst v0  }
0x26: {  	[tilespmem:s31+$0x5010] =	vst v0  }
0x27: {  	[tilespmem:s31+$0x5020] =	vst v0  }
0x28: {  	[tilespmem:s31+$0x5030] =	vst v0  }
0x29: {  	[tilespmem:s31+$0x5040] =	vst v0  }
0x2a: {  	[tilespmem:s31+$0x5050] =	vst v0  }
0x2b: {  	[tilespmem:s31+$0x5060] =	vst v0  }
0x2c: {  	[spmem:s9] =	stream.linear.scatter [tilespmem:s24], [sflag:$0x2], $0x2800, $0x38;
	[tilespmem:$0x1CC00] =	vst v63  }
0x2d: {  	_ =	swait.ge [sflag:s25], $0x2800  }
0x2e: {  	[sflag:s25] =	ssyncset.done $0x0  }
0x2f: {  	[sflag:s25] =	ssyncadd.s32 $0xFFFFD800  }
0x30: {  	[spmem:s11] =	stream.linear.scatter [tilespmem:s24], [sflag:$0x2], $0x2800, $0x38;
	[tilespmem:$0x1CC00] =	vst v63  }
0x31: {  	_ =	swait.ge [sflag:s25], $0x2800  }
0x32: {  	[sflag:s25] =	ssyncset.done $0x0  }
0x33: {  	[sflag:s25] =	ssyncadd.s32 $0xFFFFD800  }
0x34: {  	[spmem:s12] =	stream.linear.scatter [tilespmem:s24], [sflag:$0x2], $0x2800, $0x38;
	[tilespmem:$0x1CC00] =	vst v63  }
0x35: {  	_ =	swait.ge [sflag:s25], $0x2800  }
0x36: {  	[sflag:s25] =	ssyncset.done $0x0  }
0x37: {  	[sflag:s25] =	ssyncadd.s32 $0xFFFFD800  }
0x38: {  	[spmem:s13] =	stream.linear.scatter [tilespmem:s24], [sflag:$0x2], $0x2800, $0x38;
	[tilespmem:$0x1CC00] =	vst v63  }
0x39: {  	_ =	swait.ge [sflag:s25], $0x2800  }
0x3a: {  	[sflag:s25] =	ssyncset.done $0x0  }
0x3b: {  	[sflag:s25] =	ssyncadd.s32 $0xFFFFD800  }
0x3c: {  	[spmem:s14] =	stream.linear.scatter [tilespmem:s24], [sflag:$0x2], $0x2800, $0x38;
	[tilespmem:$0x1CC00] =	vst v63  }
0x3d: {  	_ =	swait.ge [sflag:s25], $0x2800  }
0x3e: {  	[sflag:s25] =	ssyncset.done $0x0  }
0x3f: {  	[sflag:s25] =	ssyncadd.s32 $0xFFFFD800  }
0x40: {  	[spmem:s15] =	stream.linear.scatter [tilespmem:s24], [sflag:$0x2], $0x2800, $0x38;
	[tilespmem:$0x1CC00] =	vst v63  }
0x41: {  	_ =	swait.ge [sflag:s25], $0x2800  }
0x42: {  	[sflag:s25] =	ssyncset.done $0x0  }
0x43: {  	[sflag:s25] =	ssyncadd.s32 $0xFFFFD800  }
0x44: {  	[spmem:s16] =	stream.linear.scatter [tilespmem:s24], [sflag:$0x2], $0x2800, $0x38;
	[tilespmem:$0x1CC00] =	vst v63  }
0x45: {  	_ =	swait.ge [sflag:s25], $0x2800  }
0x46: {  	[sflag:s25] =	ssyncset.done $0x0  }
0x47: {  	[sflag:s25] =	ssyncadd.s32 $0xFFFFD800  }
0x48: {  	[spmem:s5] =	stream.linear.scatter [tilespmem:s24], [sflag:$0x2], $0x2400, $0x38;
	[tilespmem:$0x1CC00] =	vst v63  }
0x49: {  	_ =	swait.ge [sflag:s25], $0x2400  }
0x4a: {  	[sflag:s25] =	ssyncset.done $0x0  }
0x4b: {  	s1 =	simm.s32 $0x0;
	[sflag:s25] =	ssyncadd.s32 $0xFFFFDC00  }
0x4c: {  	[tilespmem:s1], [sflag:$0x2] =	stream.linear.gather [hbm4b:s6+s1], $0x2800, $0x38;
	[tilespmem:$0x1CC00] =	vst v63  }
0x4d: {  	_ =	swait.ge [sflag:s25], $0x2800  }
0x4e: {  	[sflag:s25] =	ssyncset.done $0x0  }
0x4f: {  	s0 =	simm.s32 $0x2800;
	[sflag:s25] =	ssyncadd.s32 $0xFFFFD800  }
0x50: {  	[tilespmem:s0], [sflag:$0x2] =	stream.linear.gather [hbm4b:s7+s1], $0x2800, $0x38;
	[tilespmem:$0x1CC00] =	vst v63  }
0x51: {  	_ =	swait.ge [sflag:s25], $0x2800  }
0x52: {  	[sflag:s25] =	ssyncset.done $0x0  }
0x53: {  	[sflag:s25] =	ssyncadd.s32 $0xFFFFD800  }
0x54: {  	s0 =	simm.s32 $0x0;
	[bflag:$0x0] =	sbarrier.arrive $0xFFFF  }
0x55: {  	[tilespmem:s24], [sflag:$0x1] =	stream.indirect.gather [hbm4b:s4+s28], $0x80, s0, s28, $0xb8;
	[tilespmem:$0x1CC00] =	vst v63  }
0x56: {  	_ =	swait.ge [sflag:s29], $0x3E80  }
0x57: {  	[sflag:s29] =	ssyncset.done $0x0  }
0x58: {  	s26 =	simm.s32 $0x2800;
	[sflag:s29] =	ssyncadd.s32 $0xFFFFC180  }
0x59: {  	[spmem:s2] =	stream.indirect.scatter.add.f32 [tilespmem:s24], [sflag:$0x2], $0x80, s26, s28, $0xb8;
	[tilespmem:$0x1CC00] =	vst v63  }
0x5a: {  	_ =	swait.ge [sflag:s25], $0x3E80  }
0x5b: {  	s31 =	simm.s32 $0x200;
	s1 =	simm.s32 $0x400;
	[sflag:s25] =	ssyncset.done $0x0  }
.LBB2_4:
0x5c: {  	s0 =	sshra.s32 s31, $0x2  }
0x5d: {  	[sflag:s25] =	ssyncadd.s32 $0xFFFFC180;
	s31 =	smov.u32 s1;
	s26 =	sadd.s32 $0x200, s1  }
0x5e: {  	[tilespmem:s24], [sflag:$0x1] =	stream.indirect.gather [hbm4b:s4+s28], $0x80, s0, s28, $0xb8;
	[tilespmem:$0x1CC00] =	vst v63  }
0x5f: {  	p0 =	sne.s32 s1, $0x9E00;
	_ =	swait.ge [sflag:s29], $0x3E80  }
.Ltmp1:
0x60: {  	[sflag:s29] =	ssyncset.done $0x0;
	(pc) =	sbr.rel @p0 .LBB2_4-.Ltmp1, $4  }
0x61: {  	s0 =	sadd.s32 $0x2800, s0;
	[sflag:s29] =	ssyncadd.s32 $0xFFFFC180  }
0x62: {  	[spmem:s2] =	stream.indirect.scatter.add.f32 [tilespmem:s24], [sflag:$0x2], $0x80, s0, s28, $0xb8;
	[tilespmem:$0x1CC00] =	vst v63  }
0x63: {  	_ =	swait.ge [sflag:s25], $0x3E80  }
0x64: {  	s1 =	smov.u32 s26;
	[sflag:s25] =	ssyncset.done $0x0  }
0x65: {  	s0 =	sshra.s32 s31, $0x2;
	[sflag:s25] =	ssyncadd.s32 $0xFFFFC180  }
0x66: {  	[tilespmem:s24], [sflag:$0x1] =	stream.indirect.gather [hbm4b:s4+s28], $0x80, s0, s28, $0xb8;
	[tilespmem:$0x1CC00] =	vst v63  }
0x67: {  	_ =	swait.ge [sflag:s29], $0x3E80  }
0x68: {  	[sflag:s29] =	ssyncset.done $0x0  }
0x69: {  	s0 =	sadd.s32 $0x2800, s0;
	[sflag:s29] =	ssyncadd.s32 $0xFFFFC180  }
0x6a: {  	[spmem:s2] =	stream.indirect.scatter.add.f32 [tilespmem:s24], [sflag:$0x2], $0x80, s0, s28, $0xb8;
	[tilespmem:$0x1CC00] =	vst v63  }
0x6b: {  	_ =	swait.ge [sflag:s25], $0x3E80  }
0x6c: {  	[sflag:s25] =	ssyncset.done $0x0  }
0x6d: {  	[sflag:s25] =	ssyncadd.s32 $0xFFFFC180  }
0x6e: {  	[bflag:$0x0] =	sbarrier.arrive $0xFFFF  }
0x6f: {  	[tilespmem:s24], [sflag:$0x2] =	stream.linear.gather [spmem:s9], $0x2800, $0x38;
	[tilespmem:$0x1CC00] =	vst v63  }
0x70: {  	_ =	swait.ge [sflag:s25], $0x2800  }
0x71: {  	[sflag:s25] =	ssyncset.done $0x0  }
0x72: {  	[sflag:s25] =	ssyncadd.s32 $0xFFFFD800  }
0x73: {  	[hbm4b:s17+s3] =	stream.linear.scatter [tilespmem:s24], [sflag:$0x2], $0x2800, $0x38;
	[tilespmem:$0x1CC00] =	vst v63  }
0x74: {  	_ =	swait.ge [sflag:s25], $0x2800  }
0x75: {  	[sflag:s25] =	ssyncset.done $0x0  }
0x76: {  	[sflag:s25] =	ssyncadd.s32 $0xFFFFD800  }
0x77: {  	[tilespmem:s24], [sflag:$0x2] =	stream.linear.gather [spmem:s11], $0x2800, $0x38;
	[tilespmem:$0x1CC00] =	vst v63  }
0x78: {  	_ =	swait.ge [sflag:s25], $0x2800  }
0x79: {  	[sflag:s25] =	ssyncset.done $0x0  }
0x7a: {  	[sflag:s25] =	ssyncadd.s32 $0xFFFFD800  }
0x7b: {  	[hbm4b:s18+s3] =	stream.linear.scatter [tilespmem:s24], [sflag:$0x2], $0x2800, $0x38;
	[tilespmem:$0x1CC00] =	vst v63  }
0x7c: {  	_ =	swait.ge [sflag:s25], $0x2800  }
0x7d: {  	[sflag:s25] =	ssyncset.done $0x0  }
0x7e: {  	[sflag:s25] =	ssyncadd.s32 $0xFFFFD800  }
0x7f: {  	[tilespmem:s24], [sflag:$0x2] =	stream.linear.gather [spmem:s12], $0x2800, $0x38;
	[tilespmem:$0x1CC00] =	vst v63  }
0x80: {  	_ =	swait.ge [sflag:s25], $0x2800  }
0x81: {  	[sflag:s25] =	ssyncset.done $0x0  }
0x82: {  	[sflag:s25] =	ssyncadd.s32 $0xFFFFD800  }
0x83: {  	[hbm4b:s19+s3] =	stream.linear.scatter [tilespmem:s24], [sflag:$0x2], $0x2800, $0x38;
	[tilespmem:$0x1CC00] =	vst v63  }
0x84: {  	_ =	swait.ge [sflag:s25], $0x2800  }
0x85: {  	[sflag:s25] =	ssyncset.done $0x0  }
0x86: {  	[sflag:s25] =	ssyncadd.s32 $0xFFFFD800  }
0x87: {  	[tilespmem:s24], [sflag:$0x2] =	stream.linear.gather [spmem:s13], $0x2800, $0x38;
	[tilespmem:$0x1CC00] =	vst v63  }
0x88: {  	_ =	swait.ge [sflag:s25], $0x2800  }
0x89: {  	[sflag:s25] =	ssyncset.done $0x0  }
0x8a: {  	[sflag:s25] =	ssyncadd.s32 $0xFFFFD800  }
0x8b: {  	[hbm4b:s20+s3] =	stream.linear.scatter [tilespmem:s24], [sflag:$0x2], $0x2800, $0x38;
	[tilespmem:$0x1CC00] =	vst v63  }
0x8c: {  	_ =	swait.ge [sflag:s25], $0x2800  }
0x8d: {  	[sflag:s25] =	ssyncset.done $0x0  }
0x8e: {  	[sflag:s25] =	ssyncadd.s32 $0xFFFFD800  }
0x8f: {  	[tilespmem:s24], [sflag:$0x2] =	stream.linear.gather [spmem:s14], $0x2800, $0x38;
	[tilespmem:$0x1CC00] =	vst v63  }
0x90: {  	_ =	swait.ge [sflag:s25], $0x2800  }
0x91: {  	[sflag:s25] =	ssyncset.done $0x0  }
0x92: {  	[sflag:s25] =	ssyncadd.s32 $0xFFFFD800  }
0x93: {  	[hbm4b:s21+s3] =	stream.linear.scatter [tilespmem:s24], [sflag:$0x2], $0x2800, $0x38;
	[tilespmem:$0x1CC00] =	vst v63  }
0x94: {  	_ =	swait.ge [sflag:s25], $0x2800  }
0x95: {  	[sflag:s25] =	ssyncset.done $0x0  }
0x96: {  	[sflag:s25] =	ssyncadd.s32 $0xFFFFD800  }
0x97: {  	[tilespmem:s24], [sflag:$0x2] =	stream.linear.gather [spmem:s15], $0x2800, $0x38;
	[tilespmem:$0x1CC00] =	vst v63  }
0x98: {  	_ =	swait.ge [sflag:s25], $0x2800  }
0x99: {  	[sflag:s25] =	ssyncset.done $0x0  }
0x9a: {  	[sflag:s25] =	ssyncadd.s32 $0xFFFFD800  }
0x9b: {  	[hbm4b:s22+s3] =	stream.linear.scatter [tilespmem:s24], [sflag:$0x2], $0x2800, $0x38;
	[tilespmem:$0x1CC00] =	vst v63  }
0x9c: {  	_ =	swait.ge [sflag:s25], $0x2800  }
0x9d: {  	[sflag:s25] =	ssyncset.done $0x0  }
0x9e: {  	[sflag:s25] =	ssyncadd.s32 $0xFFFFD800  }
0x9f: {  	[tilespmem:s24], [sflag:$0x2] =	stream.linear.gather [spmem:s16], $0x2800, $0x38;
	[tilespmem:$0x1CC00] =	vst v63  }
0xa0: {  	_ =	swait.ge [sflag:s25], $0x2800  }
0xa1: {  	[sflag:s25] =	ssyncset.done $0x0  }
0xa2: {  	[sflag:s25] =	ssyncadd.s32 $0xFFFFD800  }
0xa3: {  	[hbm4b:s23+s3] =	stream.linear.scatter [tilespmem:s24], [sflag:$0x2], $0x2800, $0x38;
	[tilespmem:$0x1CC00] =	vst v63  }
0xa4: {  	_ =	swait.ge [sflag:s25], $0x2800  }
0xa5: {  	[sflag:s25] =	ssyncset.done $0x0  }
0xa6: {  	[sflag:s25] =	ssyncadd.s32 $0xFFFFD800  }
0xa7: {  	[tilespmem:s24], [sflag:$0x2] =	stream.linear.gather [spmem:s5], $0x2400, $0x38;
	[tilespmem:$0x1CC00] =	vst v63  }
0xa8: {  	s30 =	sadd.s32 $0x1, s30;
	_ =	swait.ge [sflag:s25], $0x2400  }
0xa9: {  	p0 =	sne.s32 s30, s10;
	[sflag:s25] =	ssyncset.done $0x0  }
.Ltmp2:
0xaa: {  	[sflag:s25] =	ssyncadd.s32 $0xFFFFDC00;
	(pc) =	sbr.rel @p0 .LBB2_1-.Ltmp2, $4  }
0xab: {  	[hbm4b:s8+s3] =	stream.linear.scatter [tilespmem:s24], [sflag:$0x2], $0x2400, $0x38;
	[tilespmem:$0x1CC00] =	vst v63  }
0xac: {  	_ =	swait.ge [sflag:s25], $0x2400  }
0xad: {  	[sflag:s25] =	ssyncset.done $0x0  }
0xae: {  	[sflag:s25] =	ssyncadd.s32 $0xFFFFDC00  }
0xaf: {  	_ =	sfence.sel $0x180000  }
0xb0: {  	[bflag:$0x0] =	sbarrier.arrive $0xFFFF  }
0xb1: {  	_ =	strace $0x9000004D  }
0xb2: {  	s0 =	stileid.u32;
	[bflag:$0x2] =	sbarrier.arrive $0xFFFF  }
0xb3: {  	p0 =	sne.s32 s0, $0x0;
	s0 =	rddreg [dreg:$0x2]  }
0xb4: {  	s0 =	sadd.s32 @!p0 $0x100000, s0  }
0xb5: {  	[sflag:s0] =	ssyncadd.tile.s32 @!p0 $0x1;
	_ =	shalt  }
.Lfunc_end2:
_tile_overlayer_lowered:
.L_overlay_start_2:
0xb6: {  	(tag) =	ssettag $0x2  }
0xb7: {  	s0 =	rddreg [dreg:$0x0];
	s2 =	stileid.u32  }
0xb8: {  	s1 =	rddreg [dreg:$0x1];
	p0 =	sne.s32 s2, $0x0  }
0xb9: {  	s3 =	rddreg [dreg:$0x2];
	[bflag:$0x3] =	sbarrier.arrive $0xFFFF;
	s2 =	simm.s32 @!p0 $0x1C02  }
0xba: {  	[timem:s3], [sflag:s2] =	dma.local @!p0 [hbm:s0], s1  }
0xbb: {  	s0 =	simm.s32 @!p0 $0x2  }
0xbc: {  	_ =	swait.ge @!p0 [sflag:s0], s1  }
0xbd: {  	s1 =	ssub.s32 @!p0 $0x0, s1;
	[sflag:s0] =	ssyncset.done @!p0 $0x0  }
0xbe: {  	[sflag:s0] =	ssyncadd.s32 @!p0 s1  }
0xbf: {  	[bflag:$0x3] =	sbarrier.arrive $0xFFFF  }
0xc0: {  	_ =	shalt  }

// kernel: kernel.19.cloned.1.call-start
scs
__scs_entry_jumppad:
0x0: {  	(pc) =	sbr.rel $0x88, $3  }
0x1: {  	(tag) =	ssettag $0x0;
	lr =	simm.s32 $0x1  }
0x2: {  	[smem:$0x3F97] =	sst lr;
	_ =	strace $0xD0000000  }
0x3: {  	_ = 	snop  }
0x4: {  	_ = 	snop  }
0x5: {  	_ = 	snop  }
0x6: {  	_ = 	snop  }
0x7: {  	_ = 	snop  }
__scs_overlays_trampoline_lowered:
0x8: {  	[smem:$0x3FA6] =	sst s0  }
0x9: {  	[smem:$0x3FA7] =	sst s1  }
0xa: {  	[smem:$0x3FA8] =	sst s2  }
0xb: {  	[smem:$0x3FA9] =	sst s3  }
0xc: {  	[smem:$0x3FAA] =	sst s4  }
0xd: {  	[smem:$0x3FAB] =	sst s5  }
0xe: {  	[smem:$0x3FAC] =	sst s6  }
0xf: {  	[smem:$0x3FAD] =	sst s7  }
0x10: {  	[smem:$0x3FAE] =	sst s8  }
0x11: {  	[smem:$0x3FAF] =	sst s9;
	s0 =	simm.s32 @!p0 $0x0  }
0x12: {  	s1 =	sld [smem:$0x3F95];
	s0 =	simm.s32 @p0 $0x1  }
0x13: {  	[smem:$0x3FB0] =	sst s0;
	s0 =	simm.s32 @!p1 $0x0  }
0x14: {  	s2 =	sld [smem:$0x3F94];
	s0 =	simm.s32 @p1 $0x1  }
0x15: {  	[smem:$0x3FB1] =	sst s0;
	s0 =	simm.s32 @!p2 $0x0  }
0x16: {  	s3 =	sld [smem:$0x3FDB];
	s0 =	simm.s32 @p2 $0x1  }
0x17: {  	s4 =	simm.s32 $0x1BF5;
	[smem:$0x3FB3] =	sst s0  }
0x18: {  	s0 =	sld [smem:$0x3F96];
	_ =	swait.ge [sflag:s4], $0x0  }
0x19: {  	s7 =	sld [smem:$0x3F97]  }
0x1a: {  	s8 =	sadd.s32 $0xFFFFE003, lr  }
0x1b: {  	s9 =	sadd.s32 $0xFFFFFEF7, lr;
	s5 =	simm.s32 $0xFFFFFFFF;
	p2 =	slt.u32 s8, $0xFFFFF086  }
0x1c: {  	p1 =	slt.u32 s9, $0xF7A;
	s5 =	simm.s32 @!p2 $0x0  }
0x1d: {  	s5 =	simm.s32 @p1 $0x1;
	p0 =	seq.s32 s7, s2  }
0x1e: {  	s7 =	smul.u32 @!p0 $0xF7A, s2;
	p2 =	seq.s32 @!p0 s5, $0x0  }
0x1f: {  	s9 =	smul.u32 $0xF7A, s1;
	s8 =	simm.s32 @!p0 $0x1BF5;
	p2 =	por !p2, p0  }
0x20: {  	[sflag:s8] =	ssyncset.s32 @!p0 $0xFFFFF086;
	s6 =	sadd.s32 @!p0 s3, s7;
	s7 =	simm.s32 @!p0 $0x108  }
0x21: {  	s3 =	sadd.s32 s3, s9;
	s6 =	sadd.s32 @!p0 $0x88, s6;
	s7 =	simm.s32 @p2 $0x1082  }
0x22: {  	[simem:s7], [sflag:s8] =	dma.local @!p0 [hbm:s6], $0xF7A  }
0x23: {  	s9 =	sor.u32 $0xD0000000, s2;
	s6 =	simm.s32 $0x108;
	_ =	swait.ge @!p0 [sflag:s8], $0x0  }
0x24: {  	s3 =	sadd.s32 $0x88, s3;
	s6 =	simm.s32 @!p1 $0x1082;
	[sflag:s4] =	ssyncset.s32 $0xFFFFF086  }
0x25: {  	[simem:s6], [sflag:s4] =	dma.local [hbm:s3], $0xF7A  }
0x26: {  	[smem:$0x3F97] =	sst s1;
	(tag) =	ssettag s2;
	_ =	strace s9  }
0x27: {  	s1 =	sld [smem:$0x3FA7]  }
0x28: {  	s2 =	sld [smem:$0x3FA8]  }
0x29: {  	s4 =	sld [smem:$0x3FAA]  }
0x2a: {  	p0 =	seq.s32 s5, $0x0;
	s5 =	sld [smem:$0x3FAB]  }
0x2b: {  	s6 =	sld [smem:$0x3FAC]  }
0x2c: {  	s7 =	sld [smem:$0x3FAD]  }
0x2d: {  	s3 =	simm.s32 $0x108;
	s8 =	sld [smem:$0x3FAE]  }
0x2e: {  	s3 =	simm.s32 @!p0 $0x1082;
	s9 =	sld [smem:$0x3FAF]  }
0x2f: {  	lr =	sadd.s32 s0, s3;
	s0 =	sld [smem:$0x3FA6]  }
0x30: {  	s3 =	sld [smem:$0x3FA9]  }
0x31: {  	[smem:$0x3FB2] =	sst s10  }
0x32: {  	s10 =	sld [smem:$0x3FB0];
	_ =	sdelay $0x3  }
0x33: {  	p0 =	seq.s32 s10, $0x1;
	s10 =	sld [smem:$0x3FB2];
	_ =	sdelay $0x3  }
0x34: {  	[smem:$0x3FB2] =	sst s10  }
0x35: {  	s10 =	sld [smem:$0x3FB1];
	_ =	sdelay $0x3  }
0x36: {  	p1 =	seq.s32 s10, $0x1;
	s10 =	sld [smem:$0x3FB2];
	_ =	sdelay $0x3  }
0x37: {  	[smem:$0x3FB2] =	sst s10  }
0x38: {  	s10 =	sld [smem:$0x3FB3]  }
0x39: {  	_ = 	snop;
	(pc) =	sbr.ind lr, $3  }
0x3a: {  	_ = 	snop  }
0x3b: {  	_ = 	snop  }
0x3c: {  	p2 =	seq.s32 s10, $0x1;
	s10 =	sld [smem:$0x3FB2]  }
0x3d: {  	_ =	shalt  }
0x3e: {  	_ =	shalt  }
0x3f: {  	_ =	shalt  }
0x40: {  	_ =	shalt  }
0x41: {  	_ =	shalt  }
0x42: {  	_ =	shalt  }
0x43: {  	_ =	shalt  }
0x44: {  	_ =	shalt  }
0x45: {  	_ =	shalt  }
0x46: {  	_ =	shalt  }
0x47: {  	_ =	shalt  }
0x48: {  	_ =	shalt  }
0x49: {  	_ =	shalt  }
0x4a: {  	_ =	shalt  }
0x4b: {  	_ =	shalt  }
0x4c: {  	_ =	shalt  }
0x4d: {  	_ =	shalt  }
0x4e: {  	_ =	shalt  }
0x4f: {  	_ =	shalt  }
0x50: {  	_ =	shalt  }
0x51: {  	_ =	shalt  }
0x52: {  	_ =	shalt  }
0x53: {  	_ =	shalt  }
0x54: {  	_ =	shalt  }
0x55: {  	_ =	shalt  }
0x56: {  	_ =	shalt  }
0x57: {  	_ =	shalt  }
0x58: {  	_ =	shalt  }
0x59: {  	_ =	shalt  }
0x5a: {  	_ =	shalt  }
0x5b: {  	_ =	shalt  }
0x5c: {  	_ =	shalt  }
0x5d: {  	_ =	shalt  }
0x5e: {  	_ =	shalt  }
0x5f: {  	_ =	shalt  }
0x60: {  	_ =	shalt  }
0x61: {  	_ =	shalt  }
0x62: {  	_ =	shalt  }
0x63: {  	_ =	shalt  }
0x64: {  	_ =	shalt  }
0x65: {  	_ =	shalt  }
0x66: {  	_ =	shalt  }
0x67: {  	_ =	shalt  }
0x68: {  	_ =	shalt  }
0x69: {  	_ =	shalt  }
0x6a: {  	_ =	shalt  }
0x6b: {  	_ =	shalt  }
0x6c: {  	_ =	shalt  }
0x6d: {  	_ =	shalt  }
0x6e: {  	_ =	shalt  }
0x6f: {  	_ =	shalt  }
0x70: {  	_ =	shalt  }
0x71: {  	_ =	shalt  }
0x72: {  	_ =	shalt  }
0x73: {  	_ =	shalt  }
0x74: {  	_ =	shalt  }
0x75: {  	_ =	shalt  }
0x76: {  	_ =	shalt  }
0x77: {  	_ =	shalt  }
0x78: {  	_ =	shalt  }
0x79: {  	_ =	shalt  }
0x7a: {  	_ =	shalt  }
0x7b: {  	_ =	shalt  }
0x7c: {  	_ =	shalt  }
0x7d: {  	_ =	shalt  }
0x7e: {  	_ =	shalt  }
0x7f: {  	_ =	shalt  }
0x80: {  	_ =	shalt  }
0x81: {  	_ =	shalt  }
0x82: {  	_ =	shalt  }
0x83: {  	_ =	shalt  }
0x84: {  	_ =	shalt  }
0x85: {  	_ =	shalt  }
0x86: {  	_ =	shalt  }
0x87: {  	_ =	shalt  }
.Lfunc_end0:
.L_simem_size_0:
called_computation.3_lowered:
.L_overlay_start_0:
0x88: {  	s2 =	sld [smem:$0x3FD9]  }
0x89: {  	s3 =	sld [smem:$0x3FFE];
	_ =	sdelay $0x1  }
0x8a: {  	s1 =	srdreg.scid  }
0x8b: {  	s0 =	sand.u32 $0x1, s1  }
0x8c: {  	s16 =	sshll.u32 s0, $0xA;
	s2 =	sadd.s32 s3, s2  }
0x8d: {  	s2 =	sadd.s32 s2, s16  }
0x8e: {  	[smem:$0x3FBE] =	sst s2  }
0x8f: {  	_ = 	snop  }
0x90: {  	(tm) =	ssettm $0x1  }
0x91: {  	s17 =	sld [smem:$0x3FFB];
	_ =	sdelay $0x3  }
0x92: {  	_ =	strace s17  }
0x93: {  	s2 =	sld [smem:$0x3FFC];
	_ =	sdelay $0x3  }
0x94: {  	_ =	strace s2  }
0x95: {  	s2 =	sld [smem:$0x3FFD];
	_ =	sdelay $0x3  }
0x96: {  	_ =	strace s2  }
0x97: {  	_ =	strace $0x8FFFFFFF  }
0x98: {  	s18 =	sld [smem:$0x3FDB];
	_ =	sdelay $0x1  }
0x99: {  	s19 =	simm.s32 $_scs_section_size  }
0x9a: {  	s4 =	simm.s32 $_size__tile_overlayer_lowered;
	s5 =	simm.s32 $_tile_overlayer_lowered  }
0x9b: {  	s22 =	simm.s32 $0x1BFF;
	s21 =	sshll.u32 s5, $0x1;
	s2 =	sadd.s32 s19, s18  }
0x9c: {  	s6 =	simm.s32 $0x0;
	s20 =	sshll.u32 s4, $0x1;
	s4 =	sadd.s32 s21, s2  }
0x9d: {  	[timem:s6], [sflag:s22] =	dma.local [hbm:s4], s20  }
0x9e: {  	_ =	swait.ge [sflag:s22], s20  }
0x9f: {  	s3 =	ssub.s32 $0x0, s20;
	[sflag:s22] =	ssyncset.done $0x0  }
0xa0: {  	[sflag:s22] =	ssyncadd.s32 s3;
	_ =	sdelay $0x1  }
0xa1: {  	s23 =	simm.s32 $0x1B8B  }
0xa2: {  	_ =	swait.ge [sflag:s23], $0x1  }
0xa3: {  	[sflag:s23] =	ssyncset.done $0x0  }
0xa4: {  	s25 =	simm.s32 $0x1B8E;
	s24 =	sld [smem:$0x3FFE];
	[sflag:s23] =	ssyncadd.s32 $0xFFFFFFFF  }
0xa5: {  	s26 =	simm.s32 $execute0_lowered;
	[smem:$0x3FD2] =	sst s25  }
0xa6: {  	s4 =	sshll.u32 s26, $0x1;
	_ =	strace $0x8000004F;
	[dreg:$0x1] =	wrdreg $0xFFFFFFFF  }
0xa7: {  	s28 =	simm.s32 $_size_execute0_lowered;
	s2 =	sadd.s32 s2, s4;
	[dreg:$0x0] =	wrdreg $0x0  }
0xa8: {  	s4 =	sshll.u32 s28, $0x1;
	[dreg:$0x2] =	wrdreg s2  }
0xa9: {  	[dreg:$0x3] =	wrdreg s4  }
0xaa: {  	[dreg:$0x4] =	wrdreg $0xC0  }
0xab: {  	_ =	task [dreg:s6], $0x5FFFF  }
0xac: {  	[dreg:$0x1] =	wrdreg $0xFFFFFFFF  }
0xad: {  	[dreg:$0x0] =	wrdreg $0x60  }
0xae: {  	[dreg:$0x2] =	wrdreg s24  }
0xaf: {  	[dreg:$0x3] =	wrdreg $0x90000  }
0xb0: {  	[dreg:$0x4] =	wrdreg $0x9  }
0xb1: {  	_ =	task.clear_ibuf [dreg:s6], $0x5FFFF;
	_ =	strace $0x9000004F  }
0xb2: {  	s29 =	simm.s32 $0x9;
	_ =	strace $0x80000051  }
0xb3: {  	_ =	swait.ge [sflag:s29], $0x1  }
0xb4: {  	[sflag:s29] =	ssyncadd.s32 $0xFFFFFFFF  }
0xb5: {  	_ =	strace $0x90000051  }
0xb6: {  	_ =	sfence  }
0xb7: {  	s30 =	sld [smem:$0x0];
	_ =	sdelay $0x2  }
0xb8: {  	s31 =	sshll.u32 s1, $0xD;
	s1 =	sshrl.u32 s1, $0x2  }
0xb9: {  	s3 =	sand.u32 $0x4000, s31;
	s1 =	sadd.s32 s1, s30  }
0xba: {  	s0 =	sor.u32 s3, s0;
	s1 =	sshll.u32 s1, $0x11  }
0xbb: {  	s0 =	sor.u32 s1, s0  }
0xbc: {  	s0 =	sadd.s32 $0x8F2B, s0  }
0xbd: {  	[sflag:s0] =	ssyncadd.remote.s32 $0x1  }
0xbe: {  	_ =	sfence.sel $0xFFFF  }
0xbf: {  	[dreg:$0x0] =	wrdreg $0xFFFFFFFF;
	(pc) =	sbr.abs _section_cstart, $3  }
0xc0: {  	[dreg:$0x1] =	wrdreg $0xFFFFFFFF  }
0xc1: {  	_ =	task.clear_ibuf [dreg:s6], $0x2FFFF;
	_ =	strace $0x9FFFFFFF  }
0xc2: {  	(tm) =	ssettm $0x7FFFFFFF  }
0xc3: {  	_ =	shalt  }
tec
execute0_lowered:
.L_overlay_start_1:
0x0: {  	(tag) =	ssettag $0x1  }
0x1: {  	s0 =	srdreg.scid;
	s5 =	rddreg [dreg:$0x0]  }
0x2: {  	s24 =	stileid.u32;
	s2 =	rddreg [dreg:$0x1]  }
0x3: {  	s28 =	simm.s32 $0x7D;
	s29 =	simm.s32 $0x1;
	s30 =	simm.s32 $0x0  }
0x4: {  	s1 =	sand.u32 $0x1, s0;
	s15 =	smul.u32 $0x278, s24;
	s23 =	sadd.s32 $0x8E200, s5  }
0x5: {  	s26 =	smul.u32 $0x4F000, s24;
	s3 =	sshll.u32 s1, $0x4;
	s25 =	ssub.s32 $0x2, s1  }
0x6: {  	s1 =	smul.u32 $0x2780, s1;
	s4 =	sor.u32 s24, s3;
	s3 =	simm.s32 $0x0  }
0x7: {  	s8 =	sadd.s32 $0x230, s15;
	s9 =	sshrl.u32 s25, $0x1;
	s18 =	sadd.s32 $0x50, s15  }
0x8: {  	s19 =	sadd.s32 $0xA0, s15;
	s20 =	sadd.s32 $0xF0, s15;
	s21 =	sadd.s32 $0x140, s15  }
0x9: {  	s22 =	sadd.s32 $0x190, s15;
	s24 =	sadd.s32 $0x1E0, s15;
	s6 =	smul.u32 $0x5000, s4  }
0xa: {  	[smem:$0x7FF] =	sst s3;
	s4 =	sadd.s32 $0x66A00, s5;
	s10 =	sshll.u32 s8, $0x7  }
0xb: {  	s11 =	ssub.s32 s25, s9;
	s8 =	sadd.s32 s1, s8;
	s9 =	sshrl.u32 s26, $0x2  }
0xc: {  	s12 =	sshll.u32 s18, $0x7;
	s31 =	sshll.u32 s19, $0x7;
	s13 =	sshll.u32 s20, $0x7  }
0xd: {  	s14 =	sshll.u32 s21, $0x7;
	s15 =	sadd.s32 s1, s15;
	s16 =	sshll.u32 s22, $0x7  }
0xe: {  	s17 =	sshll.u32 s24, $0x7;
	s18 =	sadd.s32 s1, s18;
	s19 =	sadd.s32 s1, s19  }
0xf: {  	s20 =	sadd.s32 s1, s20;
	s21 =	sadd.s32 s1, s21;
	s22 =	sadd.s32 s1, s22  }
0x10: {  	s1 =	sadd.s32 s1, s24;
	s24 =	simm.s32 $0x5000;
	_ =	strace $0x80000050  }
0x11: {  	s8 =	sshll.u32 s8, $0x4;
	s9 =	sadd.s32 s9, s2;
	s13 =	sadd.s32 s13, s2  }
0x12: {  	s14 =	sadd.s32 s14, s2;
	s25 =	sshll.u32 s15, $0x4;
	s15 =	sadd.s32 s16, s2  }
0x13: {  	s16 =	sadd.s32 s17, s2;
	s18 =	sshll.u32 s18, $0x4;
	s19 =	sshll.u32 s19, $0x4  }
0x14: {  	s20 =	sshll.u32 s20, $0x4;
	s21 =	sshll.u32 s21, $0x4;
	s22 =	sshll.u32 s22, $0x4  }
0x15: {  	s1 =	sshll.u32 s1, $0x4;
	s6 =	sshrl.u32 s6, $0x3;
	s8 =	sadd.s32 s23, s8  }
0x16: {  	s17 =	sadd.s32 s23, s25;
	s18 =	sadd.s32 s23, s18;
	s19 =	sadd.s32 s23, s19  }
0x17: {  	s20 =	sadd.s32 s23, s20;
	s21 =	sadd.s32 s23, s21;
	s22 =	sadd.s32 s23, s22  }
0x18: {  	s23 =	sadd.s32 s23, s1;
	s25 =	simm.s32 $0x2;
	s7 =	sadd.s32 s6, s5  }
0x19: {  	s5 =	sadd.s32 s10, s2;
	s10 =	smax.u32 s11, $0x1;
	s11 =	sadd.s32 s12, s2  }
0x1a: {  	v0 =	vimm.f32 $0.0e+00;
	s12 =	sadd.s32 s31, s2;
	s6 =	sadd.s32 $0x3A00, s7;
	s7 =	sadd.s32 $0x3F00, s7  }
.LBB2_1:
0x1b: {  	s31 =	simm.s32 $0x0;
	s1 =	simm.s32 $0x200  }
.LBB2_2:
0x1c: {  	p0 =	sne.s32 s1, $0xF800;
	[tilespmem:s31+$0x5070] =	vst v0  }
0x1d: {  	[tilespmem:s31+$0x5000] =	vst v0  }
0x1e: {  	[tilespmem:s31+$0x5010] =	vst v0  }
.Ltmp0:
0x1f: {  	[tilespmem:s31+$0x5020] =	vst v0;
	(pc) =	sbr.rel @p0 .LBB2_2-.Ltmp0, $4  }
0x20: {  	[tilespmem:s31+$0x5030] =	vst v0  }
0x21: {  	[tilespmem:s31+$0x5040] =	vst v0  }
0x22: {  	[tilespmem:s31+$0x5050] =	vst v0  }
0x23: {  	[tilespmem:s31+$0x5060] =	vst v0;
	s31 =	sshra.s32 s1, $0x2;
	s1 =	sadd.s32 $0x200, s1  }
0x24: {  	[tilespmem:s31+$0x5070] =	vst v0  }
0x25: {  	[tilespmem:s31+$0x5000] =	vst v0  }
0x26: {  	[tilespmem:s31+$0x5010] =	vst v0  }
0x27: {  	[tilespmem:s31+$0x5020] =	vst v0  }
0x28: {  	[tilespmem:s31+$0x5030] =	vst v0  }
0x29: {  	[tilespmem:s31+$0x5040] =	vst v0  }
0x2a: {  	[tilespmem:s31+$0x5050] =	vst v0  }
0x2b: {  	[tilespmem:s31+$0x5060] =	vst v0  }
0x2c: {  	[spmem:s9] =	stream.linear.scatter [tilespmem:s24], [sflag:$0x2], $0x2800, $0x38;
	[tilespmem:$0x1CC00] =	vst v63  }
0x2d: {  	_ =	swait.ge [sflag:s25], $0x2800  }
0x2e: {  	[sflag:s25] =	ssyncset.done $0x0  }
0x2f: {  	[sflag:s25] =	ssyncadd.s32 $0xFFFFD800  }
0x30: {  	[spmem:s11] =	stream.linear.scatter [tilespmem:s24], [sflag:$0x2], $0x2800, $0x38;
	[tilespmem:$0x1CC00] =	vst v63  }
0x31: {  	_ =	swait.ge [sflag:s25], $0x2800  }
0x32: {  	[sflag:s25] =	ssyncset.done $0x0  }
0x33: {  	[sflag:s25] =	ssyncadd.s32 $0xFFFFD800  }
0x34: {  	[spmem:s12] =	stream.linear.scatter [tilespmem:s24], [sflag:$0x2], $0x2800, $0x38;
	[tilespmem:$0x1CC00] =	vst v63  }
0x35: {  	_ =	swait.ge [sflag:s25], $0x2800  }
0x36: {  	[sflag:s25] =	ssyncset.done $0x0  }
0x37: {  	[sflag:s25] =	ssyncadd.s32 $0xFFFFD800  }
0x38: {  	[spmem:s13] =	stream.linear.scatter [tilespmem:s24], [sflag:$0x2], $0x2800, $0x38;
	[tilespmem:$0x1CC00] =	vst v63  }
0x39: {  	_ =	swait.ge [sflag:s25], $0x2800  }
0x3a: {  	[sflag:s25] =	ssyncset.done $0x0  }
0x3b: {  	[sflag:s25] =	ssyncadd.s32 $0xFFFFD800  }
0x3c: {  	[spmem:s14] =	stream.linear.scatter [tilespmem:s24], [sflag:$0x2], $0x2800, $0x38;
	[tilespmem:$0x1CC00] =	vst v63  }
0x3d: {  	_ =	swait.ge [sflag:s25], $0x2800  }
0x3e: {  	[sflag:s25] =	ssyncset.done $0x0  }
0x3f: {  	[sflag:s25] =	ssyncadd.s32 $0xFFFFD800  }
0x40: {  	[spmem:s15] =	stream.linear.scatter [tilespmem:s24], [sflag:$0x2], $0x2800, $0x38;
	[tilespmem:$0x1CC00] =	vst v63  }
0x41: {  	_ =	swait.ge [sflag:s25], $0x2800  }
0x42: {  	[sflag:s25] =	ssyncset.done $0x0  }
0x43: {  	[sflag:s25] =	ssyncadd.s32 $0xFFFFD800  }
0x44: {  	[spmem:s16] =	stream.linear.scatter [tilespmem:s24], [sflag:$0x2], $0x2800, $0x38;
	[tilespmem:$0x1CC00] =	vst v63  }
0x45: {  	_ =	swait.ge [sflag:s25], $0x2800  }
0x46: {  	[sflag:s25] =	ssyncset.done $0x0  }
0x47: {  	[sflag:s25] =	ssyncadd.s32 $0xFFFFD800  }
0x48: {  	[spmem:s5] =	stream.linear.scatter [tilespmem:s24], [sflag:$0x2], $0x2400, $0x38;
	[tilespmem:$0x1CC00] =	vst v63  }
0x49: {  	_ =	swait.ge [sflag:s25], $0x2400  }
0x4a: {  	[sflag:s25] =	ssyncset.done $0x0  }
0x4b: {  	s1 =	simm.s32 $0x0;
	[sflag:s25] =	ssyncadd.s32 $0xFFFFDC00  }
0x4c: {  	[tilespmem:s1], [sflag:$0x2] =	stream.linear.gather [hbm4b:s6+s1], $0x2800, $0x38;
	[tilespmem:$0x1CC00] =	vst v63  }
0x4d: {  	_ =	swait.ge [sflag:s25], $0x2800  }
0x4e: {  	[sflag:s25] =	ssyncset.done $0x0  }
0x4f: {  	s0 =	simm.s32 $0x2800;
	[sflag:s25] =	ssyncadd.s32 $0xFFFFD800  }
0x50: {  	[tilespmem:s0], [sflag:$0x2] =	stream.linear.gather [hbm4b:s7+s1], $0x2800, $0x38;
	[tilespmem:$0x1CC00] =	vst v63  }
0x51: {  	_ =	swait.ge [sflag:s25], $0x2800  }
0x52: {  	[sflag:s25] =	ssyncset.done $0x0  }
0x53: {  	[sflag:s25] =	ssyncadd.s32 $0xFFFFD800  }
0x54: {  	s0 =	simm.s32 $0x0;
	[bflag:$0x0] =	sbarrier.arrive $0xFFFF  }
0x55: {  	[tilespmem:s24], [sflag:$0x1] =	stream.indirect.gather [hbm4b:s4+s28], $0x80, s0, s28, $0xb8;
	[tilespmem:$0x1CC00] =	vst v63  }
0x56: {  	_ =	swait.ge [sflag:s29], $0x3E80  }
0x57: {  	[sflag:s29] =	ssyncset.done $0x0  }
0x58: {  	s26 =	simm.s32 $0x2800;
	[sflag:s29] =	ssyncadd.s32 $0xFFFFC180  }
0x59: {  	[spmem:s2] =	stream.indirect.scatter.add.f32 [tilespmem:s24], [sflag:$0x2], $0x80, s26, s28, $0xb8;
	[tilespmem:$0x1CC00] =	vst v63  }
0x5a: {  	_ =	swait.ge [sflag:s25], $0x3E80  }
0x5b: {  	s31 =	simm.s32 $0x200;
	s1 =	simm.s32 $0x400;
	[sflag:s25] =	ssyncset.done $0x0  }
.LBB2_4:
0x5c: {  	s0 =	sshra.s32 s31, $0x2  }
0x5d: {  	[sflag:s25] =	ssyncadd.s32 $0xFFFFC180;
	s31 =	smov.u32 s1;
	s26 =	sadd.s32 $0x200, s1  }
0x5e: {  	[tilespmem:s24], [sflag:$0x1] =	stream.indirect.gather [hbm4b:s4+s28], $0x80, s0, s28, $0xb8;
	[tilespmem:$0x1CC00] =	vst v63  }
0x5f: {  	p0 =	sne.s32 s1, $0x9E00;
	_ =	swait.ge [sflag:s29], $0x3E80  }
.Ltmp1:
0x60: {  	[sflag:s29] =	ssyncset.done $0x0;
	(pc) =	sbr.rel @p0 .LBB2_4-.Ltmp1, $4  }
0x61: {  	s0 =	sadd.s32 $0x2800, s0;
	[sflag:s29] =	ssyncadd.s32 $0xFFFFC180  }
0x62: {  	[spmem:s2] =	stream.indirect.scatter.add.f32 [tilespmem:s24], [sflag:$0x2], $0x80, s0, s28, $0xb8;
	[tilespmem:$0x1CC00] =	vst v63  }
0x63: {  	_ =	swait.ge [sflag:s25], $0x3E80  }
0x64: {  	s1 =	smov.u32 s26;
	[sflag:s25] =	ssyncset.done $0x0  }
0x65: {  	s0 =	sshra.s32 s31, $0x2;
	[sflag:s25] =	ssyncadd.s32 $0xFFFFC180  }
0x66: {  	[tilespmem:s24], [sflag:$0x1] =	stream.indirect.gather [hbm4b:s4+s28], $0x80, s0, s28, $0xb8;
	[tilespmem:$0x1CC00] =	vst v63  }
0x67: {  	_ =	swait.ge [sflag:s29], $0x3E80  }
0x68: {  	[sflag:s29] =	ssyncset.done $0x0  }
0x69: {  	s0 =	sadd.s32 $0x2800, s0;
	[sflag:s29] =	ssyncadd.s32 $0xFFFFC180  }
0x6a: {  	[spmem:s2] =	stream.indirect.scatter.add.f32 [tilespmem:s24], [sflag:$0x2], $0x80, s0, s28, $0xb8;
	[tilespmem:$0x1CC00] =	vst v63  }
0x6b: {  	_ =	swait.ge [sflag:s25], $0x3E80  }
0x6c: {  	[sflag:s25] =	ssyncset.done $0x0  }
0x6d: {  	[sflag:s25] =	ssyncadd.s32 $0xFFFFC180  }
0x6e: {  	[bflag:$0x0] =	sbarrier.arrive $0xFFFF  }
0x6f: {  	[tilespmem:s24], [sflag:$0x2] =	stream.linear.gather [spmem:s9], $0x2800, $0x38;
	[tilespmem:$0x1CC00] =	vst v63  }
0x70: {  	_ =	swait.ge [sflag:s25], $0x2800  }
0x71: {  	[sflag:s25] =	ssyncset.done $0x0  }
0x72: {  	[sflag:s25] =	ssyncadd.s32 $0xFFFFD800  }
0x73: {  	[hbm4b:s17+s3] =	stream.linear.scatter [tilespmem:s24], [sflag:$0x2], $0x2800, $0x38;
	[tilespmem:$0x1CC00] =	vst v63  }
0x74: {  	_ =	swait.ge [sflag:s25], $0x2800  }
0x75: {  	[sflag:s25] =	ssyncset.done $0x0  }
0x76: {  	[sflag:s25] =	ssyncadd.s32 $0xFFFFD800  }
0x77: {  	[tilespmem:s24], [sflag:$0x2] =	stream.linear.gather [spmem:s11], $0x2800, $0x38;
	[tilespmem:$0x1CC00] =	vst v63  }
0x78: {  	_ =	swait.ge [sflag:s25], $0x2800  }
0x79: {  	[sflag:s25] =	ssyncset.done $0x0  }
0x7a: {  	[sflag:s25] =	ssyncadd.s32 $0xFFFFD800  }
0x7b: {  	[hbm4b:s18+s3] =	stream.linear.scatter [tilespmem:s24], [sflag:$0x2], $0x2800, $0x38;
	[tilespmem:$0x1CC00] =	vst v63  }
0x7c: {  	_ =	swait.ge [sflag:s25], $0x2800  }
0x7d: {  	[sflag:s25] =	ssyncset.done $0x0  }
0x7e: {  	[sflag:s25] =	ssyncadd.s32 $0xFFFFD800  }
0x7f: {  	[tilespmem:s24], [sflag:$0x2] =	stream.linear.gather [spmem:s12], $0x2800, $0x38;
	[tilespmem:$0x1CC00] =	vst v63  }
0x80: {  	_ =	swait.ge [sflag:s25], $0x2800  }
0x81: {  	[sflag:s25] =	ssyncset.done $0x0  }
0x82: {  	[sflag:s25] =	ssyncadd.s32 $0xFFFFD800  }
0x83: {  	[hbm4b:s19+s3] =	stream.linear.scatter [tilespmem:s24], [sflag:$0x2], $0x2800, $0x38;
	[tilespmem:$0x1CC00] =	vst v63  }
0x84: {  	_ =	swait.ge [sflag:s25], $0x2800  }
0x85: {  	[sflag:s25] =	ssyncset.done $0x0  }
0x86: {  	[sflag:s25] =	ssyncadd.s32 $0xFFFFD800  }
0x87: {  	[tilespmem:s24], [sflag:$0x2] =	stream.linear.gather [spmem:s13], $0x2800, $0x38;
	[tilespmem:$0x1CC00] =	vst v63  }
0x88: {  	_ =	swait.ge [sflag:s25], $0x2800  }
0x89: {  	[sflag:s25] =	ssyncset.done $0x0  }
0x8a: {  	[sflag:s25] =	ssyncadd.s32 $0xFFFFD800  }
0x8b: {  	[hbm4b:s20+s3] =	stream.linear.scatter [tilespmem:s24], [sflag:$0x2], $0x2800, $0x38;
	[tilespmem:$0x1CC00] =	vst v63  }
0x8c: {  	_ =	swait.ge [sflag:s25], $0x2800  }
0x8d: {  	[sflag:s25] =	ssyncset.done $0x0  }
0x8e: {  	[sflag:s25] =	ssyncadd.s32 $0xFFFFD800  }
0x8f: {  	[tilespmem:s24], [sflag:$0x2] =	stream.linear.gather [spmem:s14], $0x2800, $0x38;
	[tilespmem:$0x1CC00] =	vst v63  }
0x90: {  	_ =	swait.ge [sflag:s25], $0x2800  }
0x91: {  	[sflag:s25] =	ssyncset.done $0x0  }
0x92: {  	[sflag:s25] =	ssyncadd.s32 $0xFFFFD800  }
0x93: {  	[hbm4b:s21+s3] =	stream.linear.scatter [tilespmem:s24], [sflag:$0x2], $0x2800, $0x38;
	[tilespmem:$0x1CC00] =	vst v63  }
0x94: {  	_ =	swait.ge [sflag:s25], $0x2800  }
0x95: {  	[sflag:s25] =	ssyncset.done $0x0  }
0x96: {  	[sflag:s25] =	ssyncadd.s32 $0xFFFFD800  }
0x97: {  	[tilespmem:s24], [sflag:$0x2] =	stream.linear.gather [spmem:s15], $0x2800, $0x38;
	[tilespmem:$0x1CC00] =	vst v63  }
0x98: {  	_ =	swait.ge [sflag:s25], $0x2800  }
0x99: {  	[sflag:s25] =	ssyncset.done $0x0  }
0x9a: {  	[sflag:s25] =	ssyncadd.s32 $0xFFFFD800  }
0x9b: {  	[hbm4b:s22+s3] =	stream.linear.scatter [tilespmem:s24], [sflag:$0x2], $0x2800, $0x38;
	[tilespmem:$0x1CC00] =	vst v63  }
0x9c: {  	_ =	swait.ge [sflag:s25], $0x2800  }
0x9d: {  	[sflag:s25] =	ssyncset.done $0x0  }
0x9e: {  	[sflag:s25] =	ssyncadd.s32 $0xFFFFD800  }
0x9f: {  	[tilespmem:s24], [sflag:$0x2] =	stream.linear.gather [spmem:s16], $0x2800, $0x38;
	[tilespmem:$0x1CC00] =	vst v63  }
0xa0: {  	_ =	swait.ge [sflag:s25], $0x2800  }
0xa1: {  	[sflag:s25] =	ssyncset.done $0x0  }
0xa2: {  	[sflag:s25] =	ssyncadd.s32 $0xFFFFD800  }
0xa3: {  	[hbm4b:s23+s3] =	stream.linear.scatter [tilespmem:s24], [sflag:$0x2], $0x2800, $0x38;
	[tilespmem:$0x1CC00] =	vst v63  }
0xa4: {  	_ =	swait.ge [sflag:s25], $0x2800  }
0xa5: {  	[sflag:s25] =	ssyncset.done $0x0  }
0xa6: {  	[sflag:s25] =	ssyncadd.s32 $0xFFFFD800  }
0xa7: {  	[tilespmem:s24], [sflag:$0x2] =	stream.linear.gather [spmem:s5], $0x2400, $0x38;
	[tilespmem:$0x1CC00] =	vst v63  }
0xa8: {  	s30 =	sadd.s32 $0x1, s30;
	_ =	swait.ge [sflag:s25], $0x2400  }
0xa9: {  	p0 =	sne.s32 s30, s10;
	[sflag:s25] =	ssyncset.done $0x0  }
.Ltmp2:
0xaa: {  	[sflag:s25] =	ssyncadd.s32 $0xFFFFDC00;
	(pc) =	sbr.rel @p0 .LBB2_1-.Ltmp2, $4  }
0xab: {  	[hbm4b:s8+s3] =	stream.linear.scatter [tilespmem:s24], [sflag:$0x2], $0x2400, $0x38;
	[tilespmem:$0x1CC00] =	vst v63  }
0xac: {  	_ =	swait.ge [sflag:s25], $0x2400  }
0xad: {  	[sflag:s25] =	ssyncset.done $0x0  }
0xae: {  	[sflag:s25] =	ssyncadd.s32 $0xFFFFDC00  }
0xaf: {  	_ =	sfence.sel $0x180000  }
0xb0: {  	[bflag:$0x0] =	sbarrier.arrive $0xFFFF  }
0xb1: {  	_ =	strace $0x90000050  }
0xb2: {  	s0 =	stileid.u32;
	[bflag:$0x2] =	sbarrier.arrive $0xFFFF  }
0xb3: {  	p0 =	sne.s32 s0, $0x0;
	s0 =	rddreg [dreg:$0x2]  }
0xb4: {  	s0 =	sadd.s32 @!p0 $0x100000, s0  }
0xb5: {  	[sflag:s0] =	ssyncadd.tile.s32 @!p0 $0x1;
	_ =	shalt  }
.Lfunc_end2:
_tile_overlayer_lowered:
.L_overlay_start_2:
0xb6: {  	(tag) =	ssettag $0x2  }
0xb7: {  	s0 =	rddreg [dreg:$0x0];
	s2 =	stileid.u32  }
0xb8: {  	s1 =	rddreg [dreg:$0x1];
	p0 =	sne.s32 s2, $0x0  }
0xb9: {  	s3 =	rddreg [dreg:$0x2];
	[bflag:$0x3] =	sbarrier.arrive $0xFFFF;
	s2 =	simm.s32 @!p0 $0x1C02  }
0xba: {  	[timem:s3], [sflag:s2] =	dma.local @!p0 [hbm:s0], s1  }
0xbb: {  	s0 =	simm.s32 @!p0 $0x2  }
0xbc: {  	_ =	swait.ge @!p0 [sflag:s0], s1  }
0xbd: {  	s1 =	ssub.s32 @!p0 $0x0, s1;
	[sflag:s0] =	ssyncset.done @!p0 $0x0  }
0xbe: {  	[sflag:s0] =	ssyncadd.s32 @!p0 s1  }
0xbf: {  	[bflag:$0x3] =	sbarrier.arrive $0xFFFF  }
0xc0: {  	_ =	shalt  }

</sc_bundles>
